<compile_context>
chip_gen: v7x
topology: tpu7x:2x2x1
jax: 0.10.2.dev20260603
libtpu: 0.0.44.dev20260713+nightly
codegen_flags: <defaults>
</compile_context>

<pallas_src>
import functools

import jax
import jax.numpy as jnp
from jax import lax
from jax.experimental import pallas as pl
from jax.experimental.pallas import tpu as pltpu
from jax.experimental.pallas import tpu_sc as plsc

B = 32
N = 2048
NP = 128
PP = 32
ROWS = B * NP * PP
BLK = 2048
GRID = ROWS // BLK
EPS = 1e-5
RN = float(ROWS)


def _trunc_bf16(v):
    bits = plsc.bitcast(v, jnp.int32)
    rounded = bits + 0x7FFF + ((bits >> 16) & 1)
    return plsc.bitcast(rounded & jnp.int32(-65536), jnp.float32)


def _sc_body(xs_h, ys_h, zs_h,
             c_h, p_h,
             xs_v, ys_v, zs_v, dist_v, xb_v, yb_v, zb_v, sp_v,
             cx_v, cy_v, cz_v, cbuf_v, pbuf_v, cand_v):
    w = lax.axis_index("s") * 2 + lax.axis_index("c")
    pltpu.sync_copy(xs_h.at[w], xs_v)
    pltpu.sync_copy(ys_h.at[w], ys_v)
    pltpu.sync_copy(zs_h.at[w], zs_v)

    iota = lax.iota(jnp.int32, 16)
    lane0 = iota == 0
    inf16 = jnp.full((16,), 1e30, jnp.float32)
    ones16 = jnp.full((16,), 1.0, jnp.float32)
    zero16i = jnp.zeros((16,), jnp.int32)

    def init_chunk(c, carry):
        sl = pl.ds(c * 16, 16)
        dist_v[sl] = jnp.full((16,), 1e10, jnp.float32)
        xv = xs_v[sl]
        yv = ys_v[sl]
        zv = zs_v[sl]
        xb_v[sl] = _trunc_bf16(xv)
        yb_v[sl] = _trunc_bf16(yv)
        zb_v[sl] = _trunc_bf16(zv)
        sp_v[sl] = xv * xv + yv * yv + zv * zv
        return carry

    lax.fori_loop(0, N // 16, init_chunk, 0)

    def fps_step(t, far):
        fv = jnp.full((16,), far, jnp.int32)
        cxv = plsc.load_gather(xs_v, [fv])
        cyv = plsc.load_gather(ys_v, [fv])
        czv = plsc.load_gather(zs_v, [fv])
        tv = jnp.full((16,), t, jnp.int32)
        plsc.store_scatter(cx_v, [tv], cxv, mask=lane0)
        plsc.store_scatter(cy_v, [tv], cyv, mask=lane0)
        plsc.store_scatter(cz_v, [tv], czv, mask=lane0)
        t3 = jnp.full((16,), 3 * t, jnp.int32)
        plsc.store_scatter(cbuf_v, [t3], cxv, mask=lane0)
        plsc.store_scatter(cbuf_v, [t3 + 1], cyv, mask=lane0)
        plsc.store_scatter(cbuf_v, [t3 + 2], czv, mask=lane0)

        def chunk(c, carry):
            m, mi = carry
            sl = pl.ds(c * 16, 16)
            dx = xs_v[sl] - cxv
            dy = ys_v[sl] - cyv
            dz = zs_v[sl] - czv
            d = dx * dx + dy * dy + dz * dz
            dn = jnp.minimum(dist_v[sl], d)
            dist_v[sl] = dn
            upd = dn > m
            m = jnp.where(upd, dn, m)
            mi = jnp.where(upd, c * 16 + iota, mi)
            return (m, mi)

        m, mi = lax.fori_loop(0, N // 16, chunk,
                              (jnp.full((16,), -1.0, jnp.float32), zero16i))
        mmax = jnp.max(m)
        cand = jnp.where(m == mmax, mi, N)
        return jnp.min(cand)

    lax.fori_loop(0, NP, fps_step, jnp.int32(0))

    def knn_q(q, carry):
        qv = jnp.full((16,), q, jnp.int32)
        qx = plsc.load_gather(cx_v, [qv])
        qy = plsc.load_gather(cy_v, [qv])
        qz = plsc.load_gather(cz_v, [qv])
        qxb = _trunc_bf16(qx)
        qyb = _trunc_bf16(qy)
        qzb = _trunc_bf16(qz)
        sq = qx * qx + qy * qy + qz * qz

        def pass_a(k, ms):
            new = []
            for r in range(8):
                sl = pl.ds((k * 8 + r) * 16, 16)
                prod = xb_v[sl] * qxb + yb_v[sl] * qyb
                prod = prod + zb_v[sl] * qzb
                d = -2.0 * prod + sq
                d = d + sp_v[sl]
                dist_v[sl] = d
                new.append(jnp.minimum(ms[r], d))
            return tuple(new)

        ms = lax.fori_loop(0, 16, pass_a, (inf16,) * 8)

        t0, t1 = inf16, inf16
        for r in range(8):
            ck = jnp.sort(ms[r])
            lk = jnp.sort(jnp.minimum(t1, lax.rev(ck, (0,))))
            rlk = lax.rev(lk, (0,))
            t0, t1 = (jnp.sort(jnp.minimum(t0, rlk)),
                      jnp.sort(jnp.maximum(t0, rlk)))
        tau = jnp.max(t1)

        cnts = []
        for r in range(8):
            mask = ms[r] <= tau
            plsc.store_compressed(cand_v.at[r], r * 16 + iota, mask=mask)
            cnts.append(jnp.max(plsc.all_reduce_population_count(mask)))

        def make_body(r):
            def body(j, st):
                r0k, r0v, r1k, r1v = st
                bv = plsc.load_gather(
                    cand_v, [jnp.full((16,), r, jnp.int32),
                             jnp.full((16,), j, jnp.int32)])
                pidx = iota * 128 + bv
                dv = plsc.load_gather(dist_v, [pidx])
                ck, cv = plsc.sort_key_val(dv, pidx)
                rck = lax.rev(ck, (0,))
                rcv = lax.rev(cv, (0,))
                sel = r1k <= rck
                lk = jnp.where(sel, r1k, rck)
                lv = jnp.where(sel, r1v, rcv)
                lk, lv = plsc.sort_key_val(lk, lv)
                rlk = lax.rev(lk, (0,))
                rlv = lax.rev(lv, (0,))
                sel2 = r0k <= rlk
                lok = jnp.where(sel2, r0k, rlk)
                lov = jnp.where(sel2, r0v, rlv)
                hik = jnp.where(sel2, rlk, r0k)
                hiv = jnp.where(sel2, rlv, r0v)
                r0k, r0v = plsc.sort_key_val(lok, lov)
                r1k, r1v = plsc.sort_key_val(hik, hiv)
                return (r0k, r0v, r1k, r1v)
            return body

        st = (inf16, zero16i, inf16, zero16i)
        for r in range(8):
            st = lax.fori_loop(0, cnts[r], make_body(r), st)
        r0k, r0v, r1k, r1v = st

        idx0 = q * (PP * 4) + iota * 4
        idx1 = idx0 + 64
        plsc.store_scatter(pbuf_v, [idx0], plsc.load_gather(xs_v, [r0v]) - qx)
        plsc.store_scatter(pbuf_v, [idx1], plsc.load_gather(xs_v, [r1v]) - qx)
        plsc.store_scatter(pbuf_v, [idx0 + 1], plsc.load_gather(ys_v, [r0v]) - qy)
        plsc.store_scatter(pbuf_v, [idx1 + 1], plsc.load_gather(ys_v, [r1v]) - qy)
        plsc.store_scatter(pbuf_v, [idx0 + 2], plsc.load_gather(zs_v, [r0v]) - qz)
        plsc.store_scatter(pbuf_v, [idx1 + 2], plsc.load_gather(zs_v, [r1v]) - qz)
        plsc.store_scatter(pbuf_v, [idx0 + 3], ones16)
        plsc.store_scatter(pbuf_v, [idx1 + 3], ones16)
        return carry

    lax.fori_loop(0, NP, knn_q, 0)

    pltpu.sync_copy(cbuf_v, c_h.at[w])
    pltpu.sync_copy(pbuf_v, p_h.at[w])


_sc_call = functools.partial(
    pl.kernel,
    mesh=plsc.VectorSubcoreMesh(core_axis_name="c", subcore_axis_name="s"),
    compiler_params=pltpu.CompilerParams(needs_layout_passes=False),
    out_type=[
        jax.ShapeDtypeStruct((B, NP * 3), jnp.float32),
        jax.ShapeDtypeStruct((B, NP * PP * 4), jnp.float32),
    ],
    scratch_types=[
        pltpu.VMEM((N,), jnp.float32),
        pltpu.VMEM((N,), jnp.float32),
        pltpu.VMEM((N,), jnp.float32),
        pltpu.VMEM((N,), jnp.float32),
        pltpu.VMEM((N,), jnp.float32),
        pltpu.VMEM((N,), jnp.float32),
        pltpu.VMEM((N,), jnp.float32),
        pltpu.VMEM((N,), jnp.float32),
        pltpu.VMEM((NP,), jnp.float32),
        pltpu.VMEM((NP,), jnp.float32),
        pltpu.VMEM((NP,), jnp.float32),
        pltpu.VMEM((NP * 3,), jnp.float32),
        pltpu.VMEM((NP * PP * 4,), jnp.float32),
        pltpu.VMEM((8, 16), jnp.int32),
    ],
)(_sc_body)


def _dotf(a, b):
    return lax.dot_general(a, b, (((1,), (0,)), ((), ())),
                           preferred_element_type=jnp.float32)


def _mom_body(p_ref, m_ref):
    @pl.when(pl.program_id(0) == 0)
    def _():
        m_ref[...] = jnp.zeros_like(m_ref)

    p = p_ref[...].astype(jnp.bfloat16)
    m_ref[...] += lax.dot_general(p, p, (((0,), (0,)), ((), ())),
                                  preferred_element_type=jnp.float32)


def _a1_of(p_ref, w1_ref, m0_ref, g1_ref, be1_ref):
    w1f = w1_ref[...].astype(jnp.float32)
    m0 = m0_ref[...] / RN
    m1 = jnp.sum(w1f * (m0[:, 3:4]), axis=0, keepdims=True)
    e2 = jnp.sum(w1f * _dotf(m0, w1f), axis=0, keepdims=True)
    v1 = e2 - m1 * m1
    sc1 = g1_ref[0:1, :] / jnp.sqrt(v1 + EPS)
    h1 = _dotf(p_ref[...].astype(jnp.bfloat16), w1_ref[...])
    return jnp.maximum((h1 - m1) * sc1 + be1_ref[0:1, :], 0.0)


def _stat1_body(p_ref, w1_ref, m0_ref, g1_ref, be1_ref, g_ref, s_ref):
    @pl.when(pl.program_id(0) == 0)
    def _():
        g_ref[...] = jnp.zeros_like(g_ref)
        s_ref[...] = jnp.zeros_like(s_ref)

    a1 = _a1_of(p_ref, w1_ref, m0_ref, g1_ref, be1_ref).astype(jnp.bfloat16)
    g_ref[...] += lax.dot_general(a1, a1, (((0,), (0,)), ((), ())),
                                  preferred_element_type=jnp.float32)
    s_ref[...] += jnp.broadcast_to(
        jnp.sum(a1.astype(jnp.float32), axis=0, keepdims=True), s_ref.shape)


def _mlp_body(p_ref, w1_ref, m0_ref, g1_ref, be1_ref,
              w2_ref, b2_ref, g2_ref, be2_ref, gm_ref, sm_ref,
              w3_ref, b3_ref, o_ref):
    a1 = _a1_of(p_ref, w1_ref, m0_ref, g1_ref, be1_ref).astype(jnp.bfloat16)

    w2f = w2_ref[...].astype(jnp.float32)
    b2 = b2_ref[0:1, :]
    t2 = _dotf(sm_ref[0:1, :] / RN, w2f)
    m2 = t2 + b2
    e2b = (jnp.sum(w2f * _dotf(gm_ref[...] / RN, w2f), axis=0, keepdims=True)
           + 2.0 * b2 * t2 + b2 * b2)
    v2 = e2b - m2 * m2
    sc2 = g2_ref[0:1, :] / jnp.sqrt(v2 + EPS)

    h2 = _dotf(a1, w2_ref[...])
    a2 = jnp.maximum((h2 + b2 - m2) * sc2 + be2_ref[0:1, :], 0.0)
    h3 = _dotf(a2.astype(jnp.bfloat16), w3_ref[...]) + b3_ref[0:1, :]
    o_ref[...] = jnp.max(h3.reshape(BLK // PP, PP, h3.shape[-1]), axis=1)


def _row8(v, n):
    return jnp.broadcast_to(v[None, :], (8, n)).astype(jnp.float32)


def _full(shape):
    return pl.BlockSpec(shape, lambda i: tuple(0 for _ in shape))


def _moments(p4):
    return pl.pallas_call(
        _mom_body,
        grid=(GRID,),
        in_specs=[pl.BlockSpec((BLK, 4), lambda i: (i, 0))],
        out_specs=_full((4, 4)),
        out_shape=jax.ShapeDtypeStruct((4, 4), jnp.float32),
    )(p4)


def _stats1(p4, w1b, m0, g1r, be1r):
    return pl.pallas_call(
        _stat1_body,
        grid=(GRID,),
        in_specs=[
            pl.BlockSpec((BLK, 4), lambda i: (i, 0)),
            _full((4, 64)),
            _full((4, 4)),
            _full((8, 64)),
            _full((8, 64)),
        ],
        out_specs=[_full((64, 64)), _full((8, 64))],
        out_shape=[
            jax.ShapeDtypeStruct((64, 64), jnp.float32),
            jax.ShapeDtypeStruct((8, 64), jnp.float32),
        ],
    )(p4, w1b, m0, g1r, be1r)


def _mlp(p4, w1b, m0, g1r, be1r, w2b, b2r, g2r, be2r, gm, sm, w3b, b3r):
    return pl.pallas_call(
        _mlp_body,
        grid=(GRID,),
        in_specs=[
            pl.BlockSpec((BLK, 4), lambda i: (i, 0)),
            _full((4, 64)),
            _full((4, 4)),
            _full((8, 64)),
            _full((8, 64)),
            _full((64, 128)),
            _full((8, 128)),
            _full((8, 128)),
            _full((8, 128)),
            _full((64, 64)),
            _full((8, 64)),
            _full((128, 384)),
            _full((8, 384)),
        ],
        out_specs=pl.BlockSpec((BLK // PP, 384), lambda i: (i, 0)),
        out_shape=jax.ShapeDtypeStruct((ROWS // PP, 384), jnp.float32),
    )(p4, w1b, m0, g1r, be1r, w2b, b2r, g2r, be2r, gm, sm, w3b, b3r)


def kernel(x, W1, b1, g1, be1, W2, b2, g2, be2, W3, b3):
    f32 = jnp.float32
    xs = x[:, :, 0]
    ys = x[:, :, 1]
    zs = x[:, :, 2]
    c_out, p_out = _sc_call(xs, ys, zs)
    center_pos = c_out.reshape(B, NP, 3)
    p4 = p_out.reshape(ROWS, 4)

    w1a = jnp.zeros((4, 64), f32)
    w1a = w1a.at[0:3, :].set(W1.T)
    w1a = w1a.at[3, :].set(b1)
    w1b = w1a.astype(jnp.bfloat16)
    w2b = W2.T.astype(jnp.bfloat16)
    w3b = W3.T.astype(jnp.bfloat16)
    g1r = _row8(g1, 64)
    be1r = _row8(be1, 64)
    b2r = _row8(b2, 128)
    g2r = _row8(g2, 128)
    be2r = _row8(be2, 128)
    b3r = _row8(b3, 384)

    m0 = _moments(p4)
    gm, sm = _stats1(p4, w1b, m0, g1r, be1r)
    out = _mlp(p4, w1b, m0, g1r, be1r, w2b, b2r, g2r, be2r, gm, sm, w3b, b3r)
    emb = out.reshape(B, NP, 384)
    return (emb, center_pos)

# --- scband reference (transcript-rebuilt; emitter-appended) ---
"""Pipeline reference for scband-point-patch-embed-32976758898981 (READ-ONLY COPY).

The authoritative reference and input builder live on the scoring server;
editing this copy changes nothing except your own understanding.
"""

import jax, jax.numpy as jnp
import numpy as np

B, N, C = 32, 2048, 3
NUM_PATCHES = 128
PATCH_POINTS = 32
EMBED_DIM = 384

def square_distance(src, dst):
    d = -2.0 * jnp.matmul(src, jnp.transpose(dst, (0, 2, 1)))
    d = d + jnp.sum(src ** 2, -1)[:, :, None]
    d = d + jnp.sum(dst ** 2, -1)[:, None, :]
    return d

def farthest_point_sample(x, npoint):
    xyz = x[:, :, :3]
    b, n, _ = xyz.shape
    distance = jnp.full((b, n), 1e10, dtype=xyz.dtype)
    farthest = jnp.zeros((b,), dtype=jnp.int32)
    batch_idx = jnp.arange(b)
    cents = []
    for _ in range(npoint):
        cents.append(farthest)
        centroid = xyz[batch_idx, farthest][:, None, :]
        d = jnp.sum((xyz - centroid) ** 2, -1)
        distance = jnp.minimum(distance, d)
        farthest = jnp.argmax(distance, axis=-1).astype(jnp.int32)
    return jnp.stack(cents, axis=1)

def bn(h, g, b, eps=1e-5):
    m = jnp.mean(h, axis=(0, 1), keepdims=True)
    v = jnp.var(h, axis=(0, 1), keepdims=True)
    return g * (h - m) / jnp.sqrt(v + eps) + b

def setup_inputs(seed: int = 0):
    key = jax.random.key(seed)
    ks = jax.random.split(key, 4)
    x = jax.random.normal(ks[0], (B, N, C), dtype=jnp.float32)
    W1 = jax.random.normal(ks[1], (64, C), dtype=jnp.float32) * 0.1
    b1 = jnp.zeros((64,), jnp.float32)
    g1 = jnp.ones((64,), jnp.float32)
    be1 = jnp.zeros((64,), jnp.float32)
    W2 = jax.random.normal(ks[2], (128, 64), dtype=jnp.float32) * 0.05
    b2 = jnp.zeros((128,), jnp.float32)
    g2 = jnp.ones((128,), jnp.float32)
    be2 = jnp.zeros((128,), jnp.float32)
    W3 = jax.random.normal(ks[3], (EMBED_DIM, 128), dtype=jnp.float32) * 0.05
    b3 = jnp.zeros((EMBED_DIM,), jnp.float32)
    return {"x": x, "W1": W1, "b1": b1, "g1": g1, "be1": be1, "W2": W2, "b2": b2, "g2": g2, "be2": be2, "W3": W3, "b3": b3}

def reference(x, W1, b1, g1, be1, W2, b2, g2, be2, W3, b3):
    b, n, c = x.shape
    xyz = x[:, :, :3]
    fps_idx = farthest_point_sample(x, NUM_PATCHES)
    bi = jnp.arange(b)[:, None]
    center_pos = xyz[bi, fps_idx]
    new_x = x[bi, fps_idx]
    sqr = square_distance(new_x[:, :, :3], xyz[:, :, :3])
    _, idx = jax.lax.top_k(-sqr, PATCH_POINTS)
    patches = x[jnp.arange(b)[:, None, None], idx]
    patches = patches.at[:, :, :, :3].add(-center_pos[:, :, None, :])
    pf = patches.reshape(b * NUM_PATCHES, PATCH_POINTS, c)
    h = pf @ W1.T + b1
    h = jax.nn.relu(bn(h, g1, be1))
    h = h @ W2.T + b2
    h = jax.nn.relu(bn(h, g2, be2))
    h = h @ W3.T + b3
    emb = jnp.max(h, axis=1).reshape(b, NUM_PATCHES, EMBED_DIM)
    return (emb, center_pos)

if __name__ == "__main__":
    import jax
    _d = setup_inputs()
    print(jax.jit(kernel)(*tuple(_d.values())))

</pallas_src>

<mosaic_0001>
#map = affine_map<(d0, d1) -> (0, 0)>
module attributes {stable_mosaic.version = 14 : i64} {
  func.func @_sc_body(%arg0: i32, %arg1: i32, %arg2: memref<32x2048xf32, #tpu.memory_space<hbm>>, %arg3: memref<32x2048xf32, #tpu.memory_space<hbm>>, %arg4: memref<32x2048xf32, #tpu.memory_space<hbm>>, %arg5: memref<32x384xf32, #tpu.memory_space<hbm>>, %arg6: memref<32x16384xf32, #tpu.memory_space<hbm>>, %arg7: memref<2048xf32, #tpu.memory_space<vmem>>, %arg8: memref<2048xf32, #tpu.memory_space<vmem>>, %arg9: memref<2048xf32, #tpu.memory_space<vmem>>, %arg10: memref<2048xf32, #tpu.memory_space<vmem>>, %arg11: memref<2048xf32, #tpu.memory_space<vmem>>, %arg12: memref<2048xf32, #tpu.memory_space<vmem>>, %arg13: memref<2048xf32, #tpu.memory_space<vmem>>, %arg14: memref<2048xf32, #tpu.memory_space<vmem>>, %arg15: memref<128xf32, #tpu.memory_space<vmem>>, %arg16: memref<128xf32, #tpu.memory_space<vmem>>, %arg17: memref<128xf32, #tpu.memory_space<vmem>>, %arg18: memref<384xf32, #tpu.memory_space<vmem>>, %arg19: memref<16384xf32, #tpu.memory_space<vmem>>, %arg20: memref<8x16xi32, #tpu.memory_space<vmem>>) attributes {dimension_semantics = [#tpu.dimension_semantics<core_parallel>, #tpu.dimension_semantics<subcore_parallel>], iteration_bounds = array<i64: 2, 16>, scalar_prefetch = 0 : i64, scratch_operands = 14 : i64, tpu.core_type = #tpu.core_type<sc_vector_subcore>, window_params = [{transform_indices = #map}, {transform_indices = #map}, {transform_indices = #map}, {transform_indices = #map}, {transform_indices = #map}]} {
    %mul3A = arith.constant 2 : i32
    %mul3A_0 = arith.muli %arg1, %mul3A : i32
    %add3A = arith.addi %mul3A_0, %arg0 : i32
    "tpu.region"() ({
      %run_scoped3A = tpu.sem_alloc : memref<!tpu.dma_semaphore, #tpu.memory_space<semaphore_mem>>
      %dma_start3A = arith.constant 0 : i32
      %dma_start3A_26 = tpu.memref_slice %arg2[%add3A, %dma_start3A] : memref<32x2048xf32, #tpu.memory_space<hbm>> -> memref<1x2048xf32, #tpu.memory_space<hbm>>
      %dma_start3A_27 = tpu.memref_squeeze %dma_start3A_26 : memref<1x2048xf32, #tpu.memory_space<hbm>> -> memref<2048xf32, #tpu.memory_space<hbm>>
      %dma_start3A_28 = arith.constant 0 : i32
      %dma_start3A_29 = tpu.memref_slice %arg2[%add3A, %dma_start3A_28] : memref<32x2048xf32, #tpu.memory_space<hbm>> -> memref<1x2048xf32, #tpu.memory_space<hbm>>
      %dma_start3A_30 = tpu.memref_squeeze %dma_start3A_29 : memref<1x2048xf32, #tpu.memory_space<hbm>> -> memref<2048xf32, #tpu.memory_space<hbm>>
      tpu.enqueue_dma source(%dma_start3A_30 : memref<2048xf32, #tpu.memory_space<hbm>>) target(%arg7 : memref<2048xf32, #tpu.memory_space<vmem>>) target_semaphore(%run_scoped3A : memref<!tpu.dma_semaphore, #tpu.memory_space<semaphore_mem>>)
      %dma_wait3A = arith.constant 0 : i32
      %dma_wait3A_31 = tpu.memref_slice %arg2[%add3A, %dma_wait3A] : memref<32x2048xf32, #tpu.memory_space<hbm>> -> memref<1x2048xf32, #tpu.memory_space<hbm>>
      %dma_wait3A_32 = tpu.memref_squeeze %dma_wait3A_31 : memref<1x2048xf32, #tpu.memory_space<hbm>> -> memref<2048xf32, #tpu.memory_space<hbm>>
      %dma_wait3A_33 = arith.constant 0 : i32
      %dma_wait3A_34 = tpu.memref_slice %arg2[%add3A, %dma_wait3A_33] : memref<32x2048xf32, #tpu.memory_space<hbm>> -> memref<1x2048xf32, #tpu.memory_space<hbm>>
      %dma_wait3A_35 = tpu.memref_squeeze %dma_wait3A_34 : memref<1x2048xf32, #tpu.memory_space<hbm>> -> memref<2048xf32, #tpu.memory_space<hbm>>
      tpu.wait_dma2 semaphore(%run_scoped3A : memref<!tpu.dma_semaphore, #tpu.memory_space<semaphore_mem>>) src(%dma_wait3A_35 : memref<2048xf32, #tpu.memory_space<hbm>>) dst(%arg7 : memref<2048xf32, #tpu.memory_space<vmem>>)
      tpu.yield
    }) : () -> ()
    "tpu.region"() ({
      %run_scoped3A = tpu.sem_alloc : memref<!tpu.dma_semaphore, #tpu.memory_space<semaphore_mem>>
      %dma_start3A = arith.constant 0 : i32
      %dma_start3A_26 = tpu.memref_slice %arg3[%add3A, %dma_start3A] : memref<32x2048xf32, #tpu.memory_space<hbm>> -> memref<1x2048xf32, #tpu.memory_space<hbm>>
      %dma_start3A_27 = tpu.memref_squeeze %dma_start3A_26 : memref<1x2048xf32, #tpu.memory_space<hbm>> -> memref<2048xf32, #tpu.memory_space<hbm>>
      %dma_start3A_28 = arith.constant 0 : i32
      %dma_start3A_29 = tpu.memref_slice %arg3[%add3A, %dma_start3A_28] : memref<32x2048xf32, #tpu.memory_space<hbm>> -> memref<1x2048xf32, #tpu.memory_space<hbm>>
      %dma_start3A_30 = tpu.memref_squeeze %dma_start3A_29 : memref<1x2048xf32, #tpu.memory_space<hbm>> -> memref<2048xf32, #tpu.memory_space<hbm>>
      tpu.enqueue_dma source(%dma_start3A_30 : memref<2048xf32, #tpu.memory_space<hbm>>) target(%arg8 : memref<2048xf32, #tpu.memory_space<vmem>>) target_semaphore(%run_scoped3A : memref<!tpu.dma_semaphore, #tpu.memory_space<semaphore_mem>>)
      %dma_wait3A = arith.constant 0 : i32
      %dma_wait3A_31 = tpu.memref_slice %arg3[%add3A, %dma_wait3A] : memref<32x2048xf32, #tpu.memory_space<hbm>> -> memref<1x2048xf32, #tpu.memory_space<hbm>>
      %dma_wait3A_32 = tpu.memref_squeeze %dma_wait3A_31 : memref<1x2048xf32, #tpu.memory_space<hbm>> -> memref<2048xf32, #tpu.memory_space<hbm>>
      %dma_wait3A_33 = arith.constant 0 : i32
      %dma_wait3A_34 = tpu.memref_slice %arg3[%add3A, %dma_wait3A_33] : memref<32x2048xf32, #tpu.memory_space<hbm>> -> memref<1x2048xf32, #tpu.memory_space<hbm>>
      %dma_wait3A_35 = tpu.memref_squeeze %dma_wait3A_34 : memref<1x2048xf32, #tpu.memory_space<hbm>> -> memref<2048xf32, #tpu.memory_space<hbm>>
      tpu.wait_dma2 semaphore(%run_scoped3A : memref<!tpu.dma_semaphore, #tpu.memory_space<semaphore_mem>>) src(%dma_wait3A_35 : memref<2048xf32, #tpu.memory_space<hbm>>) dst(%arg8 : memref<2048xf32, #tpu.memory_space<vmem>>)
      tpu.yield
    }) : () -> ()
    "tpu.region"() ({
      %run_scoped3A = tpu.sem_alloc : memref<!tpu.dma_semaphore, #tpu.memory_space<semaphore_mem>>
      %dma_start3A = arith.constant 0 : i32
      %dma_start3A_26 = tpu.memref_slice %arg4[%add3A, %dma_start3A] : memref<32x2048xf32, #tpu.memory_space<hbm>> -> memref<1x2048xf32, #tpu.memory_space<hbm>>
      %dma_start3A_27 = tpu.memref_squeeze %dma_start3A_26 : memref<1x2048xf32, #tpu.memory_space<hbm>> -> memref<2048xf32, #tpu.memory_space<hbm>>
      %dma_start3A_28 = arith.constant 0 : i32
      %dma_start3A_29 = tpu.memref_slice %arg4[%add3A, %dma_start3A_28] : memref<32x2048xf32, #tpu.memory_space<hbm>> -> memref<1x2048xf32, #tpu.memory_space<hbm>>
      %dma_start3A_30 = tpu.memref_squeeze %dma_start3A_29 : memref<1x2048xf32, #tpu.memory_space<hbm>> -> memref<2048xf32, #tpu.memory_space<hbm>>
      tpu.enqueue_dma source(%dma_start3A_30 : memref<2048xf32, #tpu.memory_space<hbm>>) target(%arg9 : memref<2048xf32, #tpu.memory_space<vmem>>) target_semaphore(%run_scoped3A : memref<!tpu.dma_semaphore, #tpu.memory_space<semaphore_mem>>)
      %dma_wait3A = arith.constant 0 : i32
      %dma_wait3A_31 = tpu.memref_slice %arg4[%add3A, %dma_wait3A] : memref<32x2048xf32, #tpu.memory_space<hbm>> -> memref<1x2048xf32, #tpu.memory_space<hbm>>
      %dma_wait3A_32 = tpu.memref_squeeze %dma_wait3A_31 : memref<1x2048xf32, #tpu.memory_space<hbm>> -> memref<2048xf32, #tpu.memory_space<hbm>>
      %dma_wait3A_33 = arith.constant 0 : i32
      %dma_wait3A_34 = tpu.memref_slice %arg4[%add3A, %dma_wait3A_33] : memref<32x2048xf32, #tpu.memory_space<hbm>> -> memref<1x2048xf32, #tpu.memory_space<hbm>>
      %dma_wait3A_35 = tpu.memref_squeeze %dma_wait3A_34 : memref<1x2048xf32, #tpu.memory_space<hbm>> -> memref<2048xf32, #tpu.memory_space<hbm>>
      tpu.wait_dma2 semaphore(%run_scoped3A : memref<!tpu.dma_semaphore, #tpu.memory_space<semaphore_mem>>) src(%dma_wait3A_35 : memref<2048xf32, #tpu.memory_space<hbm>>) dst(%arg9 : memref<2048xf32, #tpu.memory_space<vmem>>)
      tpu.yield
    }) : () -> ()
    %iota3A = tpu.iota {dimensions = array<i32: 0>} : vector<16xi32>
    %eq3A = arith.constant 0 : i32
    %eq3A_1 = vector.broadcast %eq3A : i32 to vector<16xi32>
    %eq3A_2 = arith.cmpi eq, %iota3A, %eq3A_1 : vector<16xi32>
    %broadcast_in_dim3A = arith.constant 1.000000e+30 : f32
    %broadcast_in_dim3A_3 = vector.broadcast %broadcast_in_dim3A : f32 to vector<16xf32>
    %broadcast_in_dim3A_4 = arith.constant 1.000000e+00 : f32
    %broadcast_in_dim3A_5 = vector.broadcast %broadcast_in_dim3A_4 : f32 to vector<16xf32>
    %broadcast_in_dim3A_6 = arith.constant 0 : i32
    %broadcast_in_dim3A_7 = vector.broadcast %broadcast_in_dim3A_6 : i32 to vector<16xi32>
    %scan3A = arith.constant 0 : i32
    %scan3A_8 = arith.constant 0 : i32
    %scan3A_9 = arith.constant 128 : i32
    %scan3A_10 = arith.addi %scan3A_8, %scan3A_9 : i32
    %scan3A_11 = arith.constant 1 : i32
    scf.for %scan3A_26 = %scan3A_8 to %scan3A_10 step %scan3A_11  : i32 {
      %mul3A_27 = arith.constant 16 : i32
      %mul3A_28 = arith.muli %scan3A_26, %mul3A_27 : i32
      %broadcast_in_dim3A_29 = arith.constant 1.000000e+10 : f32
      %broadcast_in_dim3A_30 = vector.broadcast %broadcast_in_dim3A_29 : f32 to vector<16xf32>
      %swap3A = arith.index_cast %mul3A_28 : i32 to index
      %swap3A_31 = tpu.vector_load %arg10[%swap3A] {strides = array<i32>} : memref<2048xf32, #tpu.memory_space<vmem>>, vector<16xf32>,
      tpu.vector_store %arg10[%swap3A], %broadcast_in_dim3A_30 {strides = array<i32>} : memref<2048xf32, #tpu.memory_space<vmem>>, vector<16xf32>,
      %get3A = arith.index_cast %mul3A_28 : i32 to index
      %get3A_32 = tpu.vector_load %arg7[%get3A] {strides = array<i32>} : memref<2048xf32, #tpu.memory_space<vmem>>, vector<16xf32>,
      %get3A_33 = arith.index_cast %mul3A_28 : i32 to index
      %get3A_34 = tpu.vector_load %arg8[%get3A_33] {strides = array<i32>} : memref<2048xf32, #tpu.memory_space<vmem>>, vector<16xf32>,
      %get3A_35 = arith.index_cast %mul3A_28 : i32 to index
      %get3A_36 = tpu.vector_load %arg9[%get3A_35] {strides = array<i32>} : memref<2048xf32, #tpu.memory_space<vmem>>, vector<16xf32>,
      %bitcast3A = vector.bitcast %get3A_32 : vector<16xf32> to vector<16xi32>
      %add3A_37 = arith.constant 32767 : i32
      %add3A_38 = vector.broadcast %add3A_37 : i32 to vector<16xi32>
      %add3A_39 = arith.addi %bitcast3A, %add3A_38 : vector<16xi32>
      %shift_right_arithmetic3A = arith.constant 16 : i32
      %shift_right_arithmetic3A_40 = vector.broadcast %shift_right_arithmetic3A : i32 to vector<16xi32>
      %shift_right_arithmetic3A_41 = arith.shrsi %bitcast3A, %shift_right_arithmetic3A_40 : vector<16xi32>
      %and3A = arith.constant 1 : i32
      %and3A_42 = vector.broadcast %and3A : i32 to vector<16xi32>
      %and3A_43 = arith.andi %shift_right_arithmetic3A_41, %and3A_42 : vector<16xi32>
      %add3A_44 = arith.addi %add3A_39, %and3A_43 : vector<16xi32>
      %and3A_45 = arith.constant -65536 : i32
      %and3A_46 = vector.broadcast %and3A_45 : i32 to vector<16xi32>
      %and3A_47 = arith.andi %add3A_44, %and3A_46 : vector<16xi32>
      %bitcast3A_48 = vector.bitcast %and3A_47 : vector<16xi32> to vector<16xf32>
      %swap3A_49 = arith.index_cast %mul3A_28 : i32 to index
      %swap3A_50 = tpu.vector_load %arg11[%swap3A_49] {strides = array<i32>} : memref<2048xf32, #tpu.memory_space<vmem>>, vector<16xf32>,
      tpu.vector_store %arg11[%swap3A_49], %bitcast3A_48 {strides = array<i32>} : memref<2048xf32, #tpu.memory_space<vmem>>, vector<16xf32>,
      %bitcast3A_51 = vector.bitcast %get3A_34 : vector<16xf32> to vector<16xi32>
      %add3A_52 = arith.constant 32767 : i32
      %add3A_53 = vector.broadcast %add3A_52 : i32 to vector<16xi32>
      %add3A_54 = arith.addi %bitcast3A_51, %add3A_53 : vector<16xi32>
      %shift_right_arithmetic3A_55 = arith.constant 16 : i32
      %shift_right_arithmetic3A_56 = vector.broadcast %shift_right_arithmetic3A_55 : i32 to vector<16xi32>
      %shift_right_arithmetic3A_57 = arith.shrsi %bitcast3A_51, %shift_right_arithmetic3A_56 : vector<16xi32>
      %and3A_58 = arith.constant 1 : i32
      %and3A_59 = vector.broadcast %and3A_58 : i32 to vector<16xi32>
      %and3A_60 = arith.andi %shift_right_arithmetic3A_57, %and3A_59 : vector<16xi32>
      %add3A_61 = arith.addi %add3A_54, %and3A_60 : vector<16xi32>
      %and3A_62 = arith.constant -65536 : i32
      %and3A_63 = vector.broadcast %and3A_62 : i32 to vector<16xi32>
      %and3A_64 = arith.andi %add3A_61, %and3A_63 : vector<16xi32>
      %bitcast3A_65 = vector.bitcast %and3A_64 : vector<16xi32> to vector<16xf32>
      %swap3A_66 = arith.index_cast %mul3A_28 : i32 to index
      %swap3A_67 = tpu.vector_load %arg12[%swap3A_66] {strides = array<i32>} : memref<2048xf32, #tpu.memory_space<vmem>>, vector<16xf32>,
      tpu.vector_store %arg12[%swap3A_66], %bitcast3A_65 {strides = array<i32>} : memref<2048xf32, #tpu.memory_space<vmem>>, vector<16xf32>,
      %bitcast3A_68 = vector.bitcast %get3A_36 : vector<16xf32> to vector<16xi32>
      %add3A_69 = arith.constant 32767 : i32
      %add3A_70 = vector.broadcast %add3A_69 : i32 to vector<16xi32>
      %add3A_71 = arith.addi %bitcast3A_68, %add3A_70 : vector<16xi32>
      %shift_right_arithmetic3A_72 = arith.constant 16 : i32
      %shift_right_arithmetic3A_73 = vector.broadcast %shift_right_arithmetic3A_72 : i32 to vector<16xi32>
      %shift_right_arithmetic3A_74 = arith.shrsi %bitcast3A_68, %shift_right_arithmetic3A_73 : vector<16xi32>
      %and3A_75 = arith.constant 1 : i32
      %and3A_76 = vector.broadcast %and3A_75 : i32 to vector<16xi32>
      %and3A_77 = arith.andi %shift_right_arithmetic3A_74, %and3A_76 : vector<16xi32>
      %add3A_78 = arith.addi %add3A_71, %and3A_77 : vector<16xi32>
      %and3A_79 = arith.constant -65536 : i32
      %and3A_80 = vector.broadcast %and3A_79 : i32 to vector<16xi32>
      %and3A_81 = arith.andi %add3A_78, %and3A_80 : vector<16xi32>
      %bitcast3A_82 = vector.bitcast %and3A_81 : vector<16xi32> to vector<16xf32>
      %swap3A_83 = arith.index_cast %mul3A_28 : i32 to index
      %swap3A_84 = tpu.vector_load %arg13[%swap3A_83] {strides = array<i32>} : memref<2048xf32, #tpu.memory_space<vmem>>, vector<16xf32>,
      tpu.vector_store %arg13[%swap3A_83], %bitcast3A_82 {strides = array<i32>} : memref<2048xf32, #tpu.memory_space<vmem>>, vector<16xf32>,
      %mul3A_85 = arith.mulf %get3A_32, %get3A_32 : vector<16xf32>
      %mul3A_86 = arith.mulf %get3A_34, %get3A_34 : vector<16xf32>
      %add3A_87 = arith.addf %mul3A_85, %mul3A_86 : vector<16xf32>
      %mul3A_88 = arith.mulf %get3A_36, %get3A_36 : vector<16xf32>
      %add3A_89 = arith.addf %add3A_87, %mul3A_88 : vector<16xf32>
      %swap3A_90 = arith.index_cast %mul3A_28 : i32 to index
      %swap3A_91 = tpu.vector_load %arg14[%swap3A_90] {strides = array<i32>} : memref<2048xf32, #tpu.memory_space<vmem>>, vector<16xf32>,
      tpu.vector_store %arg14[%swap3A_90], %add3A_89 {strides = array<i32>} : memref<2048xf32, #tpu.memory_space<vmem>>, vector<16xf32>,
    }
    %scan3A_12 = arith.constant 128 : i32
    %scan3A_13 = arith.constant 0 : i32
    %scan3A_14 = arith.constant 0 : i32
    %scan3A_15 = arith.constant 128 : i32
    %scan3A_16 = arith.addi %scan3A_14, %scan3A_15 : i32
    %scan3A_17 = arith.constant 1 : i32
    %scan3A_18 = scf.for %scan3A_26 = %scan3A_14 to %scan3A_16 step %scan3A_17 iter_args(%scan3A_27 = %scan3A_13) -> (i32)  : i32 {
      %broadcast_in_dim3A_28 = vector.broadcast %scan3A_27 : i32 to vector<16xi32>
      %gather3A = tpu.vector_load_idx %arg7[%broadcast_in_dim3A_28] : memref<2048xf32, #tpu.memory_space<vmem>>[vector<16xi32>], vector<16xf32>,
      %gather3A_29 = tpu.vector_load_idx %arg8[%broadcast_in_dim3A_28] : memref<2048xf32, #tpu.memory_space<vmem>>[vector<16xi32>], vector<16xf32>,
      %gather3A_30 = tpu.vector_load_idx %arg9[%broadcast_in_dim3A_28] : memref<2048xf32, #tpu.memory_space<vmem>>[vector<16xi32>], vector<16xf32>,
      %broadcast_in_dim3A_31 = vector.broadcast %scan3A_26 : i32 to vector<16xi32>
      tpu.vector_store_idx %arg15[%broadcast_in_dim3A_31], %gather3A masked %eq3A_2 : memref<128xf32, #tpu.memory_space<vmem>>[vector<16xi32>], vector<16xf32>, vector<16xi1>
      tpu.vector_store_idx %arg16[%broadcast_in_dim3A_31], %gather3A_29 masked %eq3A_2 : memref<128xf32, #tpu.memory_space<vmem>>[vector<16xi32>], vector<16xf32>, vector<16xi1>
      tpu.vector_store_idx %arg17[%broadcast_in_dim3A_31], %gather3A_30 masked %eq3A_2 : memref<128xf32, #tpu.memory_space<vmem>>[vector<16xi32>], vector<16xf32>, vector<16xi1>
      %mul3A_32 = arith.constant 3 : i32
      %mul3A_33 = arith.muli %mul3A_32, %scan3A_26 : i32
      %broadcast_in_dim3A_34 = vector.broadcast %mul3A_33 : i32 to vector<16xi32>
      tpu.vector_store_idx %arg18[%broadcast_in_dim3A_34], %gather3A masked %eq3A_2 : memref<384xf32, #tpu.memory_space<vmem>>[vector<16xi32>], vector<16xf32>, vector<16xi1>
      %add3A_35 = arith.constant 1 : i32
      %add3A_36 = vector.broadcast %add3A_35 : i32 to vector<16xi32>
      %add3A_37 = arith.addi %broadcast_in_dim3A_34, %add3A_36 : vector<16xi32>
      tpu.vector_store_idx %arg18[%add3A_37], %gather3A_29 masked %eq3A_2 : memref<384xf32, #tpu.memory_space<vmem>>[vector<16xi32>], vector<16xf32>, vector<16xi1>
      %add3A_38 = arith.constant 2 : i32
      %add3A_39 = vector.broadcast %add3A_38 : i32 to vector<16xi32>
      %add3A_40 = arith.addi %broadcast_in_dim3A_34, %add3A_39 : vector<16xi32>
      tpu.vector_store_idx %arg18[%add3A_40], %gather3A_30 masked %eq3A_2 : memref<384xf32, #tpu.memory_space<vmem>>[vector<16xi32>], vector<16xf32>, vector<16xi1>
      %broadcast_in_dim3A_41 = arith.constant -1.000000e+00 : f32
      %broadcast_in_dim3A_42 = vector.broadcast %broadcast_in_dim3A_41 : f32 to vector<16xf32>
      %scan3A_43 = arith.constant 0 : i32
      %scan3A_44 = arith.constant 128 : i32
      %scan3A_45 = arith.addi %scan3A_43, %scan3A_44 : i32
      %scan3A_46 = arith.constant 1 : i32
      %scan3A_47:2 = scf.for %scan3A_62 = %scan3A_43 to %scan3A_45 step %scan3A_46 iter_args(%scan3A_63 = %broadcast_in_dim3A_42, %scan3A_64 = %broadcast_in_dim3A_7) -> (vector<16xf32>, vector<16xi32>)  : i32 {
        %mul3A_65 = arith.constant 16 : i32
        %mul3A_66 = arith.muli %scan3A_62, %mul3A_65 : i32
        %get3A = arith.index_cast %mul3A_66 : i32 to index
        %get3A_67 = tpu.vector_load %arg7[%get3A] {strides = array<i32>} : memref<2048xf32, #tpu.memory_space<vmem>>, vector<16xf32>,
        %sub3A = arith.subf %get3A_67, %gather3A : vector<16xf32>
        %get3A_68 = arith.index_cast %mul3A_66 : i32 to index
        %get3A_69 = tpu.vector_load %arg8[%get3A_68] {strides = array<i32>} : memref<2048xf32, #tpu.memory_space<vmem>>, vector<16xf32>,
        %sub3A_70 = arith.subf %get3A_69, %gather3A_29 : vector<16xf32>
        %get3A_71 = arith.index_cast %mul3A_66 : i32 to index
        %get3A_72 = tpu.vector_load %arg9[%get3A_71] {strides = array<i32>} : memref<2048xf32, #tpu.memory_space<vmem>>, vector<16xf32>,
        %sub3A_73 = arith.subf %get3A_72, %gather3A_30 : vector<16xf32>
        %mul3A_74 = arith.mulf %sub3A, %sub3A : vector<16xf32>
        %mul3A_75 = arith.mulf %sub3A_70, %sub3A_70 : vector<16xf32>
        %add3A_76 = arith.addf %mul3A_74, %mul3A_75 : vector<16xf32>
        %mul3A_77 = arith.mulf %sub3A_73, %sub3A_73 : vector<16xf32>
        %add3A_78 = arith.addf %add3A_76, %mul3A_77 : vector<16xf32>
        %get3A_79 = arith.index_cast %mul3A_66 : i32 to index
        %get3A_80 = tpu.vector_load %arg10[%get3A_79] {strides = array<i32>} : memref<2048xf32, #tpu.memory_space<vmem>>, vector<16xf32>,
        %min3A = arith.minimumf %get3A_80, %add3A_78 : vector<16xf32>
        %swap3A = arith.index_cast %mul3A_66 : i32 to index
        %swap3A_81 = tpu.vector_load %arg10[%swap3A] {strides = array<i32>} : memref<2048xf32, #tpu.memory_space<vmem>>, vector<16xf32>,
        tpu.vector_store %arg10[%swap3A], %min3A {strides = array<i32>} : memref<2048xf32, #tpu.memory_space<vmem>>, vector<16xf32>,
        %gt3A = arith.cmpf ogt, %min3A, %scan3A_63 : vector<16xf32>
        %select_n3A_82 = arith.select %gt3A, %min3A, %scan3A_63 : vector<16xi1>, vector<16xf32>
        %mul3A_83 = arith.constant 16 : i32
        %mul3A_84 = arith.muli %scan3A_62, %mul3A_83 : i32
        %add3A_85 = vector.broadcast %mul3A_84 : i32 to vector<16xi32>
        %add3A_86 = arith.addi %add3A_85, %iota3A : vector<16xi32>
        %select_n3A_87 = arith.select %gt3A, %add3A_86, %scan3A_64 : vector<16xi1>, vector<16xi32>
        scf.yield %select_n3A_82, %select_n3A_87 : vector<16xf32>, vector<16xi32>
      }
      %scan3A_48 = arith.constant 128 : i32
      %reduce_max3A = arith.constant true
      %reduce_max3A_49 = vector.broadcast %reduce_max3A : i1 to vector<16xi1>
      %reduce_max3A_50 = tpu.scan <max>, %scan3A_47#0 masked %reduce_max3A_49 : vector<16xf32>, vector<16xi1> -> vector<16xf32>
      %reduce_max3A_51 = vector.extract %reduce_max3A_50[15] : f32 from vector<16xf32>
      %eq3A_52 = vector.broadcast %reduce_max3A_51 : f32 to vector<16xf32>
      %eq3A_53 = arith.cmpf oeq, %scan3A_47#0, %eq3A_52 : vector<16xf32>
      %jit3A = arith.constant 2048 : i32
      %broadcast_in_dim3A_54 = vector.broadcast %jit3A : i32 to vector<16xi32>
      %select_n3A = arith.select %eq3A_53, %scan3A_47#1, %broadcast_in_dim3A_54 : vector<16xi1>, vector<16xi32>
      %reduce_min3A = arith.constant true
      %reduce_min3A_55 = vector.broadcast %reduce_min3A : i1 to vector<16xi1>
      %reduce_min3A_56 = arith.constant -2147483648 : i32
      %reduce_min3A_57 = vector.broadcast %reduce_min3A_56 : i32 to vector<16xi32>
      %reduce_min3A_58 = arith.xori %select_n3A, %reduce_min3A_57 : vector<16xi32>
      %reduce_min3A_59 = tpu.scan <min>, %reduce_min3A_58 masked %reduce_min3A_55 : vector<16xi32>, vector<16xi1> -> vector<16xi32>
      %reduce_min3A_60 = arith.xori %reduce_min3A_59, %reduce_min3A_57 : vector<16xi32>
      %reduce_min3A_61 = vector.extract %reduce_min3A_60[15] : i32 from vector<16xi32>
      scf.yield %reduce_min3A_61 : i32
    }
    %scan3A_19 = arith.constant 128 : i32
    %scan3A_20 = arith.constant 0 : i32
    %scan3A_21 = arith.constant 0 : i32
    %scan3A_22 = arith.constant 128 : i32
    %scan3A_23 = arith.addi %scan3A_21, %scan3A_22 : i32
    %scan3A_24 = arith.constant 1 : i32
    scf.for %scan3A_26 = %scan3A_21 to %scan3A_23 step %scan3A_24  : i32 {
      %broadcast_in_dim3A_27 = vector.broadcast %scan3A_26 : i32 to vector<16xi32>
      %gather3A = tpu.vector_load_idx %arg15[%broadcast_in_dim3A_27] : memref<128xf32, #tpu.memory_space<vmem>>[vector<16xi32>], vector<16xf32>,
      %gather3A_28 = tpu.vector_load_idx %arg16[%broadcast_in_dim3A_27] : memref<128xf32, #tpu.memory_space<vmem>>[vector<16xi32>], vector<16xf32>,
      %gather3A_29 = tpu.vector_load_idx %arg17[%broadcast_in_dim3A_27] : memref<128xf32, #tpu.memory_space<vmem>>[vector<16xi32>], vector<16xf32>,
      %bitcast3A = vector.bitcast %gather3A : vector<16xf32> to vector<16xi32>
      %add3A_30 = arith.constant 32767 : i32
      %add3A_31 = vector.broadcast %add3A_30 : i32 to vector<16xi32>
      %add3A_32 = arith.addi %bitcast3A, %add3A_31 : vector<16xi32>
      %shift_right_arithmetic3A = arith.constant 16 : i32
      %shift_right_arithmetic3A_33 = vector.broadcast %shift_right_arithmetic3A : i32 to vector<16xi32>
      %shift_right_arithmetic3A_34 = arith.shrsi %bitcast3A, %shift_right_arithmetic3A_33 : vector<16xi32>
      %and3A = arith.constant 1 : i32
      %and3A_35 = vector.broadcast %and3A : i32 to vector<16xi32>
      %and3A_36 = arith.andi %shift_right_arithmetic3A_34, %and3A_35 : vector<16xi32>
      %add3A_37 = arith.addi %add3A_32, %and3A_36 : vector<16xi32>
      %and3A_38 = arith.constant -65536 : i32
      %and3A_39 = vector.broadcast %and3A_38 : i32 to vector<16xi32>
      %and3A_40 = arith.andi %add3A_37, %and3A_39 : vector<16xi32>
      %bitcast3A_41 = vector.bitcast %and3A_40 : vector<16xi32> to vector<16xf32>
      %bitcast3A_42 = vector.bitcast %gather3A_28 : vector<16xf32> to vector<16xi32>
      %add3A_43 = arith.constant 32767 : i32
      %add3A_44 = vector.broadcast %add3A_43 : i32 to vector<16xi32>
      %add3A_45 = arith.addi %bitcast3A_42, %add3A_44 : vector<16xi32>
      %shift_right_arithmetic3A_46 = arith.constant 16 : i32
      %shift_right_arithmetic3A_47 = vector.broadcast %shift_right_arithmetic3A_46 : i32 to vector<16xi32>
      %shift_right_arithmetic3A_48 = arith.shrsi %bitcast3A_42, %shift_right_arithmetic3A_47 : vector<16xi32>
      %and3A_49 = arith.constant 1 : i32
      %and3A_50 = vector.broadcast %and3A_49 : i32 to vector<16xi32>
      %and3A_51 = arith.andi %shift_right_arithmetic3A_48, %and3A_50 : vector<16xi32>
      %add3A_52 = arith.addi %add3A_45, %and3A_51 : vector<16xi32>
      %and3A_53 = arith.constant -65536 : i32
      %and3A_54 = vector.broadcast %and3A_53 : i32 to vector<16xi32>
      %and3A_55 = arith.andi %add3A_52, %and3A_54 : vector<16xi32>
      %bitcast3A_56 = vector.bitcast %and3A_55 : vector<16xi32> to vector<16xf32>
      %bitcast3A_57 = vector.bitcast %gather3A_29 : vector<16xf32> to vector<16xi32>
      %add3A_58 = arith.constant 32767 : i32
      %add3A_59 = vector.broadcast %add3A_58 : i32 to vector<16xi32>
      %add3A_60 = arith.addi %bitcast3A_57, %add3A_59 : vector<16xi32>
      %shift_right_arithmetic3A_61 = arith.constant 16 : i32
      %shift_right_arithmetic3A_62 = vector.broadcast %shift_right_arithmetic3A_61 : i32 to vector<16xi32>
      %shift_right_arithmetic3A_63 = arith.shrsi %bitcast3A_57, %shift_right_arithmetic3A_62 : vector<16xi32>
      %and3A_64 = arith.constant 1 : i32
      %and3A_65 = vector.broadcast %and3A_64 : i32 to vector<16xi32>
      %and3A_66 = arith.andi %shift_right_arithmetic3A_63, %and3A_65 : vector<16xi32>
      %add3A_67 = arith.addi %add3A_60, %and3A_66 : vector<16xi32>
      %and3A_68 = arith.constant -65536 : i32
      %and3A_69 = vector.broadcast %and3A_68 : i32 to vector<16xi32>
      %and3A_70 = arith.andi %add3A_67, %and3A_69 : vector<16xi32>
      %bitcast3A_71 = vector.bitcast %and3A_70 : vector<16xi32> to vector<16xf32>
      %mul3A_72 = arith.mulf %gather3A, %gather3A : vector<16xf32>
      %mul3A_73 = arith.mulf %gather3A_28, %gather3A_28 : vector<16xf32>
      %add3A_74 = arith.addf %mul3A_72, %mul3A_73 : vector<16xf32>
      %mul3A_75 = arith.mulf %gather3A_29, %gather3A_29 : vector<16xf32>
      %add3A_76 = arith.addf %add3A_74, %mul3A_75 : vector<16xf32>
      %scan3A_77 = arith.constant 0 : i32
      %scan3A_78 = arith.constant 16 : i32
      %scan3A_79 = arith.addi %scan3A_77, %scan3A_78 : i32
      %scan3A_80 = arith.constant 1 : i32
      %scan3A_81:8 = scf.for %scan3A_581 = %scan3A_77 to %scan3A_79 step %scan3A_80 iter_args(%scan3A_582 = %broadcast_in_dim3A_3, %scan3A_583 = %broadcast_in_dim3A_3, %scan3A_584 = %broadcast_in_dim3A_3, %scan3A_585 = %broadcast_in_dim3A_3, %scan3A_586 = %broadcast_in_dim3A_3, %scan3A_587 = %broadcast_in_dim3A_3, %scan3A_588 = %broadcast_in_dim3A_3, %scan3A_589 = %broadcast_in_dim3A_3) -> (vector<16xf32>, vector<16xf32>, vector<16xf32>, vector<16xf32>, vector<16xf32>, vector<16xf32>, vector<16xf32>, vector<16xf32>)  : i32 {
        %mul3A_590 = arith.constant 8 : i32
        %mul3A_591 = arith.muli %scan3A_581, %mul3A_590 : i32
        %add3A_592 = arith.constant 0 : i32
        %add3A_593 = arith.addi %mul3A_591, %add3A_592 : i32
        %mul3A_594 = arith.constant 16 : i32
        %mul3A_595 = arith.muli %add3A_593, %mul3A_594 : i32
        %get3A = arith.index_cast %mul3A_595 : i32 to index
        %get3A_596 = tpu.vector_load %arg11[%get3A] {strides = array<i32>} : memref<2048xf32, #tpu.memory_space<vmem>>, vector<16xf32>,
        %mul3A_597 = arith.mulf %get3A_596, %bitcast3A_41 : vector<16xf32>
        %get3A_598 = arith.index_cast %mul3A_595 : i32 to index
        %get3A_599 = tpu.vector_load %arg12[%get3A_598] {strides = array<i32>} : memref<2048xf32, #tpu.memory_space<vmem>>, vector<16xf32>,
        %mul3A_600 = arith.mulf %get3A_599, %bitcast3A_56 : vector<16xf32>
        %add3A_601 = arith.addf %mul3A_597, %mul3A_600 : vector<16xf32>
        %get3A_602 = arith.index_cast %mul3A_595 : i32 to index
        %get3A_603 = tpu.vector_load %arg13[%get3A_602] {strides = array<i32>} : memref<2048xf32, #tpu.memory_space<vmem>>, vector<16xf32>,
        %mul3A_604 = arith.mulf %get3A_603, %bitcast3A_71 : vector<16xf32>
        %add3A_605 = arith.addf %add3A_601, %mul3A_604 : vector<16xf32>
        %mul3A_606 = arith.constant -2.000000e+00 : f32
        %mul3A_607 = vector.broadcast %mul3A_606 : f32 to vector<16xf32>
        %mul3A_608 = arith.mulf %mul3A_607, %add3A_605 : vector<16xf32>
        %add3A_609 = arith.addf %mul3A_608, %add3A_76 : vector<16xf32>
        %get3A_610 = arith.index_cast %mul3A_595 : i32 to index
        %get3A_611 = tpu.vector_load %arg14[%get3A_610] {strides = array<i32>} : memref<2048xf32, #tpu.memory_space<vmem>>, vector<16xf32>,
        %add3A_612 = arith.addf %add3A_609, %get3A_611 : vector<16xf32>
        %swap3A_613 = arith.index_cast %mul3A_595 : i32 to index
        %swap3A_614 = tpu.vector_load %arg10[%swap3A_613] {strides = array<i32>} : memref<2048xf32, #tpu.memory_space<vmem>>, vector<16xf32>,
        tpu.vector_store %arg10[%swap3A_613], %add3A_612 {strides = array<i32>} : memref<2048xf32, #tpu.memory_space<vmem>>, vector<16xf32>,
        %min3A_615 = arith.minimumf %scan3A_582, %add3A_612 : vector<16xf32>
        %mul3A_616 = arith.constant 8 : i32
        %mul3A_617 = arith.muli %scan3A_581, %mul3A_616 : i32
        %add3A_618 = arith.constant 1 : i32
        %add3A_619 = arith.addi %mul3A_617, %add3A_618 : i32
        %mul3A_620 = arith.constant 16 : i32
        %mul3A_621 = arith.muli %add3A_619, %mul3A_620 : i32
        %get3A_622 = arith.index_cast %mul3A_621 : i32 to index
        %get3A_623 = tpu.vector_load %arg11[%get3A_622] {strides = array<i32>} : memref<2048xf32, #tpu.memory_space<vmem>>, vector<16xf32>,
        %mul3A_624 = arith.mulf %get3A_623, %bitcast3A_41 : vector<16xf32>
        %get3A_625 = arith.index_cast %mul3A_621 : i32 to index
        %get3A_626 = tpu.vector_load %arg12[%get3A_625] {strides = array<i32>} : memref<2048xf32, #tpu.memory_space<vmem>>, vector<16xf32>,
        %mul3A_627 = arith.mulf %get3A_626, %bitcast3A_56 : vector<16xf32>
        %add3A_628 = arith.addf %mul3A_624, %mul3A_627 : vector<16xf32>
        %get3A_629 = arith.index_cast %mul3A_621 : i32 to index
        %get3A_630 = tpu.vector_load %arg13[%get3A_629] {strides = array<i32>} : memref<2048xf32, #tpu.memory_space<vmem>>, vector<16xf32>,
        %mul3A_631 = arith.mulf %get3A_630, %bitcast3A_71 : vector<16xf32>
        %add3A_632 = arith.addf %add3A_628, %mul3A_631 : vector<16xf32>
        %mul3A_633 = arith.constant -2.000000e+00 : f32
        %mul3A_634 = vector.broadcast %mul3A_633 : f32 to vector<16xf32>
        %mul3A_635 = arith.mulf %mul3A_634, %add3A_632 : vector<16xf32>
        %add3A_636 = arith.addf %mul3A_635, %add3A_76 : vector<16xf32>
        %get3A_637 = arith.index_cast %mul3A_621 : i32 to index
        %get3A_638 = tpu.vector_load %arg14[%get3A_637] {strides = array<i32>} : memref<2048xf32, #tpu.memory_space<vmem>>, vector<16xf32>,
        %add3A_639 = arith.addf %add3A_636, %get3A_638 : vector<16xf32>
        %swap3A_640 = arith.index_cast %mul3A_621 : i32 to index
        %swap3A_641 = tpu.vector_load %arg10[%swap3A_640] {strides = array<i32>} : memref<2048xf32, #tpu.memory_space<vmem>>, vector<16xf32>,
        tpu.vector_store %arg10[%swap3A_640], %add3A_639 {strides = array<i32>} : memref<2048xf32, #tpu.memory_space<vmem>>, vector<16xf32>,
        %min3A_642 = arith.minimumf %scan3A_583, %add3A_639 : vector<16xf32>
        %mul3A_643 = arith.constant 8 : i32
        %mul3A_644 = arith.muli %scan3A_581, %mul3A_643 : i32
        %add3A_645 = arith.constant 2 : i32
        %add3A_646 = arith.addi %mul3A_644, %add3A_645 : i32
        %mul3A_647 = arith.constant 16 : i32
        %mul3A_648 = arith.muli %add3A_646, %mul3A_647 : i32
        %get3A_649 = arith.index_cast %mul3A_648 : i32 to index
        %get3A_650 = tpu.vector_load %arg11[%get3A_649] {strides = array<i32>} : memref<2048xf32, #tpu.memory_space<vmem>>, vector<16xf32>,
        %mul3A_651 = arith.mulf %get3A_650, %bitcast3A_41 : vector<16xf32>
        %get3A_652 = arith.index_cast %mul3A_648 : i32 to index
        %get3A_653 = tpu.vector_load %arg12[%get3A_652] {strides = array<i32>} : memref<2048xf32, #tpu.memory_space<vmem>>, vector<16xf32>,
        %mul3A_654 = arith.mulf %get3A_653, %bitcast3A_56 : vector<16xf32>
        %add3A_655 = arith.addf %mul3A_651, %mul3A_654 : vector<16xf32>
        %get3A_656 = arith.index_cast %mul3A_648 : i32 to index
        %get3A_657 = tpu.vector_load %arg13[%get3A_656] {strides = array<i32>} : memref<2048xf32, #tpu.memory_space<vmem>>, vector<16xf32>,
        %mul3A_658 = arith.mulf %get3A_657, %bitcast3A_71 : vector<16xf32>
        %add3A_659 = arith.addf %add3A_655, %mul3A_658 : vector<16xf32>
        %mul3A_660 = arith.constant -2.000000e+00 : f32
        %mul3A_661 = vector.broadcast %mul3A_660 : f32 to vector<16xf32>
        %mul3A_662 = arith.mulf %mul3A_661, %add3A_659 : vector<16xf32>
        %add3A_663 = arith.addf %mul3A_662, %add3A_76 : vector<16xf32>
        %get3A_664 = arith.index_cast %mul3A_648 : i32 to index
        %get3A_665 = tpu.vector_load %arg14[%get3A_664] {strides = array<i32>} : memref<2048xf32, #tpu.memory_space<vmem>>, vector<16xf32>,
        %add3A_666 = arith.addf %add3A_663, %get3A_665 : vector<16xf32>
        %swap3A_667 = arith.index_cast %mul3A_648 : i32 to index
        %swap3A_668 = tpu.vector_load %arg10[%swap3A_667] {strides = array<i32>} : memref<2048xf32, #tpu.memory_space<vmem>>, vector<16xf32>,
        tpu.vector_store %arg10[%swap3A_667], %add3A_666 {strides = array<i32>} : memref<2048xf32, #tpu.memory_space<vmem>>, vector<16xf32>,
        %min3A_669 = arith.minimumf %scan3A_584, %add3A_666 : vector<16xf32>
        %mul3A_670 = arith.constant 8 : i32
        %mul3A_671 = arith.muli %scan3A_581, %mul3A_670 : i32
        %add3A_672 = arith.constant 3 : i32
        %add3A_673 = arith.addi %mul3A_671, %add3A_672 : i32
        %mul3A_674 = arith.constant 16 : i32
        %mul3A_675 = arith.muli %add3A_673, %mul3A_674 : i32
        %get3A_676 = arith.index_cast %mul3A_675 : i32 to index
        %get3A_677 = tpu.vector_load %arg11[%get3A_676] {strides = array<i32>} : memref<2048xf32, #tpu.memory_space<vmem>>, vector<16xf32>,
        %mul3A_678 = arith.mulf %get3A_677, %bitcast3A_41 : vector<16xf32>
        %get3A_679 = arith.index_cast %mul3A_675 : i32 to index
        %get3A_680 = tpu.vector_load %arg12[%get3A_679] {strides = array<i32>} : memref<2048xf32, #tpu.memory_space<vmem>>, vector<16xf32>,
        %mul3A_681 = arith.mulf %get3A_680, %bitcast3A_56 : vector<16xf32>
        %add3A_682 = arith.addf %mul3A_678, %mul3A_681 : vector<16xf32>
        %get3A_683 = arith.index_cast %mul3A_675 : i32 to index
        %get3A_684 = tpu.vector_load %arg13[%get3A_683] {strides = array<i32>} : memref<2048xf32, #tpu.memory_space<vmem>>, vector<16xf32>,
        %mul3A_685 = arith.mulf %get3A_684, %bitcast3A_71 : vector<16xf32>
        %add3A_686 = arith.addf %add3A_682, %mul3A_685 : vector<16xf32>
        %mul3A_687 = arith.constant -2.000000e+00 : f32
        %mul3A_688 = vector.broadcast %mul3A_687 : f32 to vector<16xf32>
        %mul3A_689 = arith.mulf %mul3A_688, %add3A_686 : vector<16xf32>
        %add3A_690 = arith.addf %mul3A_689, %add3A_76 : vector<16xf32>
        %get3A_691 = arith.index_cast %mul3A_675 : i32 to index
        %get3A_692 = tpu.vector_load %arg14[%get3A_691] {strides = array<i32>} : memref<2048xf32, #tpu.memory_space<vmem>>, vector<16xf32>,
        %add3A_693 = arith.addf %add3A_690, %get3A_692 : vector<16xf32>
        %swap3A_694 = arith.index_cast %mul3A_675 : i32 to index
        %swap3A_695 = tpu.vector_load %arg10[%swap3A_694] {strides = array<i32>} : memref<2048xf32, #tpu.memory_space<vmem>>, vector<16xf32>,
        tpu.vector_store %arg10[%swap3A_694], %add3A_693 {strides = array<i32>} : memref<2048xf32, #tpu.memory_space<vmem>>, vector<16xf32>,
        %min3A_696 = arith.minimumf %scan3A_585, %add3A_693 : vector<16xf32>
        %mul3A_697 = arith.constant 8 : i32
        %mul3A_698 = arith.muli %scan3A_581, %mul3A_697 : i32
        %add3A_699 = arith.constant 4 : i32
        %add3A_700 = arith.addi %mul3A_698, %add3A_699 : i32
        %mul3A_701 = arith.constant 16 : i32
        %mul3A_702 = arith.muli %add3A_700, %mul3A_701 : i32
        %get3A_703 = arith.index_cast %mul3A_702 : i32 to index
        %get3A_704 = tpu.vector_load %arg11[%get3A_703] {strides = array<i32>} : memref<2048xf32, #tpu.memory_space<vmem>>, vector<16xf32>,
        %mul3A_705 = arith.mulf %get3A_704, %bitcast3A_41 : vector<16xf32>
        %get3A_706 = arith.index_cast %mul3A_702 : i32 to index
        %get3A_707 = tpu.vector_load %arg12[%get3A_706] {strides = array<i32>} : memref<2048xf32, #tpu.memory_space<vmem>>, vector<16xf32>,
        %mul3A_708 = arith.mulf %get3A_707, %bitcast3A_56 : vector<16xf32>
        %add3A_709 = arith.addf %mul3A_705, %mul3A_708 : vector<16xf32>
        %get3A_710 = arith.index_cast %mul3A_702 : i32 to index
        %get3A_711 = tpu.vector_load %arg13[%get3A_710] {strides = array<i32>} : memref<2048xf32, #tpu.memory_space<vmem>>, vector<16xf32>,
        %mul3A_712 = arith.mulf %get3A_711, %bitcast3A_71 : vector<16xf32>
        %add3A_713 = arith.addf %add3A_709, %mul3A_712 : vector<16xf32>
        %mul3A_714 = arith.constant -2.000000e+00 : f32
        %mul3A_715 = vector.broadcast %mul3A_714 : f32 to vector<16xf32>
        %mul3A_716 = arith.mulf %mul3A_715, %add3A_713 : vector<16xf32>
        %add3A_717 = arith.addf %mul3A_716, %add3A_76 : vector<16xf32>
        %get3A_718 = arith.index_cast %mul3A_702 : i32 to index
        %get3A_719 = tpu.vector_load %arg14[%get3A_718] {strides = array<i32>} : memref<2048xf32, #tpu.memory_space<vmem>>, vector<16xf32>,
        %add3A_720 = arith.addf %add3A_717, %get3A_719 : vector<16xf32>
        %swap3A_721 = arith.index_cast %mul3A_702 : i32 to index
        %swap3A_722 = tpu.vector_load %arg10[%swap3A_721] {strides = array<i32>} : memref<2048xf32, #tpu.memory_space<vmem>>, vector<16xf32>,
        tpu.vector_store %arg10[%swap3A_721], %add3A_720 {strides = array<i32>} : memref<2048xf32, #tpu.memory_space<vmem>>, vector<16xf32>,
        %min3A_723 = arith.minimumf %scan3A_586, %add3A_720 : vector<16xf32>
        %mul3A_724 = arith.constant 8 : i32
        %mul3A_725 = arith.muli %scan3A_581, %mul3A_724 : i32
        %add3A_726 = arith.constant 5 : i32
        %add3A_727 = arith.addi %mul3A_725, %add3A_726 : i32
        %mul3A_728 = arith.constant 16 : i32
        %mul3A_729 = arith.muli %add3A_727, %mul3A_728 : i32
        %get3A_730 = arith.index_cast %mul3A_729 : i32 to index
        %get3A_731 = tpu.vector_load %arg11[%get3A_730] {strides = array<i32>} : memref<2048xf32, #tpu.memory_space<vmem>>, vector<16xf32>,
        %mul3A_732 = arith.mulf %get3A_731, %bitcast3A_41 : vector<16xf32>
        %get3A_733 = arith.index_cast %mul3A_729 : i32 to index
        %get3A_734 = tpu.vector_load %arg12[%get3A_733] {strides = array<i32>} : memref<2048xf32, #tpu.memory_space<vmem>>, vector<16xf32>,
        %mul3A_735 = arith.mulf %get3A_734, %bitcast3A_56 : vector<16xf32>
        %add3A_736 = arith.addf %mul3A_732, %mul3A_735 : vector<16xf32>
        %get3A_737 = arith.index_cast %mul3A_729 : i32 to index
        %get3A_738 = tpu.vector_load %arg13[%get3A_737] {strides = array<i32>} : memref<2048xf32, #tpu.memory_space<vmem>>, vector<16xf32>,
        %mul3A_739 = arith.mulf %get3A_738, %bitcast3A_71 : vector<16xf32>
        %add3A_740 = arith.addf %add3A_736, %mul3A_739 : vector<16xf32>
        %mul3A_741 = arith.constant -2.000000e+00 : f32
        %mul3A_742 = vector.broadcast %mul3A_741 : f32 to vector<16xf32>
        %mul3A_743 = arith.mulf %mul3A_742, %add3A_740 : vector<16xf32>
        %add3A_744 = arith.addf %mul3A_743, %add3A_76 : vector<16xf32>
        %get3A_745 = arith.index_cast %mul3A_729 : i32 to index
        %get3A_746 = tpu.vector_load %arg14[%get3A_745] {strides = array<i32>} : memref<2048xf32, #tpu.memory_space<vmem>>, vector<16xf32>,
        %add3A_747 = arith.addf %add3A_744, %get3A_746 : vector<16xf32>
        %swap3A_748 = arith.index_cast %mul3A_729 : i32 to index
        %swap3A_749 = tpu.vector_load %arg10[%swap3A_748] {strides = array<i32>} : memref<2048xf32, #tpu.memory_space<vmem>>, vector<16xf32>,
        tpu.vector_store %arg10[%swap3A_748], %add3A_747 {strides = array<i32>} : memref<2048xf32, #tpu.memory_space<vmem>>, vector<16xf32>,
        %min3A_750 = arith.minimumf %scan3A_587, %add3A_747 : vector<16xf32>
        %mul3A_751 = arith.constant 8 : i32
        %mul3A_752 = arith.muli %scan3A_581, %mul3A_751 : i32
        %add3A_753 = arith.constant 6 : i32
        %add3A_754 = arith.addi %mul3A_752, %add3A_753 : i32
        %mul3A_755 = arith.constant 16 : i32
        %mul3A_756 = arith.muli %add3A_754, %mul3A_755 : i32
        %get3A_757 = arith.index_cast %mul3A_756 : i32 to index
        %get3A_758 = tpu.vector_load %arg11[%get3A_757] {strides = array<i32>} : memref<2048xf32, #tpu.memory_space<vmem>>, vector<16xf32>,
        %mul3A_759 = arith.mulf %get3A_758, %bitcast3A_41 : vector<16xf32>
        %get3A_760 = arith.index_cast %mul3A_756 : i32 to index
        %get3A_761 = tpu.vector_load %arg12[%get3A_760] {strides = array<i32>} : memref<2048xf32, #tpu.memory_space<vmem>>, vector<16xf32>,
        %mul3A_762 = arith.mulf %get3A_761, %bitcast3A_56 : vector<16xf32>
        %add3A_763 = arith.addf %mul3A_759, %mul3A_762 : vector<16xf32>
        %get3A_764 = arith.index_cast %mul3A_756 : i32 to index
        %get3A_765 = tpu.vector_load %arg13[%get3A_764] {strides = array<i32>} : memref<2048xf32, #tpu.memory_space<vmem>>, vector<16xf32>,
        %mul3A_766 = arith.mulf %get3A_765, %bitcast3A_71 : vector<16xf32>
        %add3A_767 = arith.addf %add3A_763, %mul3A_766 : vector<16xf32>
        %mul3A_768 = arith.constant -2.000000e+00 : f32
        %mul3A_769 = vector.broadcast %mul3A_768 : f32 to vector<16xf32>
        %mul3A_770 = arith.mulf %mul3A_769, %add3A_767 : vector<16xf32>
        %add3A_771 = arith.addf %mul3A_770, %add3A_76 : vector<16xf32>
        %get3A_772 = arith.index_cast %mul3A_756 : i32 to index
        %get3A_773 = tpu.vector_load %arg14[%get3A_772] {strides = array<i32>} : memref<2048xf32, #tpu.memory_space<vmem>>, vector<16xf32>,
        %add3A_774 = arith.addf %add3A_771, %get3A_773 : vector<16xf32>
        %swap3A_775 = arith.index_cast %mul3A_756 : i32 to index
        %swap3A_776 = tpu.vector_load %arg10[%swap3A_775] {strides = array<i32>} : memref<2048xf32, #tpu.memory_space<vmem>>, vector<16xf32>,
        tpu.vector_store %arg10[%swap3A_775], %add3A_774 {strides = array<i32>} : memref<2048xf32, #tpu.memory_space<vmem>>, vector<16xf32>,
        %min3A_777 = arith.minimumf %scan3A_588, %add3A_774 : vector<16xf32>
        %mul3A_778 = arith.constant 8 : i32
        %mul3A_779 = arith.muli %scan3A_581, %mul3A_778 : i32
        %add3A_780 = arith.constant 7 : i32
        %add3A_781 = arith.addi %mul3A_779, %add3A_780 : i32
        %mul3A_782 = arith.constant 16 : i32
        %mul3A_783 = arith.muli %add3A_781, %mul3A_782 : i32
        %get3A_784 = arith.index_cast %mul3A_783 : i32 to index
        %get3A_785 = tpu.vector_load %arg11[%get3A_784] {strides = array<i32>} : memref<2048xf32, #tpu.memory_space<vmem>>, vector<16xf32>,
        %mul3A_786 = arith.mulf %get3A_785, %bitcast3A_41 : vector<16xf32>
        %get3A_787 = arith.index_cast %mul3A_783 : i32 to index
        %get3A_788 = tpu.vector_load %arg12[%get3A_787] {strides = array<i32>} : memref<2048xf32, #tpu.memory_space<vmem>>, vector<16xf32>,
        %mul3A_789 = arith.mulf %get3A_788, %bitcast3A_56 : vector<16xf32>
        %add3A_790 = arith.addf %mul3A_786, %mul3A_789 : vector<16xf32>
        %get3A_791 = arith.index_cast %mul3A_783 : i32 to index
        %get3A_792 = tpu.vector_load %arg13[%get3A_791] {strides = array<i32>} : memref<2048xf32, #tpu.memory_space<vmem>>, vector<16xf32>,
        %mul3A_793 = arith.mulf %get3A_792, %bitcast3A_71 : vector<16xf32>
        %add3A_794 = arith.addf %add3A_790, %mul3A_793 : vector<16xf32>
        %mul3A_795 = arith.constant -2.000000e+00 : f32
        %mul3A_796 = vector.broadcast %mul3A_795 : f32 to vector<16xf32>
        %mul3A_797 = arith.mulf %mul3A_796, %add3A_794 : vector<16xf32>
        %add3A_798 = arith.addf %mul3A_797, %add3A_76 : vector<16xf32>
        %get3A_799 = arith.index_cast %mul3A_783 : i32 to index
        %get3A_800 = tpu.vector_load %arg14[%get3A_799] {strides = array<i32>} : memref<2048xf32, #tpu.memory_space<vmem>>, vector<16xf32>,
        %add3A_801 = arith.addf %add3A_798, %get3A_800 : vector<16xf32>
        %swap3A_802 = arith.index_cast %mul3A_783 : i32 to index
        %swap3A_803 = tpu.vector_load %arg10[%swap3A_802] {strides = array<i32>} : memref<2048xf32, #tpu.memory_space<vmem>>, vector<16xf32>,
        tpu.vector_store %arg10[%swap3A_802], %add3A_801 {strides = array<i32>} : memref<2048xf32, #tpu.memory_space<vmem>>, vector<16xf32>,
        %min3A_804 = arith.minimumf %scan3A_589, %add3A_801 : vector<16xf32>
        scf.yield %min3A_615, %min3A_642, %min3A_669, %min3A_696, %min3A_723, %min3A_750, %min3A_777, %min3A_804 : vector<16xf32>, vector<16xf32>, vector<16xf32>, vector<16xf32>, vector<16xf32>, vector<16xf32>, vector<16xf32>, vector<16xf32>
      }
      %scan3A_82 = arith.constant 16 : i32
      %sort3A = arith.constant dense<true> : vector<16xi1>
      %sort3A_83, %sort3A_84, %sort3A_85 = tpu.sort %scan3A_81#0, %scan3A_81#0 masked %sort3A : (vector<16xf32>, vector<16xf32>, vector<16xi1>) -> (vector<16xi1>, vector<16xf32>, vector<16xf32>)
      %rev3A = arith.constant 15 : i32
      %rev3A_86 = vector.broadcast %rev3A : i32 to vector<16xi32>
      %rev3A_87 = tpu.iota {dimensions = array<i32: 0>} : vector<16xi32>
      %rev3A_88 = arith.subi %rev3A_86, %rev3A_87 : vector<16xi32>
      %rev3A_89 = tpu.dynamic_gather %sort3A_84[%rev3A_88] in [0] : vector<16xf32>, vector<16xi32> -> vector<16xf32>
      %min3A = arith.minimumf %broadcast_in_dim3A_3, %rev3A_89 : vector<16xf32>
      %sort3A_90 = arith.constant dense<true> : vector<16xi1>
      %sort3A_91, %sort3A_92, %sort3A_93 = tpu.sort %min3A, %min3A masked %sort3A_90 : (vector<16xf32>, vector<16xf32>, vector<16xi1>) -> (vector<16xi1>, vector<16xf32>, vector<16xf32>)
      %rev3A_94 = arith.constant 15 : i32
      %rev3A_95 = vector.broadcast %rev3A_94 : i32 to vector<16xi32>
      %rev3A_96 = tpu.iota {dimensions = array<i32: 0>} : vector<16xi32>
      %rev3A_97 = arith.subi %rev3A_95, %rev3A_96 : vector<16xi32>
      %rev3A_98 = tpu.dynamic_gather %sort3A_92[%rev3A_97] in [0] : vector<16xf32>, vector<16xi32> -> vector<16xf32>
      %min3A_99 = arith.minimumf %broadcast_in_dim3A_3, %rev3A_98 : vector<16xf32>
      %sort3A_100 = arith.constant dense<true> : vector<16xi1>
      %sort3A_101, %sort3A_102, %sort3A_103 = tpu.sort %min3A_99, %min3A_99 masked %sort3A_100 : (vector<16xf32>, vector<16xf32>, vector<16xi1>) -> (vector<16xi1>, vector<16xf32>, vector<16xf32>)
      %max3A = arith.maximumf %broadcast_in_dim3A_3, %rev3A_98 : vector<16xf32>
      %sort3A_104 = arith.constant dense<true> : vector<16xi1>
      %sort3A_105, %sort3A_106, %sort3A_107 = tpu.sort %max3A, %max3A masked %sort3A_104 : (vector<16xf32>, vector<16xf32>, vector<16xi1>) -> (vector<16xi1>, vector<16xf32>, vector<16xf32>)
      %sort3A_108 = arith.constant dense<true> : vector<16xi1>
      %sort3A_109, %sort3A_110, %sort3A_111 = tpu.sort %scan3A_81#1, %scan3A_81#1 masked %sort3A_108 : (vector<16xf32>, vector<16xf32>, vector<16xi1>) -> (vector<16xi1>, vector<16xf32>, vector<16xf32>)
      %rev3A_112 = arith.constant 15 : i32
      %rev3A_113 = vector.broadcast %rev3A_112 : i32 to vector<16xi32>
      %rev3A_114 = tpu.iota {dimensions = array<i32: 0>} : vector<16xi32>
      %rev3A_115 = arith.subi %rev3A_113, %rev3A_114 : vector<16xi32>
      %rev3A_116 = tpu.dynamic_gather %sort3A_110[%rev3A_115] in [0] : vector<16xf32>, vector<16xi32> -> vector<16xf32>
      %min3A_117 = arith.minimumf %sort3A_106, %rev3A_116 : vector<16xf32>
      %sort3A_118 = arith.constant dense<true> : vector<16xi1>
      %sort3A_119, %sort3A_120, %sort3A_121 = tpu.sort %min3A_117, %min3A_117 masked %sort3A_118 : (vector<16xf32>, vector<16xf32>, vector<16xi1>) -> (vector<16xi1>, vector<16xf32>, vector<16xf32>)
      %rev3A_122 = arith.constant 15 : i32
      %rev3A_123 = vector.broadcast %rev3A_122 : i32 to vector<16xi32>
      %rev3A_124 = tpu.iota {dimensions = array<i32: 0>} : vector<16xi32>
      %rev3A_125 = arith.subi %rev3A_123, %rev3A_124 : vector<16xi32>
      %rev3A_126 = tpu.dynamic_gather %sort3A_120[%rev3A_125] in [0] : vector<16xf32>, vector<16xi32> -> vector<16xf32>
      %min3A_127 = arith.minimumf %sort3A_102, %rev3A_126 : vector<16xf32>
      %sort3A_128 = arith.constant dense<true> : vector<16xi1>
      %sort3A_129, %sort3A_130, %sort3A_131 = tpu.sort %min3A_127, %min3A_127 masked %sort3A_128 : (vector<16xf32>, vector<16xf32>, vector<16xi1>) -> (vector<16xi1>, vector<16xf32>, vector<16xf32>)
      %max3A_132 = arith.maximumf %sort3A_102, %rev3A_126 : vector<16xf32>
      %sort3A_133 = arith.constant dense<true> : vector<16xi1>
      %sort3A_134, %sort3A_135, %sort3A_136 = tpu.sort %max3A_132, %max3A_132 masked %sort3A_133 : (vector<16xf32>, vector<16xf32>, vector<16xi1>) -> (vector<16xi1>, vector<16xf32>, vector<16xf32>)
      %sort3A_137 = arith.constant dense<true> : vector<16xi1>
      %sort3A_138, %sort3A_139, %sort3A_140 = tpu.sort %scan3A_81#2, %scan3A_81#2 masked %sort3A_137 : (vector<16xf32>, vector<16xf32>, vector<16xi1>) -> (vector<16xi1>, vector<16xf32>, vector<16xf32>)
      %rev3A_141 = arith.constant 15 : i32
      %rev3A_142 = vector.broadcast %rev3A_141 : i32 to vector<16xi32>
      %rev3A_143 = tpu.iota {dimensions = array<i32: 0>} : vector<16xi32>
      %rev3A_144 = arith.subi %rev3A_142, %rev3A_143 : vector<16xi32>
      %rev3A_145 = tpu.dynamic_gather %sort3A_139[%rev3A_144] in [0] : vector<16xf32>, vector<16xi32> -> vector<16xf32>
      %min3A_146 = arith.minimumf %sort3A_135, %rev3A_145 : vector<16xf32>
      %sort3A_147 = arith.constant dense<true> : vector<16xi1>
      %sort3A_148, %sort3A_149, %sort3A_150 = tpu.sort %min3A_146, %min3A_146 masked %sort3A_147 : (vector<16xf32>, vector<16xf32>, vector<16xi1>) -> (vector<16xi1>, vector<16xf32>, vector<16xf32>)
      %rev3A_151 = arith.constant 15 : i32
      %rev3A_152 = vector.broadcast %rev3A_151 : i32 to vector<16xi32>
      %rev3A_153 = tpu.iota {dimensions = array<i32: 0>} : vector<16xi32>
      %rev3A_154 = arith.subi %rev3A_152, %rev3A_153 : vector<16xi32>
      %rev3A_155 = tpu.dynamic_gather %sort3A_149[%rev3A_154] in [0] : vector<16xf32>, vector<16xi32> -> vector<16xf32>
      %min3A_156 = arith.minimumf %sort3A_130, %rev3A_155 : vector<16xf32>
      %sort3A_157 = arith.constant dense<true> : vector<16xi1>
      %sort3A_158, %sort3A_159, %sort3A_160 = tpu.sort %min3A_156, %min3A_156 masked %sort3A_157 : (vector<16xf32>, vector<16xf32>, vector<16xi1>) -> (vector<16xi1>, vector<16xf32>, vector<16xf32>)
      %max3A_161 = arith.maximumf %sort3A_130, %rev3A_155 : vector<16xf32>
      %sort3A_162 = arith.constant dense<true> : vector<16xi1>
      %sort3A_163, %sort3A_164, %sort3A_165 = tpu.sort %max3A_161, %max3A_161 masked %sort3A_162 : (vector<16xf32>, vector<16xf32>, vector<16xi1>) -> (vector<16xi1>, vector<16xf32>, vector<16xf32>)
      %sort3A_166 = arith.constant dense<true> : vector<16xi1>
      %sort3A_167, %sort3A_168, %sort3A_169 = tpu.sort %scan3A_81#3, %scan3A_81#3 masked %sort3A_166 : (vector<16xf32>, vector<16xf32>, vector<16xi1>) -> (vector<16xi1>, vector<16xf32>, vector<16xf32>)
      %rev3A_170 = arith.constant 15 : i32
      %rev3A_171 = vector.broadcast %rev3A_170 : i32 to vector<16xi32>
      %rev3A_172 = tpu.iota {dimensions = array<i32: 0>} : vector<16xi32>
      %rev3A_173 = arith.subi %rev3A_171, %rev3A_172 : vector<16xi32>
      %rev3A_174 = tpu.dynamic_gather %sort3A_168[%rev3A_173] in [0] : vector<16xf32>, vector<16xi32> -> vector<16xf32>
      %min3A_175 = arith.minimumf %sort3A_164, %rev3A_174 : vector<16xf32>
      %sort3A_176 = arith.constant dense<true> : vector<16xi1>
      %sort3A_177, %sort3A_178, %sort3A_179 = tpu.sort %min3A_175, %min3A_175 masked %sort3A_176 : (vector<16xf32>, vector<16xf32>, vector<16xi1>) -> (vector<16xi1>, vector<16xf32>, vector<16xf32>)
      %rev3A_180 = arith.constant 15 : i32
      %rev3A_181 = vector.broadcast %rev3A_180 : i32 to vector<16xi32>
      %rev3A_182 = tpu.iota {dimensions = array<i32: 0>} : vector<16xi32>
      %rev3A_183 = arith.subi %rev3A_181, %rev3A_182 : vector<16xi32>
      %rev3A_184 = tpu.dynamic_gather %sort3A_178[%rev3A_183] in [0] : vector<16xf32>, vector<16xi32> -> vector<16xf32>
      %min3A_185 = arith.minimumf %sort3A_159, %rev3A_184 : vector<16xf32>
      %sort3A_186 = arith.constant dense<true> : vector<16xi1>
      %sort3A_187, %sort3A_188, %sort3A_189 = tpu.sort %min3A_185, %min3A_185 masked %sort3A_186 : (vector<16xf32>, vector<16xf32>, vector<16xi1>) -> (vector<16xi1>, vector<16xf32>, vector<16xf32>)
      %max3A_190 = arith.maximumf %sort3A_159, %rev3A_184 : vector<16xf32>
      %sort3A_191 = arith.constant dense<true> : vector<16xi1>
      %sort3A_192, %sort3A_193, %sort3A_194 = tpu.sort %max3A_190, %max3A_190 masked %sort3A_191 : (vector<16xf32>, vector<16xf32>, vector<16xi1>) -> (vector<16xi1>, vector<16xf32>, vector<16xf32>)
      %sort3A_195 = arith.constant dense<true> : vector<16xi1>
      %sort3A_196, %sort3A_197, %sort3A_198 = tpu.sort %scan3A_81#4, %scan3A_81#4 masked %sort3A_195 : (vector<16xf32>, vector<16xf32>, vector<16xi1>) -> (vector<16xi1>, vector<16xf32>, vector<16xf32>)
      %rev3A_199 = arith.constant 15 : i32
      %rev3A_200 = vector.broadcast %rev3A_199 : i32 to vector<16xi32>
      %rev3A_201 = tpu.iota {dimensions = array<i32: 0>} : vector<16xi32>
      %rev3A_202 = arith.subi %rev3A_200, %rev3A_201 : vector<16xi32>
      %rev3A_203 = tpu.dynamic_gather %sort3A_197[%rev3A_202] in [0] : vector<16xf32>, vector<16xi32> -> vector<16xf32>
      %min3A_204 = arith.minimumf %sort3A_193, %rev3A_203 : vector<16xf32>
      %sort3A_205 = arith.constant dense<true> : vector<16xi1>
      %sort3A_206, %sort3A_207, %sort3A_208 = tpu.sort %min3A_204, %min3A_204 masked %sort3A_205 : (vector<16xf32>, vector<16xf32>, vector<16xi1>) -> (vector<16xi1>, vector<16xf32>, vector<16xf32>)
      %rev3A_209 = arith.constant 15 : i32
      %rev3A_210 = vector.broadcast %rev3A_209 : i32 to vector<16xi32>
      %rev3A_211 = tpu.iota {dimensions = array<i32: 0>} : vector<16xi32>
      %rev3A_212 = arith.subi %rev3A_210, %rev3A_211 : vector<16xi32>
      %rev3A_213 = tpu.dynamic_gather %sort3A_207[%rev3A_212] in [0] : vector<16xf32>, vector<16xi32> -> vector<16xf32>
      %min3A_214 = arith.minimumf %sort3A_188, %rev3A_213 : vector<16xf32>
      %sort3A_215 = arith.constant dense<true> : vector<16xi1>
      %sort3A_216, %sort3A_217, %sort3A_218 = tpu.sort %min3A_214, %min3A_214 masked %sort3A_215 : (vector<16xf32>, vector<16xf32>, vector<16xi1>) -> (vector<16xi1>, vector<16xf32>, vector<16xf32>)
      %max3A_219 = arith.maximumf %sort3A_188, %rev3A_213 : vector<16xf32>
      %sort3A_220 = arith.constant dense<true> : vector<16xi1>
      %sort3A_221, %sort3A_222, %sort3A_223 = tpu.sort %max3A_219, %max3A_219 masked %sort3A_220 : (vector<16xf32>, vector<16xf32>, vector<16xi1>) -> (vector<16xi1>, vector<16xf32>, vector<16xf32>)
      %sort3A_224 = arith.constant dense<true> : vector<16xi1>
      %sort3A_225, %sort3A_226, %sort3A_227 = tpu.sort %scan3A_81#5, %scan3A_81#5 masked %sort3A_224 : (vector<16xf32>, vector<16xf32>, vector<16xi1>) -> (vector<16xi1>, vector<16xf32>, vector<16xf32>)
      %rev3A_228 = arith.constant 15 : i32
      %rev3A_229 = vector.broadcast %rev3A_228 : i32 to vector<16xi32>
      %rev3A_230 = tpu.iota {dimensions = array<i32: 0>} : vector<16xi32>
      %rev3A_231 = arith.subi %rev3A_229, %rev3A_230 : vector<16xi32>
      %rev3A_232 = tpu.dynamic_gather %sort3A_226[%rev3A_231] in [0] : vector<16xf32>, vector<16xi32> -> vector<16xf32>
      %min3A_233 = arith.minimumf %sort3A_222, %rev3A_232 : vector<16xf32>
      %sort3A_234 = arith.constant dense<true> : vector<16xi1>
      %sort3A_235, %sort3A_236, %sort3A_237 = tpu.sort %min3A_233, %min3A_233 masked %sort3A_234 : (vector<16xf32>, vector<16xf32>, vector<16xi1>) -> (vector<16xi1>, vector<16xf32>, vector<16xf32>)
      %rev3A_238 = arith.constant 15 : i32
      %rev3A_239 = vector.broadcast %rev3A_238 : i32 to vector<16xi32>
      %rev3A_240 = tpu.iota {dimensions = array<i32: 0>} : vector<16xi32>
      %rev3A_241 = arith.subi %rev3A_239, %rev3A_240 : vector<16xi32>
      %rev3A_242 = tpu.dynamic_gather %sort3A_236[%rev3A_241] in [0] : vector<16xf32>, vector<16xi32> -> vector<16xf32>
      %min3A_243 = arith.minimumf %sort3A_217, %rev3A_242 : vector<16xf32>
      %sort3A_244 = arith.constant dense<true> : vector<16xi1>
      %sort3A_245, %sort3A_246, %sort3A_247 = tpu.sort %min3A_243, %min3A_243 masked %sort3A_244 : (vector<16xf32>, vector<16xf32>, vector<16xi1>) -> (vector<16xi1>, vector<16xf32>, vector<16xf32>)
      %max3A_248 = arith.maximumf %sort3A_217, %rev3A_242 : vector<16xf32>
      %sort3A_249 = arith.constant dense<true> : vector<16xi1>
      %sort3A_250, %sort3A_251, %sort3A_252 = tpu.sort %max3A_248, %max3A_248 masked %sort3A_249 : (vector<16xf32>, vector<16xf32>, vector<16xi1>) -> (vector<16xi1>, vector<16xf32>, vector<16xf32>)
      %sort3A_253 = arith.constant dense<true> : vector<16xi1>
      %sort3A_254, %sort3A_255, %sort3A_256 = tpu.sort %scan3A_81#6, %scan3A_81#6 masked %sort3A_253 : (vector<16xf32>, vector<16xf32>, vector<16xi1>) -> (vector<16xi1>, vector<16xf32>, vector<16xf32>)
      %rev3A_257 = arith.constant 15 : i32
      %rev3A_258 = vector.broadcast %rev3A_257 : i32 to vector<16xi32>
      %rev3A_259 = tpu.iota {dimensions = array<i32: 0>} : vector<16xi32>
      %rev3A_260 = arith.subi %rev3A_258, %rev3A_259 : vector<16xi32>
      %rev3A_261 = tpu.dynamic_gather %sort3A_255[%rev3A_260] in [0] : vector<16xf32>, vector<16xi32> -> vector<16xf32>
      %min3A_262 = arith.minimumf %sort3A_251, %rev3A_261 : vector<16xf32>
      %sort3A_263 = arith.constant dense<true> : vector<16xi1>
      %sort3A_264, %sort3A_265, %sort3A_266 = tpu.sort %min3A_262, %min3A_262 masked %sort3A_263 : (vector<16xf32>, vector<16xf32>, vector<16xi1>) -> (vector<16xi1>, vector<16xf32>, vector<16xf32>)
      %rev3A_267 = arith.constant 15 : i32
      %rev3A_268 = vector.broadcast %rev3A_267 : i32 to vector<16xi32>
      %rev3A_269 = tpu.iota {dimensions = array<i32: 0>} : vector<16xi32>
      %rev3A_270 = arith.subi %rev3A_268, %rev3A_269 : vector<16xi32>
      %rev3A_271 = tpu.dynamic_gather %sort3A_265[%rev3A_270] in [0] : vector<16xf32>, vector<16xi32> -> vector<16xf32>
      %min3A_272 = arith.minimumf %sort3A_246, %rev3A_271 : vector<16xf32>
      %sort3A_273 = arith.constant dense<true> : vector<16xi1>
      %sort3A_274, %sort3A_275, %sort3A_276 = tpu.sort %min3A_272, %min3A_272 masked %sort3A_273 : (vector<16xf32>, vector<16xf32>, vector<16xi1>) -> (vector<16xi1>, vector<16xf32>, vector<16xf32>)
      %max3A_277 = arith.maximumf %sort3A_246, %rev3A_271 : vector<16xf32>
      %sort3A_278 = arith.constant dense<true> : vector<16xi1>
      %sort3A_279, %sort3A_280, %sort3A_281 = tpu.sort %max3A_277, %max3A_277 masked %sort3A_278 : (vector<16xf32>, vector<16xf32>, vector<16xi1>) -> (vector<16xi1>, vector<16xf32>, vector<16xf32>)
      %sort3A_282 = arith.constant dense<true> : vector<16xi1>
      %sort3A_283, %sort3A_284, %sort3A_285 = tpu.sort %scan3A_81#7, %scan3A_81#7 masked %sort3A_282 : (vector<16xf32>, vector<16xf32>, vector<16xi1>) -> (vector<16xi1>, vector<16xf32>, vector<16xf32>)
      %rev3A_286 = arith.constant 15 : i32
      %rev3A_287 = vector.broadcast %rev3A_286 : i32 to vector<16xi32>
      %rev3A_288 = tpu.iota {dimensions = array<i32: 0>} : vector<16xi32>
      %rev3A_289 = arith.subi %rev3A_287, %rev3A_288 : vector<16xi32>
      %rev3A_290 = tpu.dynamic_gather %sort3A_284[%rev3A_289] in [0] : vector<16xf32>, vector<16xi32> -> vector<16xf32>
      %min3A_291 = arith.minimumf %sort3A_280, %rev3A_290 : vector<16xf32>
      %sort3A_292 = arith.constant dense<true> : vector<16xi1>
      %sort3A_293, %sort3A_294, %sort3A_295 = tpu.sort %min3A_291, %min3A_291 masked %sort3A_292 : (vector<16xf32>, vector<16xf32>, vector<16xi1>) -> (vector<16xi1>, vector<16xf32>, vector<16xf32>)
      %rev3A_296 = arith.constant 15 : i32
      %rev3A_297 = vector.broadcast %rev3A_296 : i32 to vector<16xi32>
      %rev3A_298 = tpu.iota {dimensions = array<i32: 0>} : vector<16xi32>
      %rev3A_299 = arith.subi %rev3A_297, %rev3A_298 : vector<16xi32>
      %rev3A_300 = tpu.dynamic_gather %sort3A_294[%rev3A_299] in [0] : vector<16xf32>, vector<16xi32> -> vector<16xf32>
      %min3A_301 = arith.minimumf %sort3A_275, %rev3A_300 : vector<16xf32>
      %sort3A_302 = arith.constant dense<true> : vector<16xi1>
      %sort3A_303, %sort3A_304, %sort3A_305 = tpu.sort %min3A_301, %min3A_301 masked %sort3A_302 : (vector<16xf32>, vector<16xf32>, vector<16xi1>) -> (vector<16xi1>, vector<16xf32>, vector<16xf32>)
      %max3A_306 = arith.maximumf %sort3A_275, %rev3A_300 : vector<16xf32>
      %sort3A_307 = arith.constant dense<true> : vector<16xi1>
      %sort3A_308, %sort3A_309, %sort3A_310 = tpu.sort %max3A_306, %max3A_306 masked %sort3A_307 : (vector<16xf32>, vector<16xf32>, vector<16xi1>) -> (vector<16xi1>, vector<16xf32>, vector<16xf32>)
      %reduce_max3A = arith.constant true
      %reduce_max3A_311 = vector.broadcast %reduce_max3A : i1 to vector<16xi1>
      %reduce_max3A_312 = tpu.scan <max>, %sort3A_309 masked %reduce_max3A_311 : vector<16xf32>, vector<16xi1> -> vector<16xf32>
      %reduce_max3A_313 = vector.extract %reduce_max3A_312[15] : f32 from vector<16xf32>
      %le3A = vector.broadcast %reduce_max3A_313 : f32 to vector<16xf32>
      %le3A_314 = arith.cmpf ole, %scan3A_81#0, %le3A : vector<16xf32>
      %add3A_315 = arith.constant 0 : i32
      %add3A_316 = vector.broadcast %add3A_315 : i32 to vector<16xi32>
      %add3A_317 = arith.addi %add3A_316, %iota3A : vector<16xi32>
      %swap3A = arith.constant 0 : i32
      %swap3A_318 = arith.index_cast %swap3A : i32 to index
      %swap3A_319 = arith.constant 0 : index
      %swap3A_320 = tpu.vector_load %arg20[%swap3A_318, %swap3A_319] masked %le3A_314 {strides = array<i32>} : memref<8x16xi32, #tpu.memory_space<vmem>>, vector<16xi32>, vector<16xi1>
      tpu.vector_store %arg20[%swap3A_318, %swap3A_319], %add3A_317 masked %le3A_314 {strides = array<i32>} : memref<8x16xi32, #tpu.memory_space<vmem>>, vector<16xi32>, vector<16xi1>
      %all_reduce_population_count3A = tpu.all_reduce %le3A_314 {dim = 0 : i64, kind = #tpu.reduction_kind<sum>} : vector<16xi1> -> vector<16xi32>
      %reduce_max3A_321 = arith.constant true
      %reduce_max3A_322 = vector.broadcast %reduce_max3A_321 : i1 to vector<16xi1>
      %reduce_max3A_323 = arith.constant -2147483648 : i32
      %reduce_max3A_324 = vector.broadcast %reduce_max3A_323 : i32 to vector<16xi32>
      %reduce_max3A_325 = arith.xori %all_reduce_population_count3A, %reduce_max3A_324 : vector<16xi32>
      %reduce_max3A_326 = tpu.scan <max>, %reduce_max3A_325 masked %reduce_max3A_322 : vector<16xi32>, vector<16xi1> -> vector<16xi32>
      %reduce_max3A_327 = arith.xori %reduce_max3A_326, %reduce_max3A_324 : vector<16xi32>
      %reduce_max3A_328 = vector.extract %reduce_max3A_327[15] : i32 from vector<16xi32>
      %le3A_329 = vector.broadcast %reduce_max3A_313 : f32 to vector<16xf32>
      %le3A_330 = arith.cmpf ole, %scan3A_81#1, %le3A_329 : vector<16xf32>
      %add3A_331 = arith.constant 16 : i32
      %add3A_332 = vector.broadcast %add3A_331 : i32 to vector<16xi32>
      %add3A_333 = arith.addi %add3A_332, %iota3A : vector<16xi32>
      %swap3A_334 = arith.constant 1 : i32
      %swap3A_335 = arith.index_cast %swap3A_334 : i32 to index
      %swap3A_336 = arith.constant 0 : index
      %swap3A_337 = tpu.vector_load %arg20[%swap3A_335, %swap3A_336] masked %le3A_330 {strides = array<i32>} : memref<8x16xi32, #tpu.memory_space<vmem>>, vector<16xi32>, vector<16xi1>
      tpu.vector_store %arg20[%swap3A_335, %swap3A_336], %add3A_333 masked %le3A_330 {strides = array<i32>} : memref<8x16xi32, #tpu.memory_space<vmem>>, vector<16xi32>, vector<16xi1>
      %all_reduce_population_count3A_338 = tpu.all_reduce %le3A_330 {dim = 0 : i64, kind = #tpu.reduction_kind<sum>} : vector<16xi1> -> vector<16xi32>
      %reduce_max3A_339 = arith.constant true
      %reduce_max3A_340 = vector.broadcast %reduce_max3A_339 : i1 to vector<16xi1>
      %reduce_max3A_341 = arith.constant -2147483648 : i32
      %reduce_max3A_342 = vector.broadcast %reduce_max3A_341 : i32 to vector<16xi32>
      %reduce_max3A_343 = arith.xori %all_reduce_population_count3A_338, %reduce_max3A_342 : vector<16xi32>
      %reduce_max3A_344 = tpu.scan <max>, %reduce_max3A_343 masked %reduce_max3A_340 : vector<16xi32>, vector<16xi1> -> vector<16xi32>
      %reduce_max3A_345 = arith.xori %reduce_max3A_344, %reduce_max3A_342 : vector<16xi32>
      %reduce_max3A_346 = vector.extract %reduce_max3A_345[15] : i32 from vector<16xi32>
      %le3A_347 = vector.broadcast %reduce_max3A_313 : f32 to vector<16xf32>
      %le3A_348 = arith.cmpf ole, %scan3A_81#2, %le3A_347 : vector<16xf32>
      %add3A_349 = arith.constant 32 : i32
      %add3A_350 = vector.broadcast %add3A_349 : i32 to vector<16xi32>
      %add3A_351 = arith.addi %add3A_350, %iota3A : vector<16xi32>
      %swap3A_352 = arith.constant 2 : i32
      %swap3A_353 = arith.index_cast %swap3A_352 : i32 to index
      %swap3A_354 = arith.constant 0 : index
      %swap3A_355 = tpu.vector_load %arg20[%swap3A_353, %swap3A_354] masked %le3A_348 {strides = array<i32>} : memref<8x16xi32, #tpu.memory_space<vmem>>, vector<16xi32>, vector<16xi1>
      tpu.vector_store %arg20[%swap3A_353, %swap3A_354], %add3A_351 masked %le3A_348 {strides = array<i32>} : memref<8x16xi32, #tpu.memory_space<vmem>>, vector<16xi32>, vector<16xi1>
      %all_reduce_population_count3A_356 = tpu.all_reduce %le3A_348 {dim = 0 : i64, kind = #tpu.reduction_kind<sum>} : vector<16xi1> -> vector<16xi32>
      %reduce_max3A_357 = arith.constant true
      %reduce_max3A_358 = vector.broadcast %reduce_max3A_357 : i1 to vector<16xi1>
      %reduce_max3A_359 = arith.constant -2147483648 : i32
      %reduce_max3A_360 = vector.broadcast %reduce_max3A_359 : i32 to vector<16xi32>
      %reduce_max3A_361 = arith.xori %all_reduce_population_count3A_356, %reduce_max3A_360 : vector<16xi32>
      %reduce_max3A_362 = tpu.scan <max>, %reduce_max3A_361 masked %reduce_max3A_358 : vector<16xi32>, vector<16xi1> -> vector<16xi32>
      %reduce_max3A_363 = arith.xori %reduce_max3A_362, %reduce_max3A_360 : vector<16xi32>
      %reduce_max3A_364 = vector.extract %reduce_max3A_363[15] : i32 from vector<16xi32>
      %le3A_365 = vector.broadcast %reduce_max3A_313 : f32 to vector<16xf32>
      %le3A_366 = arith.cmpf ole, %scan3A_81#3, %le3A_365 : vector<16xf32>
      %add3A_367 = arith.constant 48 : i32
      %add3A_368 = vector.broadcast %add3A_367 : i32 to vector<16xi32>
      %add3A_369 = arith.addi %add3A_368, %iota3A : vector<16xi32>
      %swap3A_370 = arith.constant 3 : i32
      %swap3A_371 = arith.index_cast %swap3A_370 : i32 to index
      %swap3A_372 = arith.constant 0 : index
      %swap3A_373 = tpu.vector_load %arg20[%swap3A_371, %swap3A_372] masked %le3A_366 {strides = array<i32>} : memref<8x16xi32, #tpu.memory_space<vmem>>, vector<16xi32>, vector<16xi1>
      tpu.vector_store %arg20[%swap3A_371, %swap3A_372], %add3A_369 masked %le3A_366 {strides = array<i32>} : memref<8x16xi32, #tpu.memory_space<vmem>>, vector<16xi32>, vector<16xi1>
      %all_reduce_population_count3A_374 = tpu.all_reduce %le3A_366 {dim = 0 : i64, kind = #tpu.reduction_kind<sum>} : vector<16xi1> -> vector<16xi32>
      %reduce_max3A_375 = arith.constant true
      %reduce_max3A_376 = vector.broadcast %reduce_max3A_375 : i1 to vector<16xi1>
      %reduce_max3A_377 = arith.constant -2147483648 : i32
      %reduce_max3A_378 = vector.broadcast %reduce_max3A_377 : i32 to vector<16xi32>
      %reduce_max3A_379 = arith.xori %all_reduce_population_count3A_374, %reduce_max3A_378 : vector<16xi32>
      %reduce_max3A_380 = tpu.scan <max>, %reduce_max3A_379 masked %reduce_max3A_376 : vector<16xi32>, vector<16xi1> -> vector<16xi32>
      %reduce_max3A_381 = arith.xori %reduce_max3A_380, %reduce_max3A_378 : vector<16xi32>
      %reduce_max3A_382 = vector.extract %reduce_max3A_381[15] : i32 from vector<16xi32>
      %le3A_383 = vector.broadcast %reduce_max3A_313 : f32 to vector<16xf32>
      %le3A_384 = arith.cmpf ole, %scan3A_81#4, %le3A_383 : vector<16xf32>
      %add3A_385 = arith.constant 64 : i32
      %add3A_386 = vector.broadcast %add3A_385 : i32 to vector<16xi32>
      %add3A_387 = arith.addi %add3A_386, %iota3A : vector<16xi32>
      %swap3A_388 = arith.constant 4 : i32
      %swap3A_389 = arith.index_cast %swap3A_388 : i32 to index
      %swap3A_390 = arith.constant 0 : index
      %swap3A_391 = tpu.vector_load %arg20[%swap3A_389, %swap3A_390] masked %le3A_384 {strides = array<i32>} : memref<8x16xi32, #tpu.memory_space<vmem>>, vector<16xi32>, vector<16xi1>
      tpu.vector_store %arg20[%swap3A_389, %swap3A_390], %add3A_387 masked %le3A_384 {strides = array<i32>} : memref<8x16xi32, #tpu.memory_space<vmem>>, vector<16xi32>, vector<16xi1>
      %all_reduce_population_count3A_392 = tpu.all_reduce %le3A_384 {dim = 0 : i64, kind = #tpu.reduction_kind<sum>} : vector<16xi1> -> vector<16xi32>
      %reduce_max3A_393 = arith.constant true
      %reduce_max3A_394 = vector.broadcast %reduce_max3A_393 : i1 to vector<16xi1>
      %reduce_max3A_395 = arith.constant -2147483648 : i32
      %reduce_max3A_396 = vector.broadcast %reduce_max3A_395 : i32 to vector<16xi32>
      %reduce_max3A_397 = arith.xori %all_reduce_population_count3A_392, %reduce_max3A_396 : vector<16xi32>
      %reduce_max3A_398 = tpu.scan <max>, %reduce_max3A_397 masked %reduce_max3A_394 : vector<16xi32>, vector<16xi1> -> vector<16xi32>
      %reduce_max3A_399 = arith.xori %reduce_max3A_398, %reduce_max3A_396 : vector<16xi32>
      %reduce_max3A_400 = vector.extract %reduce_max3A_399[15] : i32 from vector<16xi32>
      %le3A_401 = vector.broadcast %reduce_max3A_313 : f32 to vector<16xf32>
      %le3A_402 = arith.cmpf ole, %scan3A_81#5, %le3A_401 : vector<16xf32>
      %add3A_403 = arith.constant 80 : i32
      %add3A_404 = vector.broadcast %add3A_403 : i32 to vector<16xi32>
      %add3A_405 = arith.addi %add3A_404, %iota3A : vector<16xi32>
      %swap3A_406 = arith.constant 5 : i32
      %swap3A_407 = arith.index_cast %swap3A_406 : i32 to index
      %swap3A_408 = arith.constant 0 : index
      %swap3A_409 = tpu.vector_load %arg20[%swap3A_407, %swap3A_408] masked %le3A_402 {strides = array<i32>} : memref<8x16xi32, #tpu.memory_space<vmem>>, vector<16xi32>, vector<16xi1>
      tpu.vector_store %arg20[%swap3A_407, %swap3A_408], %add3A_405 masked %le3A_402 {strides = array<i32>} : memref<8x16xi32, #tpu.memory_space<vmem>>, vector<16xi32>, vector<16xi1>
      %all_reduce_population_count3A_410 = tpu.all_reduce %le3A_402 {dim = 0 : i64, kind = #tpu.reduction_kind<sum>} : vector<16xi1> -> vector<16xi32>
      %reduce_max3A_411 = arith.constant true
      %reduce_max3A_412 = vector.broadcast %reduce_max3A_411 : i1 to vector<16xi1>
      %reduce_max3A_413 = arith.constant -2147483648 : i32
      %reduce_max3A_414 = vector.broadcast %reduce_max3A_413 : i32 to vector<16xi32>
      %reduce_max3A_415 = arith.xori %all_reduce_population_count3A_410, %reduce_max3A_414 : vector<16xi32>
      %reduce_max3A_416 = tpu.scan <max>, %reduce_max3A_415 masked %reduce_max3A_412 : vector<16xi32>, vector<16xi1> -> vector<16xi32>
      %reduce_max3A_417 = arith.xori %reduce_max3A_416, %reduce_max3A_414 : vector<16xi32>
      %reduce_max3A_418 = vector.extract %reduce_max3A_417[15] : i32 from vector<16xi32>
      %le3A_419 = vector.broadcast %reduce_max3A_313 : f32 to vector<16xf32>
      %le3A_420 = arith.cmpf ole, %scan3A_81#6, %le3A_419 : vector<16xf32>
      %add3A_421 = arith.constant 96 : i32
      %add3A_422 = vector.broadcast %add3A_421 : i32 to vector<16xi32>
      %add3A_423 = arith.addi %add3A_422, %iota3A : vector<16xi32>
      %swap3A_424 = arith.constant 6 : i32
      %swap3A_425 = arith.index_cast %swap3A_424 : i32 to index
      %swap3A_426 = arith.constant 0 : index
      %swap3A_427 = tpu.vector_load %arg20[%swap3A_425, %swap3A_426] masked %le3A_420 {strides = array<i32>} : memref<8x16xi32, #tpu.memory_space<vmem>>, vector<16xi32>, vector<16xi1>
      tpu.vector_store %arg20[%swap3A_425, %swap3A_426], %add3A_423 masked %le3A_420 {strides = array<i32>} : memref<8x16xi32, #tpu.memory_space<vmem>>, vector<16xi32>, vector<16xi1>
      %all_reduce_population_count3A_428 = tpu.all_reduce %le3A_420 {dim = 0 : i64, kind = #tpu.reduction_kind<sum>} : vector<16xi1> -> vector<16xi32>
      %reduce_max3A_429 = arith.constant true
      %reduce_max3A_430 = vector.broadcast %reduce_max3A_429 : i1 to vector<16xi1>
      %reduce_max3A_431 = arith.constant -2147483648 : i32
      %reduce_max3A_432 = vector.broadcast %reduce_max3A_431 : i32 to vector<16xi32>
      %reduce_max3A_433 = arith.xori %all_reduce_population_count3A_428, %reduce_max3A_432 : vector<16xi32>
      %reduce_max3A_434 = tpu.scan <max>, %reduce_max3A_433 masked %reduce_max3A_430 : vector<16xi32>, vector<16xi1> -> vector<16xi32>
      %reduce_max3A_435 = arith.xori %reduce_max3A_434, %reduce_max3A_432 : vector<16xi32>
      %reduce_max3A_436 = vector.extract %reduce_max3A_435[15] : i32 from vector<16xi32>
      %le3A_437 = vector.broadcast %reduce_max3A_313 : f32 to vector<16xf32>
      %le3A_438 = arith.cmpf ole, %scan3A_81#7, %le3A_437 : vector<16xf32>
      %add3A_439 = arith.constant 112 : i32
      %add3A_440 = vector.broadcast %add3A_439 : i32 to vector<16xi32>
      %add3A_441 = arith.addi %add3A_440, %iota3A : vector<16xi32>
      %swap3A_442 = arith.constant 7 : i32
      %swap3A_443 = arith.index_cast %swap3A_442 : i32 to index
      %swap3A_444 = arith.constant 0 : index
      %swap3A_445 = tpu.vector_load %arg20[%swap3A_443, %swap3A_444] masked %le3A_438 {strides = array<i32>} : memref<8x16xi32, #tpu.memory_space<vmem>>, vector<16xi32>, vector<16xi1>
      tpu.vector_store %arg20[%swap3A_443, %swap3A_444], %add3A_441 masked %le3A_438 {strides = array<i32>} : memref<8x16xi32, #tpu.memory_space<vmem>>, vector<16xi32>, vector<16xi1>
      %all_reduce_population_count3A_446 = tpu.all_reduce %le3A_438 {dim = 0 : i64, kind = #tpu.reduction_kind<sum>} : vector<16xi1> -> vector<16xi32>
      %reduce_max3A_447 = arith.constant true
      %reduce_max3A_448 = vector.broadcast %reduce_max3A_447 : i1 to vector<16xi1>
      %reduce_max3A_449 = arith.constant -2147483648 : i32
      %reduce_max3A_450 = vector.broadcast %reduce_max3A_449 : i32 to vector<16xi32>
      %reduce_max3A_451 = arith.xori %all_reduce_population_count3A_446, %reduce_max3A_450 : vector<16xi32>
      %reduce_max3A_452 = tpu.scan <max>, %reduce_max3A_451 masked %reduce_max3A_448 : vector<16xi32>, vector<16xi1> -> vector<16xi32>
      %reduce_max3A_453 = arith.xori %reduce_max3A_452, %reduce_max3A_450 : vector<16xi32>
      %reduce_max3A_454 = vector.extract %reduce_max3A_453[15] : i32 from vector<16xi32>
      %while3A = arith.constant 0 : i32
      %while3A_455 = arith.subi %reduce_max3A_328, %while3A : i32
      %while3A_456 = arith.addi %while3A, %while3A_455 : i32
      %while3A_457 = arith.constant 1 : i32
      %while3A_458 = arith.divsi %while3A_455, %while3A_457 : i32
      %while3A_459 = arith.muli %while3A_458, %while3A_457 : i32
      %while3A_460 = arith.addi %while3A, %while3A_459 : i32
      %while3A_461 = arith.constant 1 : i32
      %while3A_462:4 = scf.for %while3A_581 = %while3A to %while3A_460 step %while3A_461 iter_args(%while3A_582 = %broadcast_in_dim3A_3, %while3A_583 = %broadcast_in_dim3A_7, %while3A_584 = %broadcast_in_dim3A_3, %while3A_585 = %broadcast_in_dim3A_7) -> (vector<16xf32>, vector<16xi32>, vector<16xf32>, vector<16xi32>)  : i32 {
        %broadcast_in_dim3A_586 = arith.constant 0 : i32
        %broadcast_in_dim3A_587 = vector.broadcast %broadcast_in_dim3A_586 : i32 to vector<16xi32>
        %broadcast_in_dim3A_588 = vector.broadcast %while3A_581 : i32 to vector<16xi32>
        %gather3A_589 = tpu.vector_load_idx %arg20[%broadcast_in_dim3A_587, %broadcast_in_dim3A_588] : memref<8x16xi32, #tpu.memory_space<vmem>>[vector<16xi32>, vector<16xi32>], vector<16xi32>,
        %mul3A_590 = arith.constant 128 : i32
        %mul3A_591 = vector.broadcast %mul3A_590 : i32 to vector<16xi32>
        %mul3A_592 = arith.muli %iota3A, %mul3A_591 : vector<16xi32>
        %add3A_593 = arith.addi %mul3A_592, %gather3A_589 : vector<16xi32>
        %gather3A_594 = tpu.vector_load_idx %arg10[%add3A_593] : memref<2048xf32, #tpu.memory_space<vmem>>[vector<16xi32>], vector<16xf32>,
        %masked_sort3A = arith.constant dense<true> : vector<16xi1>
        %masked_sort3A_595, %masked_sort3A_596, %masked_sort3A_597 = tpu.sort %gather3A_594, %add3A_593 masked %masked_sort3A : (vector<16xf32>, vector<16xi32>, vector<16xi1>) -> (vector<16xi1>, vector<16xf32>, vector<16xi32>)
        %rev3A_598 = arith.constant 15 : i32
        %rev3A_599 = vector.broadcast %rev3A_598 : i32 to vector<16xi32>
        %rev3A_600 = tpu.iota {dimensions = array<i32: 0>} : vector<16xi32>
        %rev3A_601 = arith.subi %rev3A_599, %rev3A_600 : vector<16xi32>
        %rev3A_602 = tpu.dynamic_gather %masked_sort3A_596[%rev3A_601] in [0] : vector<16xf32>, vector<16xi32> -> vector<16xf32>
        %rev3A_603 = arith.constant 15 : i32
        %rev3A_604 = vector.broadcast %rev3A_603 : i32 to vector<16xi32>
        %rev3A_605 = tpu.iota {dimensions = array<i32: 0>} : vector<16xi32>
        %rev3A_606 = arith.subi %rev3A_604, %rev3A_605 : vector<16xi32>
        %rev3A_607 = tpu.dynamic_gather %masked_sort3A_597[%rev3A_606] in [0] : vector<16xi32>, vector<16xi32> -> vector<16xi32>
        %le3A_608 = arith.cmpf ole, %while3A_584, %rev3A_602 : vector<16xf32>
        %select_n3A = arith.select %le3A_608, %while3A_584, %rev3A_602 : vector<16xi1>, vector<16xf32>
        %select_n3A_609 = arith.select %le3A_608, %while3A_585, %rev3A_607 : vector<16xi1>, vector<16xi32>
        %masked_sort3A_610 = arith.constant dense<true> : vector<16xi1>
        %masked_sort3A_611, %masked_sort3A_612, %masked_sort3A_613 = tpu.sort %select_n3A, %select_n3A_609 masked %masked_sort3A_610 : (vector<16xf32>, vector<16xi32>, vector<16xi1>) -> (vector<16xi1>, vector<16xf32>, vector<16xi32>)
        %rev3A_614 = arith.constant 15 : i32
        %rev3A_615 = vector.broadcast %rev3A_614 : i32 to vector<16xi32>
        %rev3A_616 = tpu.iota {dimensions = array<i32: 0>} : vector<16xi32>
        %rev3A_617 = arith.subi %rev3A_615, %rev3A_616 : vector<16xi32>
        %rev3A_618 = tpu.dynamic_gather %masked_sort3A_612[%rev3A_617] in [0] : vector<16xf32>, vector<16xi32> -> vector<16xf32>
        %rev3A_619 = arith.constant 15 : i32
        %rev3A_620 = vector.broadcast %rev3A_619 : i32 to vector<16xi32>
        %rev3A_621 = tpu.iota {dimensions = array<i32: 0>} : vector<16xi32>
        %rev3A_622 = arith.subi %rev3A_620, %rev3A_621 : vector<16xi32>
        %rev3A_623 = tpu.dynamic_gather %masked_sort3A_613[%rev3A_622] in [0] : vector<16xi32>, vector<16xi32> -> vector<16xi32>
        %le3A_624 = arith.cmpf ole, %while3A_582, %rev3A_618 : vector<16xf32>
        %select_n3A_625 = arith.select %le3A_624, %while3A_582, %rev3A_618 : vector<16xi1>, vector<16xf32>
        %select_n3A_626 = arith.select %le3A_624, %while3A_583, %rev3A_623 : vector<16xi1>, vector<16xi32>
        %select_n3A_627 = arith.select %le3A_624, %rev3A_618, %while3A_582 : vector<16xi1>, vector<16xf32>
        %select_n3A_628 = arith.select %le3A_624, %rev3A_623, %while3A_583 : vector<16xi1>, vector<16xi32>
        %masked_sort3A_629 = arith.constant dense<true> : vector<16xi1>
        %masked_sort3A_630, %masked_sort3A_631, %masked_sort3A_632 = tpu.sort %select_n3A_625, %select_n3A_626 masked %masked_sort3A_629 : (vector<16xf32>, vector<16xi32>, vector<16xi1>) -> (vector<16xi1>, vector<16xf32>, vector<16xi32>)
        %masked_sort3A_633 = arith.constant dense<true> : vector<16xi1>
        %masked_sort3A_634, %masked_sort3A_635, %masked_sort3A_636 = tpu.sort %select_n3A_627, %select_n3A_628 masked %masked_sort3A_633 : (vector<16xf32>, vector<16xi32>, vector<16xi1>) -> (vector<16xi1>, vector<16xf32>, vector<16xi32>)
        scf.yield %masked_sort3A_631, %masked_sort3A_632, %masked_sort3A_635, %masked_sort3A_636 : vector<16xf32>, vector<16xi32>, vector<16xf32>, vector<16xi32>
      }
      %while3A_463 = arith.constant 1 : i32
      %while3A_464:4 = scf.for %while3A_581 = %while3A_460 to %while3A_456 step %while3A_463 iter_args(%while3A_582 = %while3A_462#0, %while3A_583 = %while3A_462#1, %while3A_584 = %while3A_462#2, %while3A_585 = %while3A_462#3) -> (vector<16xf32>, vector<16xi32>, vector<16xf32>, vector<16xi32>)  : i32 {
        %broadcast_in_dim3A_586 = arith.constant 0 : i32
        %broadcast_in_dim3A_587 = vector.broadcast %broadcast_in_dim3A_586 : i32 to vector<16xi32>
        %broadcast_in_dim3A_588 = vector.broadcast %while3A_581 : i32 to vector<16xi32>
        %gather3A_589 = tpu.vector_load_idx %arg20[%broadcast_in_dim3A_587, %broadcast_in_dim3A_588] : memref<8x16xi32, #tpu.memory_space<vmem>>[vector<16xi32>, vector<16xi32>], vector<16xi32>,
        %mul3A_590 = arith.constant 128 : i32
        %mul3A_591 = vector.broadcast %mul3A_590 : i32 to vector<16xi32>
        %mul3A_592 = arith.muli %iota3A, %mul3A_591 : vector<16xi32>
        %add3A_593 = arith.addi %mul3A_592, %gather3A_589 : vector<16xi32>
        %gather3A_594 = tpu.vector_load_idx %arg10[%add3A_593] : memref<2048xf32, #tpu.memory_space<vmem>>[vector<16xi32>], vector<16xf32>,
        %masked_sort3A = arith.constant dense<true> : vector<16xi1>
        %masked_sort3A_595, %masked_sort3A_596, %masked_sort3A_597 = tpu.sort %gather3A_594, %add3A_593 masked %masked_sort3A : (vector<16xf32>, vector<16xi32>, vector<16xi1>) -> (vector<16xi1>, vector<16xf32>, vector<16xi32>)
        %rev3A_598 = arith.constant 15 : i32
        %rev3A_599 = vector.broadcast %rev3A_598 : i32 to vector<16xi32>
        %rev3A_600 = tpu.iota {dimensions = array<i32: 0>} : vector<16xi32>
        %rev3A_601 = arith.subi %rev3A_599, %rev3A_600 : vector<16xi32>
        %rev3A_602 = tpu.dynamic_gather %masked_sort3A_596[%rev3A_601] in [0] : vector<16xf32>, vector<16xi32> -> vector<16xf32>
        %rev3A_603 = arith.constant 15 : i32
        %rev3A_604 = vector.broadcast %rev3A_603 : i32 to vector<16xi32>
        %rev3A_605 = tpu.iota {dimensions = array<i32: 0>} : vector<16xi32>
        %rev3A_606 = arith.subi %rev3A_604, %rev3A_605 : vector<16xi32>
        %rev3A_607 = tpu.dynamic_gather %masked_sort3A_597[%rev3A_606] in [0] : vector<16xi32>, vector<16xi32> -> vector<16xi32>
        %le3A_608 = arith.cmpf ole, %while3A_584, %rev3A_602 : vector<16xf32>
        %select_n3A = arith.select %le3A_608, %while3A_584, %rev3A_602 : vector<16xi1>, vector<16xf32>
        %select_n3A_609 = arith.select %le3A_608, %while3A_585, %rev3A_607 : vector<16xi1>, vector<16xi32>
        %masked_sort3A_610 = arith.constant dense<true> : vector<16xi1>
        %masked_sort3A_611, %masked_sort3A_612, %masked_sort3A_613 = tpu.sort %select_n3A, %select_n3A_609 masked %masked_sort3A_610 : (vector<16xf32>, vector<16xi32>, vector<16xi1>) -> (vector<16xi1>, vector<16xf32>, vector<16xi32>)
        %rev3A_614 = arith.constant 15 : i32
        %rev3A_615 = vector.broadcast %rev3A_614 : i32 to vector<16xi32>
        %rev3A_616 = tpu.iota {dimensions = array<i32: 0>} : vector<16xi32>
        %rev3A_617 = arith.subi %rev3A_615, %rev3A_616 : vector<16xi32>
        %rev3A_618 = tpu.dynamic_gather %masked_sort3A_612[%rev3A_617] in [0] : vector<16xf32>, vector<16xi32> -> vector<16xf32>
        %rev3A_619 = arith.constant 15 : i32
        %rev3A_620 = vector.broadcast %rev3A_619 : i32 to vector<16xi32>
        %rev3A_621 = tpu.iota {dimensions = array<i32: 0>} : vector<16xi32>
        %rev3A_622 = arith.subi %rev3A_620, %rev3A_621 : vector<16xi32>
        %rev3A_623 = tpu.dynamic_gather %masked_sort3A_613[%rev3A_622] in [0] : vector<16xi32>, vector<16xi32> -> vector<16xi32>
        %le3A_624 = arith.cmpf ole, %while3A_582, %rev3A_618 : vector<16xf32>
        %select_n3A_625 = arith.select %le3A_624, %while3A_582, %rev3A_618 : vector<16xi1>, vector<16xf32>
        %select_n3A_626 = arith.select %le3A_624, %while3A_583, %rev3A_623 : vector<16xi1>, vector<16xi32>
        %select_n3A_627 = arith.select %le3A_624, %rev3A_618, %while3A_582 : vector<16xi1>, vector<16xf32>
        %select_n3A_628 = arith.select %le3A_624, %rev3A_623, %while3A_583 : vector<16xi1>, vector<16xi32>
        %masked_sort3A_629 = arith.constant dense<true> : vector<16xi1>
        %masked_sort3A_630, %masked_sort3A_631, %masked_sort3A_632 = tpu.sort %select_n3A_625, %select_n3A_626 masked %masked_sort3A_629 : (vector<16xf32>, vector<16xi32>, vector<16xi1>) -> (vector<16xi1>, vector<16xf32>, vector<16xi32>)
        %masked_sort3A_633 = arith.constant dense<true> : vector<16xi1>
        %masked_sort3A_634, %masked_sort3A_635, %masked_sort3A_636 = tpu.sort %select_n3A_627, %select_n3A_628 masked %masked_sort3A_633 : (vector<16xf32>, vector<16xi32>, vector<16xi1>) -> (vector<16xi1>, vector<16xf32>, vector<16xi32>)
        scf.yield %masked_sort3A_631, %masked_sort3A_632, %masked_sort3A_635, %masked_sort3A_636 : vector<16xf32>, vector<16xi32>, vector<16xf32>, vector<16xi32>
      }
      %while3A_465 = arith.constant 0 : i32
      %while3A_466 = arith.subi %reduce_max3A_346, %while3A_465 : i32
      %while3A_467 = arith.addi %while3A_465, %while3A_466 : i32
      %while3A_468 = arith.constant 1 : i32
      %while3A_469 = arith.divsi %while3A_466, %while3A_468 : i32
      %while3A_470 = arith.muli %while3A_469, %while3A_468 : i32
      %while3A_471 = arith.addi %while3A_465, %while3A_470 : i32
      %while3A_472 = arith.constant 1 : i32
      %while3A_473:4 = scf.for %while3A_581 = %while3A_465 to %while3A_471 step %while3A_472 iter_args(%while3A_582 = %while3A_464#0, %while3A_583 = %while3A_464#1, %while3A_584 = %while3A_464#2, %while3A_585 = %while3A_464#3) -> (vector<16xf32>, vector<16xi32>, vector<16xf32>, vector<16xi32>)  : i32 {
        %broadcast_in_dim3A_586 = arith.constant 1 : i32
        %broadcast_in_dim3A_587 = vector.broadcast %broadcast_in_dim3A_586 : i32 to vector<16xi32>
        %broadcast_in_dim3A_588 = vector.broadcast %while3A_581 : i32 to vector<16xi32>
        %gather3A_589 = tpu.vector_load_idx %arg20[%broadcast_in_dim3A_587, %broadcast_in_dim3A_588] : memref<8x16xi32, #tpu.memory_space<vmem>>[vector<16xi32>, vector<16xi32>], vector<16xi32>,
        %mul3A_590 = arith.constant 128 : i32
        %mul3A_591 = vector.broadcast %mul3A_590 : i32 to vector<16xi32>
        %mul3A_592 = arith.muli %iota3A, %mul3A_591 : vector<16xi32>
        %add3A_593 = arith.addi %mul3A_592, %gather3A_589 : vector<16xi32>
        %gather3A_594 = tpu.vector_load_idx %arg10[%add3A_593] : memref<2048xf32, #tpu.memory_space<vmem>>[vector<16xi32>], vector<16xf32>,
        %masked_sort3A = arith.constant dense<true> : vector<16xi1>
        %masked_sort3A_595, %masked_sort3A_596, %masked_sort3A_597 = tpu.sort %gather3A_594, %add3A_593 masked %masked_sort3A : (vector<16xf32>, vector<16xi32>, vector<16xi1>) -> (vector<16xi1>, vector<16xf32>, vector<16xi32>)
        %rev3A_598 = arith.constant 15 : i32
        %rev3A_599 = vector.broadcast %rev3A_598 : i32 to vector<16xi32>
        %rev3A_600 = tpu.iota {dimensions = array<i32: 0>} : vector<16xi32>
        %rev3A_601 = arith.subi %rev3A_599, %rev3A_600 : vector<16xi32>
        %rev3A_602 = tpu.dynamic_gather %masked_sort3A_596[%rev3A_601] in [0] : vector<16xf32>, vector<16xi32> -> vector<16xf32>
        %rev3A_603 = arith.constant 15 : i32
        %rev3A_604 = vector.broadcast %rev3A_603 : i32 to vector<16xi32>
        %rev3A_605 = tpu.iota {dimensions = array<i32: 0>} : vector<16xi32>
        %rev3A_606 = arith.subi %rev3A_604, %rev3A_605 : vector<16xi32>
        %rev3A_607 = tpu.dynamic_gather %masked_sort3A_597[%rev3A_606] in [0] : vector<16xi32>, vector<16xi32> -> vector<16xi32>
        %le3A_608 = arith.cmpf ole, %while3A_584, %rev3A_602 : vector<16xf32>
        %select_n3A = arith.select %le3A_608, %while3A_584, %rev3A_602 : vector<16xi1>, vector<16xf32>
        %select_n3A_609 = arith.select %le3A_608, %while3A_585, %rev3A_607 : vector<16xi1>, vector<16xi32>
        %masked_sort3A_610 = arith.constant dense<true> : vector<16xi1>
        %masked_sort3A_611, %masked_sort3A_612, %masked_sort3A_613 = tpu.sort %select_n3A, %select_n3A_609 masked %masked_sort3A_610 : (vector<16xf32>, vector<16xi32>, vector<16xi1>) -> (vector<16xi1>, vector<16xf32>, vector<16xi32>)
        %rev3A_614 = arith.constant 15 : i32
        %rev3A_615 = vector.broadcast %rev3A_614 : i32 to vector<16xi32>
        %rev3A_616 = tpu.iota {dimensions = array<i32: 0>} : vector<16xi32>
        %rev3A_617 = arith.subi %rev3A_615, %rev3A_616 : vector<16xi32>
        %rev3A_618 = tpu.dynamic_gather %masked_sort3A_612[%rev3A_617] in [0] : vector<16xf32>, vector<16xi32> -> vector<16xf32>
        %rev3A_619 = arith.constant 15 : i32
        %rev3A_620 = vector.broadcast %rev3A_619 : i32 to vector<16xi32>
        %rev3A_621 = tpu.iota {dimensions = array<i32: 0>} : vector<16xi32>
        %rev3A_622 = arith.subi %rev3A_620, %rev3A_621 : vector<16xi32>
        %rev3A_623 = tpu.dynamic_gather %masked_sort3A_613[%rev3A_622] in [0] : vector<16xi32>, vector<16xi32> -> vector<16xi32>
        %le3A_624 = arith.cmpf ole, %while3A_582, %rev3A_618 : vector<16xf32>
        %select_n3A_625 = arith.select %le3A_624, %while3A_582, %rev3A_618 : vector<16xi1>, vector<16xf32>
        %select_n3A_626 = arith.select %le3A_624, %while3A_583, %rev3A_623 : vector<16xi1>, vector<16xi32>
        %select_n3A_627 = arith.select %le3A_624, %rev3A_618, %while3A_582 : vector<16xi1>, vector<16xf32>
        %select_n3A_628 = arith.select %le3A_624, %rev3A_623, %while3A_583 : vector<16xi1>, vector<16xi32>
        %masked_sort3A_629 = arith.constant dense<true> : vector<16xi1>
        %masked_sort3A_630, %masked_sort3A_631, %masked_sort3A_632 = tpu.sort %select_n3A_625, %select_n3A_626 masked %masked_sort3A_629 : (vector<16xf32>, vector<16xi32>, vector<16xi1>) -> (vector<16xi1>, vector<16xf32>, vector<16xi32>)
        %masked_sort3A_633 = arith.constant dense<true> : vector<16xi1>
        %masked_sort3A_634, %masked_sort3A_635, %masked_sort3A_636 = tpu.sort %select_n3A_627, %select_n3A_628 masked %masked_sort3A_633 : (vector<16xf32>, vector<16xi32>, vector<16xi1>) -> (vector<16xi1>, vector<16xf32>, vector<16xi32>)
        scf.yield %masked_sort3A_631, %masked_sort3A_632, %masked_sort3A_635, %masked_sort3A_636 : vector<16xf32>, vector<16xi32>, vector<16xf32>, vector<16xi32>
      }
      %while3A_474 = arith.constant 1 : i32
      %while3A_475:4 = scf.for %while3A_581 = %while3A_471 to %while3A_467 step %while3A_474 iter_args(%while3A_582 = %while3A_473#0, %while3A_583 = %while3A_473#1, %while3A_584 = %while3A_473#2, %while3A_585 = %while3A_473#3) -> (vector<16xf32>, vector<16xi32>, vector<16xf32>, vector<16xi32>)  : i32 {
        %broadcast_in_dim3A_586 = arith.constant 1 : i32
        %broadcast_in_dim3A_587 = vector.broadcast %broadcast_in_dim3A_586 : i32 to vector<16xi32>
        %broadcast_in_dim3A_588 = vector.broadcast %while3A_581 : i32 to vector<16xi32>
        %gather3A_589 = tpu.vector_load_idx %arg20[%broadcast_in_dim3A_587, %broadcast_in_dim3A_588] : memref<8x16xi32, #tpu.memory_space<vmem>>[vector<16xi32>, vector<16xi32>], vector<16xi32>,
        %mul3A_590 = arith.constant 128 : i32
        %mul3A_591 = vector.broadcast %mul3A_590 : i32 to vector<16xi32>
        %mul3A_592 = arith.muli %iota3A, %mul3A_591 : vector<16xi32>
        %add3A_593 = arith.addi %mul3A_592, %gather3A_589 : vector<16xi32>
        %gather3A_594 = tpu.vector_load_idx %arg10[%add3A_593] : memref<2048xf32, #tpu.memory_space<vmem>>[vector<16xi32>], vector<16xf32>,
        %masked_sort3A = arith.constant dense<true> : vector<16xi1>
        %masked_sort3A_595, %masked_sort3A_596, %masked_sort3A_597 = tpu.sort %gather3A_594, %add3A_593 masked %masked_sort3A : (vector<16xf32>, vector<16xi32>, vector<16xi1>) -> (vector<16xi1>, vector<16xf32>, vector<16xi32>)
        %rev3A_598 = arith.constant 15 : i32
        %rev3A_599 = vector.broadcast %rev3A_598 : i32 to vector<16xi32>
        %rev3A_600 = tpu.iota {dimensions = array<i32: 0>} : vector<16xi32>
        %rev3A_601 = arith.subi %rev3A_599, %rev3A_600 : vector<16xi32>
        %rev3A_602 = tpu.dynamic_gather %masked_sort3A_596[%rev3A_601] in [0] : vector<16xf32>, vector<16xi32> -> vector<16xf32>
        %rev3A_603 = arith.constant 15 : i32
        %rev3A_604 = vector.broadcast %rev3A_603 : i32 to vector<16xi32>
        %rev3A_605 = tpu.iota {dimensions = array<i32: 0>} : vector<16xi32>
        %rev3A_606 = arith.subi %rev3A_604, %rev3A_605 : vector<16xi32>
        %rev3A_607 = tpu.dynamic_gather %masked_sort3A_597[%rev3A_606] in [0] : vector<16xi32>, vector<16xi32> -> vector<16xi32>
        %le3A_608 = arith.cmpf ole, %while3A_584, %rev3A_602 : vector<16xf32>
        %select_n3A = arith.select %le3A_608, %while3A_584, %rev3A_602 : vector<16xi1>, vector<16xf32>
        %select_n3A_609 = arith.select %le3A_608, %while3A_585, %rev3A_607 : vector<16xi1>, vector<16xi32>
        %masked_sort3A_610 = arith.constant dense<true> : vector<16xi1>
        %masked_sort3A_611, %masked_sort3A_612, %masked_sort3A_613 = tpu.sort %select_n3A, %select_n3A_609 masked %masked_sort3A_610 : (vector<16xf32>, vector<16xi32>, vector<16xi1>) -> (vector<16xi1>, vector<16xf32>, vector<16xi32>)
        %rev3A_614 = arith.constant 15 : i32
        %rev3A_615 = vector.broadcast %rev3A_614 : i32 to vector<16xi32>
        %rev3A_616 = tpu.iota {dimensions = array<i32: 0>} : vector<16xi32>
        %rev3A_617 = arith.subi %rev3A_615, %rev3A_616 : vector<16xi32>
        %rev3A_618 = tpu.dynamic_gather %masked_sort3A_612[%rev3A_617] in [0] : vector<16xf32>, vector<16xi32> -> vector<16xf32>
        %rev3A_619 = arith.constant 15 : i32
        %rev3A_620 = vector.broadcast %rev3A_619 : i32 to vector<16xi32>
        %rev3A_621 = tpu.iota {dimensions = array<i32: 0>} : vector<16xi32>
        %rev3A_622 = arith.subi %rev3A_620, %rev3A_621 : vector<16xi32>
        %rev3A_623 = tpu.dynamic_gather %masked_sort3A_613[%rev3A_622] in [0] : vector<16xi32>, vector<16xi32> -> vector<16xi32>
        %le3A_624 = arith.cmpf ole, %while3A_582, %rev3A_618 : vector<16xf32>
        %select_n3A_625 = arith.select %le3A_624, %while3A_582, %rev3A_618 : vector<16xi1>, vector<16xf32>
        %select_n3A_626 = arith.select %le3A_624, %while3A_583, %rev3A_623 : vector<16xi1>, vector<16xi32>
        %select_n3A_627 = arith.select %le3A_624, %rev3A_618, %while3A_582 : vector<16xi1>, vector<16xf32>
        %select_n3A_628 = arith.select %le3A_624, %rev3A_623, %while3A_583 : vector<16xi1>, vector<16xi32>
        %masked_sort3A_629 = arith.constant dense<true> : vector<16xi1>
        %masked_sort3A_630, %masked_sort3A_631, %masked_sort3A_632 = tpu.sort %select_n3A_625, %select_n3A_626 masked %masked_sort3A_629 : (vector<16xf32>, vector<16xi32>, vector<16xi1>) -> (vector<16xi1>, vector<16xf32>, vector<16xi32>)
        %masked_sort3A_633 = arith.constant dense<true> : vector<16xi1>
        %masked_sort3A_634, %masked_sort3A_635, %masked_sort3A_636 = tpu.sort %select_n3A_627, %select_n3A_628 masked %masked_sort3A_633 : (vector<16xf32>, vector<16xi32>, vector<16xi1>) -> (vector<16xi1>, vector<16xf32>, vector<16xi32>)
        scf.yield %masked_sort3A_631, %masked_sort3A_632, %masked_sort3A_635, %masked_sort3A_636 : vector<16xf32>, vector<16xi32>, vector<16xf32>, vector<16xi32>
      }
      %while3A_476 = arith.constant 0 : i32
      %while3A_477 = arith.subi %reduce_max3A_364, %while3A_476 : i32
      %while3A_478 = arith.addi %while3A_476, %while3A_477 : i32
      %while3A_479 = arith.constant 1 : i32
      %while3A_480 = arith.divsi %while3A_477, %while3A_479 : i32
      %while3A_481 = arith.muli %while3A_480, %while3A_479 : i32
      %while3A_482 = arith.addi %while3A_476, %while3A_481 : i32
      %while3A_483 = arith.constant 1 : i32
      %while3A_484:4 = scf.for %while3A_581 = %while3A_476 to %while3A_482 step %while3A_483 iter_args(%while3A_582 = %while3A_475#0, %while3A_583 = %while3A_475#1, %while3A_584 = %while3A_475#2, %while3A_585 = %while3A_475#3) -> (vector<16xf32>, vector<16xi32>, vector<16xf32>, vector<16xi32>)  : i32 {
        %broadcast_in_dim3A_586 = arith.constant 2 : i32
        %broadcast_in_dim3A_587 = vector.broadcast %broadcast_in_dim3A_586 : i32 to vector<16xi32>
        %broadcast_in_dim3A_588 = vector.broadcast %while3A_581 : i32 to vector<16xi32>
        %gather3A_589 = tpu.vector_load_idx %arg20[%broadcast_in_dim3A_587, %broadcast_in_dim3A_588] : memref<8x16xi32, #tpu.memory_space<vmem>>[vector<16xi32>, vector<16xi32>], vector<16xi32>,
        %mul3A_590 = arith.constant 128 : i32
        %mul3A_591 = vector.broadcast %mul3A_590 : i32 to vector<16xi32>
        %mul3A_592 = arith.muli %iota3A, %mul3A_591 : vector<16xi32>
        %add3A_593 = arith.addi %mul3A_592, %gather3A_589 : vector<16xi32>
        %gather3A_594 = tpu.vector_load_idx %arg10[%add3A_593] : memref<2048xf32, #tpu.memory_space<vmem>>[vector<16xi32>], vector<16xf32>,
        %masked_sort3A = arith.constant dense<true> : vector<16xi1>
        %masked_sort3A_595, %masked_sort3A_596, %masked_sort3A_597 = tpu.sort %gather3A_594, %add3A_593 masked %masked_sort3A : (vector<16xf32>, vector<16xi32>, vector<16xi1>) -> (vector<16xi1>, vector<16xf32>, vector<16xi32>)
        %rev3A_598 = arith.constant 15 : i32
        %rev3A_599 = vector.broadcast %rev3A_598 : i32 to vector<16xi32>
        %rev3A_600 = tpu.iota {dimensions = array<i32: 0>} : vector<16xi32>
        %rev3A_601 = arith.subi %rev3A_599, %rev3A_600 : vector<16xi32>
        %rev3A_602 = tpu.dynamic_gather %masked_sort3A_596[%rev3A_601] in [0] : vector<16xf32>, vector<16xi32> -> vector<16xf32>
        %rev3A_603 = arith.constant 15 : i32
        %rev3A_604 = vector.broadcast %rev3A_603 : i32 to vector<16xi32>
        %rev3A_605 = tpu.iota {dimensions = array<i32: 0>} : vector<16xi32>
        %rev3A_606 = arith.subi %rev3A_604, %rev3A_605 : vector<16xi32>
        %rev3A_607 = tpu.dynamic_gather %masked_sort3A_597[%rev3A_606] in [0] : vector<16xi32>, vector<16xi32> -> vector<16xi32>
        %le3A_608 = arith.cmpf ole, %while3A_584, %rev3A_602 : vector<16xf32>
        %select_n3A = arith.select %le3A_608, %while3A_584, %rev3A_602 : vector<16xi1>, vector<16xf32>
        %select_n3A_609 = arith.select %le3A_608, %while3A_585, %rev3A_607 : vector<16xi1>, vector<16xi32>
        %masked_sort3A_610 = arith.constant dense<true> : vector<16xi1>
        %masked_sort3A_611, %masked_sort3A_612, %masked_sort3A_613 = tpu.sort %select_n3A, %select_n3A_609 masked %masked_sort3A_610 : (vector<16xf32>, vector<16xi32>, vector<16xi1>) -> (vector<16xi1>, vector<16xf32>, vector<16xi32>)
        %rev3A_614 = arith.constant 15 : i32
        %rev3A_615 = vector.broadcast %rev3A_614 : i32 to vector<16xi32>
        %rev3A_616 = tpu.iota {dimensions = array<i32: 0>} : vector<16xi32>
        %rev3A_617 = arith.subi %rev3A_615, %rev3A_616 : vector<16xi32>
        %rev3A_618 = tpu.dynamic_gather %masked_sort3A_612[%rev3A_617] in [0] : vector<16xf32>, vector<16xi32> -> vector<16xf32>
        %rev3A_619 = arith.constant 15 : i32
        %rev3A_620 = vector.broadcast %rev3A_619 : i32 to vector<16xi32>
        %rev3A_621 = tpu.iota {dimensions = array<i32: 0>} : vector<16xi32>
        %rev3A_622 = arith.subi %rev3A_620, %rev3A_621 : vector<16xi32>
        %rev3A_623 = tpu.dynamic_gather %masked_sort3A_613[%rev3A_622] in [0] : vector<16xi32>, vector<16xi32> -> vector<16xi32>
        %le3A_624 = arith.cmpf ole, %while3A_582, %rev3A_618 : vector<16xf32>
        %select_n3A_625 = arith.select %le3A_624, %while3A_582, %rev3A_618 : vector<16xi1>, vector<16xf32>
        %select_n3A_626 = arith.select %le3A_624, %while3A_583, %rev3A_623 : vector<16xi1>, vector<16xi32>
        %select_n3A_627 = arith.select %le3A_624, %rev3A_618, %while3A_582 : vector<16xi1>, vector<16xf32>
        %select_n3A_628 = arith.select %le3A_624, %rev3A_623, %while3A_583 : vector<16xi1>, vector<16xi32>
        %masked_sort3A_629 = arith.constant dense<true> : vector<16xi1>
        %masked_sort3A_630, %masked_sort3A_631, %masked_sort3A_632 = tpu.sort %select_n3A_625, %select_n3A_626 masked %masked_sort3A_629 : (vector<16xf32>, vector<16xi32>, vector<16xi1>) -> (vector<16xi1>, vector<16xf32>, vector<16xi32>)
        %masked_sort3A_633 = arith.constant dense<true> : vector<16xi1>
        %masked_sort3A_634, %masked_sort3A_635, %masked_sort3A_636 = tpu.sort %select_n3A_627, %select_n3A_628 masked %masked_sort3A_633 : (vector<16xf32>, vector<16xi32>, vector<16xi1>) -> (vector<16xi1>, vector<16xf32>, vector<16xi32>)
        scf.yield %masked_sort3A_631, %masked_sort3A_632, %masked_sort3A_635, %masked_sort3A_636 : vector<16xf32>, vector<16xi32>, vector<16xf32>, vector<16xi32>
      }
      %while3A_485 = arith.constant 1 : i32
      %while3A_486:4 = scf.for %while3A_581 = %while3A_482 to %while3A_478 step %while3A_485 iter_args(%while3A_582 = %while3A_484#0, %while3A_583 = %while3A_484#1, %while3A_584 = %while3A_484#2, %while3A_585 = %while3A_484#3) -> (vector<16xf32>, vector<16xi32>, vector<16xf32>, vector<16xi32>)  : i32 {
        %broadcast_in_dim3A_586 = arith.constant 2 : i32
        %broadcast_in_dim3A_587 = vector.broadcast %broadcast_in_dim3A_586 : i32 to vector<16xi32>
        %broadcast_in_dim3A_588 = vector.broadcast %while3A_581 : i32 to vector<16xi32>
        %gather3A_589 = tpu.vector_load_idx %arg20[%broadcast_in_dim3A_587, %broadcast_in_dim3A_588] : memref<8x16xi32, #tpu.memory_space<vmem>>[vector<16xi32>, vector<16xi32>], vector<16xi32>,
        %mul3A_590 = arith.constant 128 : i32
        %mul3A_591 = vector.broadcast %mul3A_590 : i32 to vector<16xi32>
        %mul3A_592 = arith.muli %iota3A, %mul3A_591 : vector<16xi32>
        %add3A_593 = arith.addi %mul3A_592, %gather3A_589 : vector<16xi32>
        %gather3A_594 = tpu.vector_load_idx %arg10[%add3A_593] : memref<2048xf32, #tpu.memory_space<vmem>>[vector<16xi32>], vector<16xf32>,
        %masked_sort3A = arith.constant dense<true> : vector<16xi1>
        %masked_sort3A_595, %masked_sort3A_596, %masked_sort3A_597 = tpu.sort %gather3A_594, %add3A_593 masked %masked_sort3A : (vector<16xf32>, vector<16xi32>, vector<16xi1>) -> (vector<16xi1>, vector<16xf32>, vector<16xi32>)
        %rev3A_598 = arith.constant 15 : i32
        %rev3A_599 = vector.broadcast %rev3A_598 : i32 to vector<16xi32>
        %rev3A_600 = tpu.iota {dimensions = array<i32: 0>} : vector<16xi32>
        %rev3A_601 = arith.subi %rev3A_599, %rev3A_600 : vector<16xi32>
        %rev3A_602 = tpu.dynamic_gather %masked_sort3A_596[%rev3A_601] in [0] : vector<16xf32>, vector<16xi32> -> vector<16xf32>
        %rev3A_603 = arith.constant 15 : i32
        %rev3A_604 = vector.broadcast %rev3A_603 : i32 to vector<16xi32>
        %rev3A_605 = tpu.iota {dimensions = array<i32: 0>} : vector<16xi32>
        %rev3A_606 = arith.subi %rev3A_604, %rev3A_605 : vector<16xi32>
        %rev3A_607 = tpu.dynamic_gather %masked_sort3A_597[%rev3A_606] in [0] : vector<16xi32>, vector<16xi32> -> vector<16xi32>
        %le3A_608 = arith.cmpf ole, %while3A_584, %rev3A_602 : vector<16xf32>
        %select_n3A = arith.select %le3A_608, %while3A_584, %rev3A_602 : vector<16xi1>, vector<16xf32>
        %select_n3A_609 = arith.select %le3A_608, %while3A_585, %rev3A_607 : vector<16xi1>, vector<16xi32>
        %masked_sort3A_610 = arith.constant dense<true> : vector<16xi1>
        %masked_sort3A_611, %masked_sort3A_612, %masked_sort3A_613 = tpu.sort %select_n3A, %select_n3A_609 masked %masked_sort3A_610 : (vector<16xf32>, vector<16xi32>, vector<16xi1>) -> (vector<16xi1>, vector<16xf32>, vector<16xi32>)
        %rev3A_614 = arith.constant 15 : i32
        %rev3A_615 = vector.broadcast %rev3A_614 : i32 to vector<16xi32>
        %rev3A_616 = tpu.iota {dimensions = array<i32: 0>} : vector<16xi32>
        %rev3A_617 = arith.subi %rev3A_615, %rev3A_616 : vector<16xi32>
        %rev3A_618 = tpu.dynamic_gather %masked_sort3A_612[%rev3A_617] in [0] : vector<16xf32>, vector<16xi32> -> vector<16xf32>
        %rev3A_619 = arith.constant 15 : i32
        %rev3A_620 = vector.broadcast %rev3A_619 : i32 to vector<16xi32>
        %rev3A_621 = tpu.iota {dimensions = array<i32: 0>} : vector<16xi32>
        %rev3A_622 = arith.subi %rev3A_620, %rev3A_621 : vector<16xi32>
        %rev3A_623 = tpu.dynamic_gather %masked_sort3A_613[%rev3A_622] in [0] : vector<16xi32>, vector<16xi32> -> vector<16xi32>
        %le3A_624 = arith.cmpf ole, %while3A_582, %rev3A_618 : vector<16xf32>
        %select_n3A_625 = arith.select %le3A_624, %while3A_582, %rev3A_618 : vector<16xi1>, vector<16xf32>
        %select_n3A_626 = arith.select %le3A_624, %while3A_583, %rev3A_623 : vector<16xi1>, vector<16xi32>
        %select_n3A_627 = arith.select %le3A_624, %rev3A_618, %while3A_582 : vector<16xi1>, vector<16xf32>
        %select_n3A_628 = arith.select %le3A_624, %rev3A_623, %while3A_583 : vector<16xi1>, vector<16xi32>
        %masked_sort3A_629 = arith.constant dense<true> : vector<16xi1>
        %masked_sort3A_630, %masked_sort3A_631, %masked_sort3A_632 = tpu.sort %select_n3A_625, %select_n3A_626 masked %masked_sort3A_629 : (vector<16xf32>, vector<16xi32>, vector<16xi1>) -> (vector<16xi1>, vector<16xf32>, vector<16xi32>)
        %masked_sort3A_633 = arith.constant dense<true> : vector<16xi1>
        %masked_sort3A_634, %masked_sort3A_635, %masked_sort3A_636 = tpu.sort %select_n3A_627, %select_n3A_628 masked %masked_sort3A_633 : (vector<16xf32>, vector<16xi32>, vector<16xi1>) -> (vector<16xi1>, vector<16xf32>, vector<16xi32>)
        scf.yield %masked_sort3A_631, %masked_sort3A_632, %masked_sort3A_635, %masked_sort3A_636 : vector<16xf32>, vector<16xi32>, vector<16xf32>, vector<16xi32>
      }
      %while3A_487 = arith.constant 0 : i32
      %while3A_488 = arith.subi %reduce_max3A_382, %while3A_487 : i32
      %while3A_489 = arith.addi %while3A_487, %while3A_488 : i32
      %while3A_490 = arith.constant 1 : i32
      %while3A_491 = arith.divsi %while3A_488, %while3A_490 : i32
      %while3A_492 = arith.muli %while3A_491, %while3A_490 : i32
      %while3A_493 = arith.addi %while3A_487, %while3A_492 : i32
      %while3A_494 = arith.constant 1 : i32
      %while3A_495:4 = scf.for %while3A_581 = %while3A_487 to %while3A_493 step %while3A_494 iter_args(%while3A_582 = %while3A_486#0, %while3A_583 = %while3A_486#1, %while3A_584 = %while3A_486#2, %while3A_585 = %while3A_486#3) -> (vector<16xf32>, vector<16xi32>, vector<16xf32>, vector<16xi32>)  : i32 {
        %broadcast_in_dim3A_586 = arith.constant 3 : i32
        %broadcast_in_dim3A_587 = vector.broadcast %broadcast_in_dim3A_586 : i32 to vector<16xi32>
        %broadcast_in_dim3A_588 = vector.broadcast %while3A_581 : i32 to vector<16xi32>
        %gather3A_589 = tpu.vector_load_idx %arg20[%broadcast_in_dim3A_587, %broadcast_in_dim3A_588] : memref<8x16xi32, #tpu.memory_space<vmem>>[vector<16xi32>, vector<16xi32>], vector<16xi32>,
        %mul3A_590 = arith.constant 128 : i32
        %mul3A_591 = vector.broadcast %mul3A_590 : i32 to vector<16xi32>
        %mul3A_592 = arith.muli %iota3A, %mul3A_591 : vector<16xi32>
        %add3A_593 = arith.addi %mul3A_592, %gather3A_589 : vector<16xi32>
        %gather3A_594 = tpu.vector_load_idx %arg10[%add3A_593] : memref<2048xf32, #tpu.memory_space<vmem>>[vector<16xi32>], vector<16xf32>,
        %masked_sort3A = arith.constant dense<true> : vector<16xi1>
        %masked_sort3A_595, %masked_sort3A_596, %masked_sort3A_597 = tpu.sort %gather3A_594, %add3A_593 masked %masked_sort3A : (vector<16xf32>, vector<16xi32>, vector<16xi1>) -> (vector<16xi1>, vector<16xf32>, vector<16xi32>)
        %rev3A_598 = arith.constant 15 : i32
        %rev3A_599 = vector.broadcast %rev3A_598 : i32 to vector<16xi32>
        %rev3A_600 = tpu.iota {dimensions = array<i32: 0>} : vector<16xi32>
        %rev3A_601 = arith.subi %rev3A_599, %rev3A_600 : vector<16xi32>
        %rev3A_602 = tpu.dynamic_gather %masked_sort3A_596[%rev3A_601] in [0] : vector<16xf32>, vector<16xi32> -> vector<16xf32>
        %rev3A_603 = arith.constant 15 : i32
        %rev3A_604 = vector.broadcast %rev3A_603 : i32 to vector<16xi32>
        %rev3A_605 = tpu.iota {dimensions = array<i32: 0>} : vector<16xi32>
        %rev3A_606 = arith.subi %rev3A_604, %rev3A_605 : vector<16xi32>
        %rev3A_607 = tpu.dynamic_gather %masked_sort3A_597[%rev3A_606] in [0] : vector<16xi32>, vector<16xi32> -> vector<16xi32>
        %le3A_608 = arith.cmpf ole, %while3A_584, %rev3A_602 : vector<16xf32>
        %select_n3A = arith.select %le3A_608, %while3A_584, %rev3A_602 : vector<16xi1>, vector<16xf32>
        %select_n3A_609 = arith.select %le3A_608, %while3A_585, %rev3A_607 : vector<16xi1>, vector<16xi32>
        %masked_sort3A_610 = arith.constant dense<true> : vector<16xi1>
        %masked_sort3A_611, %masked_sort3A_612, %masked_sort3A_613 = tpu.sort %select_n3A, %select_n3A_609 masked %masked_sort3A_610 : (vector<16xf32>, vector<16xi32>, vector<16xi1>) -> (vector<16xi1>, vector<16xf32>, vector<16xi32>)
        %rev3A_614 = arith.constant 15 : i32
        %rev3A_615 = vector.broadcast %rev3A_614 : i32 to vector<16xi32>
        %rev3A_616 = tpu.iota {dimensions = array<i32: 0>} : vector<16xi32>
        %rev3A_617 = arith.subi %rev3A_615, %rev3A_616 : vector<16xi32>
        %rev3A_618 = tpu.dynamic_gather %masked_sort3A_612[%rev3A_617] in [0] : vector<16xf32>, vector<16xi32> -> vector<16xf32>
        %rev3A_619 = arith.constant 15 : i32
        %rev3A_620 = vector.broadcast %rev3A_619 : i32 to vector<16xi32>
        %rev3A_621 = tpu.iota {dimensions = array<i32: 0>} : vector<16xi32>
        %rev3A_622 = arith.subi %rev3A_620, %rev3A_621 : vector<16xi32>
        %rev3A_623 = tpu.dynamic_gather %masked_sort3A_613[%rev3A_622] in [0] : vector<16xi32>, vector<16xi32> -> vector<16xi32>
        %le3A_624 = arith.cmpf ole, %while3A_582, %rev3A_618 : vector<16xf32>
        %select_n3A_625 = arith.select %le3A_624, %while3A_582, %rev3A_618 : vector<16xi1>, vector<16xf32>
        %select_n3A_626 = arith.select %le3A_624, %while3A_583, %rev3A_623 : vector<16xi1>, vector<16xi32>
        %select_n3A_627 = arith.select %le3A_624, %rev3A_618, %while3A_582 : vector<16xi1>, vector<16xf32>
        %select_n3A_628 = arith.select %le3A_624, %rev3A_623, %while3A_583 : vector<16xi1>, vector<16xi32>
        %masked_sort3A_629 = arith.constant dense<true> : vector<16xi1>
        %masked_sort3A_630, %masked_sort3A_631, %masked_sort3A_632 = tpu.sort %select_n3A_625, %select_n3A_626 masked %masked_sort3A_629 : (vector<16xf32>, vector<16xi32>, vector<16xi1>) -> (vector<16xi1>, vector<16xf32>, vector<16xi32>)
        %masked_sort3A_633 = arith.constant dense<true> : vector<16xi1>
        %masked_sort3A_634, %masked_sort3A_635, %masked_sort3A_636 = tpu.sort %select_n3A_627, %select_n3A_628 masked %masked_sort3A_633 : (vector<16xf32>, vector<16xi32>, vector<16xi1>) -> (vector<16xi1>, vector<16xf32>, vector<16xi32>)
        scf.yield %masked_sort3A_631, %masked_sort3A_632, %masked_sort3A_635, %masked_sort3A_636 : vector<16xf32>, vector<16xi32>, vector<16xf32>, vector<16xi32>
      }
      %while3A_496 = arith.constant 1 : i32
      %while3A_497:4 = scf.for %while3A_581 = %while3A_493 to %while3A_489 step %while3A_496 iter_args(%while3A_582 = %while3A_495#0, %while3A_583 = %while3A_495#1, %while3A_584 = %while3A_495#2, %while3A_585 = %while3A_495#3) -> (vector<16xf32>, vector<16xi32>, vector<16xf32>, vector<16xi32>)  : i32 {
        %broadcast_in_dim3A_586 = arith.constant 3 : i32
        %broadcast_in_dim3A_587 = vector.broadcast %broadcast_in_dim3A_586 : i32 to vector<16xi32>
        %broadcast_in_dim3A_588 = vector.broadcast %while3A_581 : i32 to vector<16xi32>
        %gather3A_589 = tpu.vector_load_idx %arg20[%broadcast_in_dim3A_587, %broadcast_in_dim3A_588] : memref<8x16xi32, #tpu.memory_space<vmem>>[vector<16xi32>, vector<16xi32>], vector<16xi32>,
        %mul3A_590 = arith.constant 128 : i32
        %mul3A_591 = vector.broadcast %mul3A_590 : i32 to vector<16xi32>
        %mul3A_592 = arith.muli %iota3A, %mul3A_591 : vector<16xi32>
        %add3A_593 = arith.addi %mul3A_592, %gather3A_589 : vector<16xi32>
        %gather3A_594 = tpu.vector_load_idx %arg10[%add3A_593] : memref<2048xf32, #tpu.memory_space<vmem>>[vector<16xi32>], vector<16xf32>,
        %masked_sort3A = arith.constant dense<true> : vector<16xi1>
        %masked_sort3A_595, %masked_sort3A_596, %masked_sort3A_597 = tpu.sort %gather3A_594, %add3A_593 masked %masked_sort3A : (vector<16xf32>, vector<16xi32>, vector<16xi1>) -> (vector<16xi1>, vector<16xf32>, vector<16xi32>)
        %rev3A_598 = arith.constant 15 : i32
        %rev3A_599 = vector.broadcast %rev3A_598 : i32 to vector<16xi32>
        %rev3A_600 = tpu.iota {dimensions = array<i32: 0>} : vector<16xi32>
        %rev3A_601 = arith.subi %rev3A_599, %rev3A_600 : vector<16xi32>
        %rev3A_602 = tpu.dynamic_gather %masked_sort3A_596[%rev3A_601] in [0] : vector<16xf32>, vector<16xi32> -> vector<16xf32>
        %rev3A_603 = arith.constant 15 : i32
        %rev3A_604 = vector.broadcast %rev3A_603 : i32 to vector<16xi32>
        %rev3A_605 = tpu.iota {dimensions = array<i32: 0>} : vector<16xi32>
        %rev3A_606 = arith.subi %rev3A_604, %rev3A_605 : vector<16xi32>
        %rev3A_607 = tpu.dynamic_gather %masked_sort3A_597[%rev3A_606] in [0] : vector<16xi32>, vector<16xi32> -> vector<16xi32>
        %le3A_608 = arith.cmpf ole, %while3A_584, %rev3A_602 : vector<16xf32>
        %select_n3A = arith.select %le3A_608, %while3A_584, %rev3A_602 : vector<16xi1>, vector<16xf32>
        %select_n3A_609 = arith.select %le3A_608, %while3A_585, %rev3A_607 : vector<16xi1>, vector<16xi32>
        %masked_sort3A_610 = arith.constant dense<true> : vector<16xi1>
        %masked_sort3A_611, %masked_sort3A_612, %masked_sort3A_613 = tpu.sort %select_n3A, %select_n3A_609 masked %masked_sort3A_610 : (vector<16xf32>, vector<16xi32>, vector<16xi1>) -> (vector<16xi1>, vector<16xf32>, vector<16xi32>)
        %rev3A_614 = arith.constant 15 : i32
        %rev3A_615 = vector.broadcast %rev3A_614 : i32 to vector<16xi32>
        %rev3A_616 = tpu.iota {dimensions = array<i32: 0>} : vector<16xi32>
        %rev3A_617 = arith.subi %rev3A_615, %rev3A_616 : vector<16xi32>
        %rev3A_618 = tpu.dynamic_gather %masked_sort3A_612[%rev3A_617] in [0] : vector<16xf32>, vector<16xi32> -> vector<16xf32>
        %rev3A_619 = arith.constant 15 : i32
        %rev3A_620 = vector.broadcast %rev3A_619 : i32 to vector<16xi32>
        %rev3A_621 = tpu.iota {dimensions = array<i32: 0>} : vector<16xi32>
        %rev3A_622 = arith.subi %rev3A_620, %rev3A_621 : vector<16xi32>
        %rev3A_623 = tpu.dynamic_gather %masked_sort3A_613[%rev3A_622] in [0] : vector<16xi32>, vector<16xi32> -> vector<16xi32>
        %le3A_624 = arith.cmpf ole, %while3A_582, %rev3A_618 : vector<16xf32>
        %select_n3A_625 = arith.select %le3A_624, %while3A_582, %rev3A_618 : vector<16xi1>, vector<16xf32>
        %select_n3A_626 = arith.select %le3A_624, %while3A_583, %rev3A_623 : vector<16xi1>, vector<16xi32>
        %select_n3A_627 = arith.select %le3A_624, %rev3A_618, %while3A_582 : vector<16xi1>, vector<16xf32>
        %select_n3A_628 = arith.select %le3A_624, %rev3A_623, %while3A_583 : vector<16xi1>, vector<16xi32>
        %masked_sort3A_629 = arith.constant dense<true> : vector<16xi1>
        %masked_sort3A_630, %masked_sort3A_631, %masked_sort3A_632 = tpu.sort %select_n3A_625, %select_n3A_626 masked %masked_sort3A_629 : (vector<16xf32>, vector<16xi32>, vector<16xi1>) -> (vector<16xi1>, vector<16xf32>, vector<16xi32>)
        %masked_sort3A_633 = arith.constant dense<true> : vector<16xi1>
        %masked_sort3A_634, %masked_sort3A_635, %masked_sort3A_636 = tpu.sort %select_n3A_627, %select_n3A_628 masked %masked_sort3A_633 : (vector<16xf32>, vector<16xi32>, vector<16xi1>) -> (vector<16xi1>, vector<16xf32>, vector<16xi32>)
        scf.yield %masked_sort3A_631, %masked_sort3A_632, %masked_sort3A_635, %masked_sort3A_636 : vector<16xf32>, vector<16xi32>, vector<16xf32>, vector<16xi32>
      }
      %while3A_498 = arith.constant 0 : i32
      %while3A_499 = arith.subi %reduce_max3A_400, %while3A_498 : i32
      %while3A_500 = arith.addi %while3A_498, %while3A_499 : i32
      %while3A_501 = arith.constant 1 : i32
      %while3A_502 = arith.divsi %while3A_499, %while3A_501 : i32
      %while3A_503 = arith.muli %while3A_502, %while3A_501 : i32
      %while3A_504 = arith.addi %while3A_498, %while3A_503 : i32
      %while3A_505 = arith.constant 1 : i32
      %while3A_506:4 = scf.for %while3A_581 = %while3A_498 to %while3A_504 step %while3A_505 iter_args(%while3A_582 = %while3A_497#0, %while3A_583 = %while3A_497#1, %while3A_584 = %while3A_497#2, %while3A_585 = %while3A_497#3) -> (vector<16xf32>, vector<16xi32>, vector<16xf32>, vector<16xi32>)  : i32 {
        %broadcast_in_dim3A_586 = arith.constant 4 : i32
        %broadcast_in_dim3A_587 = vector.broadcast %broadcast_in_dim3A_586 : i32 to vector<16xi32>
        %broadcast_in_dim3A_588 = vector.broadcast %while3A_581 : i32 to vector<16xi32>
        %gather3A_589 = tpu.vector_load_idx %arg20[%broadcast_in_dim3A_587, %broadcast_in_dim3A_588] : memref<8x16xi32, #tpu.memory_space<vmem>>[vector<16xi32>, vector<16xi32>], vector<16xi32>,
        %mul3A_590 = arith.constant 128 : i32
        %mul3A_591 = vector.broadcast %mul3A_590 : i32 to vector<16xi32>
        %mul3A_592 = arith.muli %iota3A, %mul3A_591 : vector<16xi32>
        %add3A_593 = arith.addi %mul3A_592, %gather3A_589 : vector<16xi32>
        %gather3A_594 = tpu.vector_load_idx %arg10[%add3A_593] : memref<2048xf32, #tpu.memory_space<vmem>>[vector<16xi32>], vector<16xf32>,
        %masked_sort3A = arith.constant dense<true> : vector<16xi1>
        %masked_sort3A_595, %masked_sort3A_596, %masked_sort3A_597 = tpu.sort %gather3A_594, %add3A_593 masked %masked_sort3A : (vector<16xf32>, vector<16xi32>, vector<16xi1>) -> (vector<16xi1>, vector<16xf32>, vector<16xi32>)
        %rev3A_598 = arith.constant 15 : i32
        %rev3A_599 = vector.broadcast %rev3A_598 : i32 to vector<16xi32>
        %rev3A_600 = tpu.iota {dimensions = array<i32: 0>} : vector<16xi32>
        %rev3A_601 = arith.subi %rev3A_599, %rev3A_600 : vector<16xi32>
        %rev3A_602 = tpu.dynamic_gather %masked_sort3A_596[%rev3A_601] in [0] : vector<16xf32>, vector<16xi32> -> vector<16xf32>
        %rev3A_603 = arith.constant 15 : i32
        %rev3A_604 = vector.broadcast %rev3A_603 : i32 to vector<16xi32>
        %rev3A_605 = tpu.iota {dimensions = array<i32: 0>} : vector<16xi32>
        %rev3A_606 = arith.subi %rev3A_604, %rev3A_605 : vector<16xi32>
        %rev3A_607 = tpu.dynamic_gather %masked_sort3A_597[%rev3A_606] in [0] : vector<16xi32>, vector<16xi32> -> vector<16xi32>
        %le3A_608 = arith.cmpf ole, %while3A_584, %rev3A_602 : vector<16xf32>
        %select_n3A = arith.select %le3A_608, %while3A_584, %rev3A_602 : vector<16xi1>, vector<16xf32>
        %select_n3A_609 = arith.select %le3A_608, %while3A_585, %rev3A_607 : vector<16xi1>, vector<16xi32>
        %masked_sort3A_610 = arith.constant dense<true> : vector<16xi1>
        %masked_sort3A_611, %masked_sort3A_612, %masked_sort3A_613 = tpu.sort %select_n3A, %select_n3A_609 masked %masked_sort3A_610 : (vector<16xf32>, vector<16xi32>, vector<16xi1>) -> (vector<16xi1>, vector<16xf32>, vector<16xi32>)
        %rev3A_614 = arith.constant 15 : i32
        %rev3A_615 = vector.broadcast %rev3A_614 : i32 to vector<16xi32>
        %rev3A_616 = tpu.iota {dimensions = array<i32: 0>} : vector<16xi32>
        %rev3A_617 = arith.subi %rev3A_615, %rev3A_616 : vector<16xi32>
        %rev3A_618 = tpu.dynamic_gather %masked_sort3A_612[%rev3A_617] in [0] : vector<16xf32>, vector<16xi32> -> vector<16xf32>
        %rev3A_619 = arith.constant 15 : i32
        %rev3A_620 = vector.broadcast %rev3A_619 : i32 to vector<16xi32>
        %rev3A_621 = tpu.iota {dimensions = array<i32: 0>} : vector<16xi32>
        %rev3A_622 = arith.subi %rev3A_620, %rev3A_621 : vector<16xi32>
        %rev3A_623 = tpu.dynamic_gather %masked_sort3A_613[%rev3A_622] in [0] : vector<16xi32>, vector<16xi32> -> vector<16xi32>
        %le3A_624 = arith.cmpf ole, %while3A_582, %rev3A_618 : vector<16xf32>
        %select_n3A_625 = arith.select %le3A_624, %while3A_582, %rev3A_618 : vector<16xi1>, vector<16xf32>
        %select_n3A_626 = arith.select %le3A_624, %while3A_583, %rev3A_623 : vector<16xi1>, vector<16xi32>
        %select_n3A_627 = arith.select %le3A_624, %rev3A_618, %while3A_582 : vector<16xi1>, vector<16xf32>
        %select_n3A_628 = arith.select %le3A_624, %rev3A_623, %while3A_583 : vector<16xi1>, vector<16xi32>
        %masked_sort3A_629 = arith.constant dense<true> : vector<16xi1>
        %masked_sort3A_630, %masked_sort3A_631, %masked_sort3A_632 = tpu.sort %select_n3A_625, %select_n3A_626 masked %masked_sort3A_629 : (vector<16xf32>, vector<16xi32>, vector<16xi1>) -> (vector<16xi1>, vector<16xf32>, vector<16xi32>)
        %masked_sort3A_633 = arith.constant dense<true> : vector<16xi1>
        %masked_sort3A_634, %masked_sort3A_635, %masked_sort3A_636 = tpu.sort %select_n3A_627, %select_n3A_628 masked %masked_sort3A_633 : (vector<16xf32>, vector<16xi32>, vector<16xi1>) -> (vector<16xi1>, vector<16xf32>, vector<16xi32>)
        scf.yield %masked_sort3A_631, %masked_sort3A_632, %masked_sort3A_635, %masked_sort3A_636 : vector<16xf32>, vector<16xi32>, vector<16xf32>, vector<16xi32>
      }
      %while3A_507 = arith.constant 1 : i32
      %while3A_508:4 = scf.for %while3A_581 = %while3A_504 to %while3A_500 step %while3A_507 iter_args(%while3A_582 = %while3A_506#0, %while3A_583 = %while3A_506#1, %while3A_584 = %while3A_506#2, %while3A_585 = %while3A_506#3) -> (vector<16xf32>, vector<16xi32>, vector<16xf32>, vector<16xi32>)  : i32 {
        %broadcast_in_dim3A_586 = arith.constant 4 : i32
        %broadcast_in_dim3A_587 = vector.broadcast %broadcast_in_dim3A_586 : i32 to vector<16xi32>
        %broadcast_in_dim3A_588 = vector.broadcast %while3A_581 : i32 to vector<16xi32>
        %gather3A_589 = tpu.vector_load_idx %arg20[%broadcast_in_dim3A_587, %broadcast_in_dim3A_588] : memref<8x16xi32, #tpu.memory_space<vmem>>[vector<16xi32>, vector<16xi32>], vector<16xi32>,
        %mul3A_590 = arith.constant 128 : i32
        %mul3A_591 = vector.broadcast %mul3A_590 : i32 to vector<16xi32>
        %mul3A_592 = arith.muli %iota3A, %mul3A_591 : vector<16xi32>
        %add3A_593 = arith.addi %mul3A_592, %gather3A_589 : vector<16xi32>
        %gather3A_594 = tpu.vector_load_idx %arg10[%add3A_593] : memref<2048xf32, #tpu.memory_space<vmem>>[vector<16xi32>], vector<16xf32>,
        %masked_sort3A = arith.constant dense<true> : vector<16xi1>
        %masked_sort3A_595, %masked_sort3A_596, %masked_sort3A_597 = tpu.sort %gather3A_594, %add3A_593 masked %masked_sort3A : (vector<16xf32>, vector<16xi32>, vector<16xi1>) -> (vector<16xi1>, vector<16xf32>, vector<16xi32>)
        %rev3A_598 = arith.constant 15 : i32
        %rev3A_599 = vector.broadcast %rev3A_598 : i32 to vector<16xi32>
        %rev3A_600 = tpu.iota {dimensions = array<i32: 0>} : vector<16xi32>
        %rev3A_601 = arith.subi %rev3A_599, %rev3A_600 : vector<16xi32>
        %rev3A_602 = tpu.dynamic_gather %masked_sort3A_596[%rev3A_601] in [0] : vector<16xf32>, vector<16xi32> -> vector<16xf32>
        %rev3A_603 = arith.constant 15 : i32
        %rev3A_604 = vector.broadcast %rev3A_603 : i32 to vector<16xi32>
        %rev3A_605 = tpu.iota {dimensions = array<i32: 0>} : vector<16xi32>
        %rev3A_606 = arith.subi %rev3A_604, %rev3A_605 : vector<16xi32>
        %rev3A_607 = tpu.dynamic_gather %masked_sort3A_597[%rev3A_606] in [0] : vector<16xi32>, vector<16xi32> -> vector<16xi32>
        %le3A_608 = arith.cmpf ole, %while3A_584, %rev3A_602 : vector<16xf32>
        %select_n3A = arith.select %le3A_608, %while3A_584, %rev3A_602 : vector<16xi1>, vector<16xf32>
        %select_n3A_609 = arith.select %le3A_608, %while3A_585, %rev3A_607 : vector<16xi1>, vector<16xi32>
        %masked_sort3A_610 = arith.constant dense<true> : vector<16xi1>
        %masked_sort3A_611, %masked_sort3A_612, %masked_sort3A_613 = tpu.sort %select_n3A, %select_n3A_609 masked %masked_sort3A_610 : (vector<16xf32>, vector<16xi32>, vector<16xi1>) -> (vector<16xi1>, vector<16xf32>, vector<16xi32>)
        %rev3A_614 = arith.constant 15 : i32
        %rev3A_615 = vector.broadcast %rev3A_614 : i32 to vector<16xi32>
        %rev3A_616 = tpu.iota {dimensions = array<i32: 0>} : vector<16xi32>
        %rev3A_617 = arith.subi %rev3A_615, %rev3A_616 : vector<16xi32>
        %rev3A_618 = tpu.dynamic_gather %masked_sort3A_612[%rev3A_617] in [0] : vector<16xf32>, vector<16xi32> -> vector<16xf32>
        %rev3A_619 = arith.constant 15 : i32
        %rev3A_620 = vector.broadcast %rev3A_619 : i32 to vector<16xi32>
        %rev3A_621 = tpu.iota {dimensions = array<i32: 0>} : vector<16xi32>
        %rev3A_622 = arith.subi %rev3A_620, %rev3A_621 : vector<16xi32>
        %rev3A_623 = tpu.dynamic_gather %masked_sort3A_613[%rev3A_622] in [0] : vector<16xi32>, vector<16xi32> -> vector<16xi32>
        %le3A_624 = arith.cmpf ole, %while3A_582, %rev3A_618 : vector<16xf32>
        %select_n3A_625 = arith.select %le3A_624, %while3A_582, %rev3A_618 : vector<16xi1>, vector<16xf32>
        %select_n3A_626 = arith.select %le3A_624, %while3A_583, %rev3A_623 : vector<16xi1>, vector<16xi32>
        %select_n3A_627 = arith.select %le3A_624, %rev3A_618, %while3A_582 : vector<16xi1>, vector<16xf32>
        %select_n3A_628 = arith.select %le3A_624, %rev3A_623, %while3A_583 : vector<16xi1>, vector<16xi32>
        %masked_sort3A_629 = arith.constant dense<true> : vector<16xi1>
        %masked_sort3A_630, %masked_sort3A_631, %masked_sort3A_632 = tpu.sort %select_n3A_625, %select_n3A_626 masked %masked_sort3A_629 : (vector<16xf32>, vector<16xi32>, vector<16xi1>) -> (vector<16xi1>, vector<16xf32>, vector<16xi32>)
        %masked_sort3A_633 = arith.constant dense<true> : vector<16xi1>
        %masked_sort3A_634, %masked_sort3A_635, %masked_sort3A_636 = tpu.sort %select_n3A_627, %select_n3A_628 masked %masked_sort3A_633 : (vector<16xf32>, vector<16xi32>, vector<16xi1>) -> (vector<16xi1>, vector<16xf32>, vector<16xi32>)
        scf.yield %masked_sort3A_631, %masked_sort3A_632, %masked_sort3A_635, %masked_sort3A_636 : vector<16xf32>, vector<16xi32>, vector<16xf32>, vector<16xi32>
      }
      %while3A_509 = arith.constant 0 : i32
      %while3A_510 = arith.subi %reduce_max3A_418, %while3A_509 : i32
      %while3A_511 = arith.addi %while3A_509, %while3A_510 : i32
      %while3A_512 = arith.constant 1 : i32
      %while3A_513 = arith.divsi %while3A_510, %while3A_512 : i32
      %while3A_514 = arith.muli %while3A_513, %while3A_512 : i32
      %while3A_515 = arith.addi %while3A_509, %while3A_514 : i32
      %while3A_516 = arith.constant 1 : i32
      %while3A_517:4 = scf.for %while3A_581 = %while3A_509 to %while3A_515 step %while3A_516 iter_args(%while3A_582 = %while3A_508#0, %while3A_583 = %while3A_508#1, %while3A_584 = %while3A_508#2, %while3A_585 = %while3A_508#3) -> (vector<16xf32>, vector<16xi32>, vector<16xf32>, vector<16xi32>)  : i32 {
        %broadcast_in_dim3A_586 = arith.constant 5 : i32
        %broadcast_in_dim3A_587 = vector.broadcast %broadcast_in_dim3A_586 : i32 to vector<16xi32>
        %broadcast_in_dim3A_588 = vector.broadcast %while3A_581 : i32 to vector<16xi32>
        %gather3A_589 = tpu.vector_load_idx %arg20[%broadcast_in_dim3A_587, %broadcast_in_dim3A_588] : memref<8x16xi32, #tpu.memory_space<vmem>>[vector<16xi32>, vector<16xi32>], vector<16xi32>,
        %mul3A_590 = arith.constant 128 : i32
        %mul3A_591 = vector.broadcast %mul3A_590 : i32 to vector<16xi32>
        %mul3A_592 = arith.muli %iota3A, %mul3A_591 : vector<16xi32>
        %add3A_593 = arith.addi %mul3A_592, %gather3A_589 : vector<16xi32>
        %gather3A_594 = tpu.vector_load_idx %arg10[%add3A_593] : memref<2048xf32, #tpu.memory_space<vmem>>[vector<16xi32>], vector<16xf32>,
        %masked_sort3A = arith.constant dense<true> : vector<16xi1>
        %masked_sort3A_595, %masked_sort3A_596, %masked_sort3A_597 = tpu.sort %gather3A_594, %add3A_593 masked %masked_sort3A : (vector<16xf32>, vector<16xi32>, vector<16xi1>) -> (vector<16xi1>, vector<16xf32>, vector<16xi32>)
        %rev3A_598 = arith.constant 15 : i32
        %rev3A_599 = vector.broadcast %rev3A_598 : i32 to vector<16xi32>
        %rev3A_600 = tpu.iota {dimensions = array<i32: 0>} : vector<16xi32>
        %rev3A_601 = arith.subi %rev3A_599, %rev3A_600 : vector<16xi32>
        %rev3A_602 = tpu.dynamic_gather %masked_sort3A_596[%rev3A_601] in [0] : vector<16xf32>, vector<16xi32> -> vector<16xf32>
        %rev3A_603 = arith.constant 15 : i32
        %rev3A_604 = vector.broadcast %rev3A_603 : i32 to vector<16xi32>
        %rev3A_605 = tpu.iota {dimensions = array<i32: 0>} : vector<16xi32>
        %rev3A_606 = arith.subi %rev3A_604, %rev3A_605 : vector<16xi32>
        %rev3A_607 = tpu.dynamic_gather %masked_sort3A_597[%rev3A_606] in [0] : vector<16xi32>, vector<16xi32> -> vector<16xi32>
        %le3A_608 = arith.cmpf ole, %while3A_584, %rev3A_602 : vector<16xf32>
        %select_n3A = arith.select %le3A_608, %while3A_584, %rev3A_602 : vector<16xi1>, vector<16xf32>
        %select_n3A_609 = arith.select %le3A_608, %while3A_585, %rev3A_607 : vector<16xi1>, vector<16xi32>
        %masked_sort3A_610 = arith.constant dense<true> : vector<16xi1>
        %masked_sort3A_611, %masked_sort3A_612, %masked_sort3A_613 = tpu.sort %select_n3A, %select_n3A_609 masked %masked_sort3A_610 : (vector<16xf32>, vector<16xi32>, vector<16xi1>) -> (vector<16xi1>, vector<16xf32>, vector<16xi32>)
        %rev3A_614 = arith.constant 15 : i32
        %rev3A_615 = vector.broadcast %rev3A_614 : i32 to vector<16xi32>
        %rev3A_616 = tpu.iota {dimensions = array<i32: 0>} : vector<16xi32>
        %rev3A_617 = arith.subi %rev3A_615, %rev3A_616 : vector<16xi32>
        %rev3A_618 = tpu.dynamic_gather %masked_sort3A_612[%rev3A_617] in [0] : vector<16xf32>, vector<16xi32> -> vector<16xf32>
        %rev3A_619 = arith.constant 15 : i32
        %rev3A_620 = vector.broadcast %rev3A_619 : i32 to vector<16xi32>
        %rev3A_621 = tpu.iota {dimensions = array<i32: 0>} : vector<16xi32>
        %rev3A_622 = arith.subi %rev3A_620, %rev3A_621 : vector<16xi32>
        %rev3A_623 = tpu.dynamic_gather %masked_sort3A_613[%rev3A_622] in [0] : vector<16xi32>, vector<16xi32> -> vector<16xi32>
        %le3A_624 = arith.cmpf ole, %while3A_582, %rev3A_618 : vector<16xf32>
        %select_n3A_625 = arith.select %le3A_624, %while3A_582, %rev3A_618 : vector<16xi1>, vector<16xf32>
        %select_n3A_626 = arith.select %le3A_624, %while3A_583, %rev3A_623 : vector<16xi1>, vector<16xi32>
        %select_n3A_627 = arith.select %le3A_624, %rev3A_618, %while3A_582 : vector<16xi1>, vector<16xf32>
        %select_n3A_628 = arith.select %le3A_624, %rev3A_623, %while3A_583 : vector<16xi1>, vector<16xi32>
        %masked_sort3A_629 = arith.constant dense<true> : vector<16xi1>
        %masked_sort3A_630, %masked_sort3A_631, %masked_sort3A_632 = tpu.sort %select_n3A_625, %select_n3A_626 masked %masked_sort3A_629 : (vector<16xf32>, vector<16xi32>, vector<16xi1>) -> (vector<16xi1>, vector<16xf32>, vector<16xi32>)
        %masked_sort3A_633 = arith.constant dense<true> : vector<16xi1>
        %masked_sort3A_634, %masked_sort3A_635, %masked_sort3A_636 = tpu.sort %select_n3A_627, %select_n3A_628 masked %masked_sort3A_633 : (vector<16xf32>, vector<16xi32>, vector<16xi1>) -> (vector<16xi1>, vector<16xf32>, vector<16xi32>)
        scf.yield %masked_sort3A_631, %masked_sort3A_632, %masked_sort3A_635, %masked_sort3A_636 : vector<16xf32>, vector<16xi32>, vector<16xf32>, vector<16xi32>
      }
      %while3A_518 = arith.constant 1 : i32
      %while3A_519:4 = scf.for %while3A_581 = %while3A_515 to %while3A_511 step %while3A_518 iter_args(%while3A_582 = %while3A_517#0, %while3A_583 = %while3A_517#1, %while3A_584 = %while3A_517#2, %while3A_585 = %while3A_517#3) -> (vector<16xf32>, vector<16xi32>, vector<16xf32>, vector<16xi32>)  : i32 {
        %broadcast_in_dim3A_586 = arith.constant 5 : i32
        %broadcast_in_dim3A_587 = vector.broadcast %broadcast_in_dim3A_586 : i32 to vector<16xi32>
        %broadcast_in_dim3A_588 = vector.broadcast %while3A_581 : i32 to vector<16xi32>
        %gather3A_589 = tpu.vector_load_idx %arg20[%broadcast_in_dim3A_587, %broadcast_in_dim3A_588] : memref<8x16xi32, #tpu.memory_space<vmem>>[vector<16xi32>, vector<16xi32>], vector<16xi32>,
        %mul3A_590 = arith.constant 128 : i32
        %mul3A_591 = vector.broadcast %mul3A_590 : i32 to vector<16xi32>
        %mul3A_592 = arith.muli %iota3A, %mul3A_591 : vector<16xi32>
        %add3A_593 = arith.addi %mul3A_592, %gather3A_589 : vector<16xi32>
        %gather3A_594 = tpu.vector_load_idx %arg10[%add3A_593] : memref<2048xf32, #tpu.memory_space<vmem>>[vector<16xi32>], vector<16xf32>,
        %masked_sort3A = arith.constant dense<true> : vector<16xi1>
        %masked_sort3A_595, %masked_sort3A_596, %masked_sort3A_597 = tpu.sort %gather3A_594, %add3A_593 masked %masked_sort3A : (vector<16xf32>, vector<16xi32>, vector<16xi1>) -> (vector<16xi1>, vector<16xf32>, vector<16xi32>)
        %rev3A_598 = arith.constant 15 : i32
        %rev3A_599 = vector.broadcast %rev3A_598 : i32 to vector<16xi32>
        %rev3A_600 = tpu.iota {dimensions = array<i32: 0>} : vector<16xi32>
        %rev3A_601 = arith.subi %rev3A_599, %rev3A_600 : vector<16xi32>
        %rev3A_602 = tpu.dynamic_gather %masked_sort3A_596[%rev3A_601] in [0] : vector<16xf32>, vector<16xi32> -> vector<16xf32>
        %rev3A_603 = arith.constant 15 : i32
        %rev3A_604 = vector.broadcast %rev3A_603 : i32 to vector<16xi32>
        %rev3A_605 = tpu.iota {dimensions = array<i32: 0>} : vector<16xi32>
        %rev3A_606 = arith.subi %rev3A_604, %rev3A_605 : vector<16xi32>
        %rev3A_607 = tpu.dynamic_gather %masked_sort3A_597[%rev3A_606] in [0] : vector<16xi32>, vector<16xi32> -> vector<16xi32>
        %le3A_608 = arith.cmpf ole, %while3A_584, %rev3A_602 : vector<16xf32>
        %select_n3A = arith.select %le3A_608, %while3A_584, %rev3A_602 : vector<16xi1>, vector<16xf32>
        %select_n3A_609 = arith.select %le3A_608, %while3A_585, %rev3A_607 : vector<16xi1>, vector<16xi32>
        %masked_sort3A_610 = arith.constant dense<true> : vector<16xi1>
        %masked_sort3A_611, %masked_sort3A_612, %masked_sort3A_613 = tpu.sort %select_n3A, %select_n3A_609 masked %masked_sort3A_610 : (vector<16xf32>, vector<16xi32>, vector<16xi1>) -> (vector<16xi1>, vector<16xf32>, vector<16xi32>)
        %rev3A_614 = arith.constant 15 : i32
        %rev3A_615 = vector.broadcast %rev3A_614 : i32 to vector<16xi32>
        %rev3A_616 = tpu.iota {dimensions = array<i32: 0>} : vector<16xi32>
        %rev3A_617 = arith.subi %rev3A_615, %rev3A_616 : vector<16xi32>
        %rev3A_618 = tpu.dynamic_gather %masked_sort3A_612[%rev3A_617] in [0] : vector<16xf32>, vector<16xi32> -> vector<16xf32>
        %rev3A_619 = arith.constant 15 : i32
        %rev3A_620 = vector.broadcast %rev3A_619 : i32 to vector<16xi32>
        %rev3A_621 = tpu.iota {dimensions = array<i32: 0>} : vector<16xi32>
        %rev3A_622 = arith.subi %rev3A_620, %rev3A_621 : vector<16xi32>
        %rev3A_623 = tpu.dynamic_gather %masked_sort3A_613[%rev3A_622] in [0] : vector<16xi32>, vector<16xi32> -> vector<16xi32>
        %le3A_624 = arith.cmpf ole, %while3A_582, %rev3A_618 : vector<16xf32>
        %select_n3A_625 = arith.select %le3A_624, %while3A_582, %rev3A_618 : vector<16xi1>, vector<16xf32>
        %select_n3A_626 = arith.select %le3A_624, %while3A_583, %rev3A_623 : vector<16xi1>, vector<16xi32>
        %select_n3A_627 = arith.select %le3A_624, %rev3A_618, %while3A_582 : vector<16xi1>, vector<16xf32>
        %select_n3A_628 = arith.select %le3A_624, %rev3A_623, %while3A_583 : vector<16xi1>, vector<16xi32>
        %masked_sort3A_629 = arith.constant dense<true> : vector<16xi1>
        %masked_sort3A_630, %masked_sort3A_631, %masked_sort3A_632 = tpu.sort %select_n3A_625, %select_n3A_626 masked %masked_sort3A_629 : (vector<16xf32>, vector<16xi32>, vector<16xi1>) -> (vector<16xi1>, vector<16xf32>, vector<16xi32>)
        %masked_sort3A_633 = arith.constant dense<true> : vector<16xi1>
        %masked_sort3A_634, %masked_sort3A_635, %masked_sort3A_636 = tpu.sort %select_n3A_627, %select_n3A_628 masked %masked_sort3A_633 : (vector<16xf32>, vector<16xi32>, vector<16xi1>) -> (vector<16xi1>, vector<16xf32>, vector<16xi32>)
        scf.yield %masked_sort3A_631, %masked_sort3A_632, %masked_sort3A_635, %masked_sort3A_636 : vector<16xf32>, vector<16xi32>, vector<16xf32>, vector<16xi32>
      }
      %while3A_520 = arith.constant 0 : i32
      %while3A_521 = arith.subi %reduce_max3A_436, %while3A_520 : i32
      %while3A_522 = arith.addi %while3A_520, %while3A_521 : i32
      %while3A_523 = arith.constant 1 : i32
      %while3A_524 = arith.divsi %while3A_521, %while3A_523 : i32
      %while3A_525 = arith.muli %while3A_524, %while3A_523 : i32
      %while3A_526 = arith.addi %while3A_520, %while3A_525 : i32
      %while3A_527 = arith.constant 1 : i32
      %while3A_528:4 = scf.for %while3A_581 = %while3A_520 to %while3A_526 step %while3A_527 iter_args(%while3A_582 = %while3A_519#0, %while3A_583 = %while3A_519#1, %while3A_584 = %while3A_519#2, %while3A_585 = %while3A_519#3) -> (vector<16xf32>, vector<16xi32>, vector<16xf32>, vector<16xi32>)  : i32 {
        %broadcast_in_dim3A_586 = arith.constant 6 : i32
        %broadcast_in_dim3A_587 = vector.broadcast %broadcast_in_dim3A_586 : i32 to vector<16xi32>
        %broadcast_in_dim3A_588 = vector.broadcast %while3A_581 : i32 to vector<16xi32>
        %gather3A_589 = tpu.vector_load_idx %arg20[%broadcast_in_dim3A_587, %broadcast_in_dim3A_588] : memref<8x16xi32, #tpu.memory_space<vmem>>[vector<16xi32>, vector<16xi32>], vector<16xi32>,
        %mul3A_590 = arith.constant 128 : i32
        %mul3A_591 = vector.broadcast %mul3A_590 : i32 to vector<16xi32>
        %mul3A_592 = arith.muli %iota3A, %mul3A_591 : vector<16xi32>
        %add3A_593 = arith.addi %mul3A_592, %gather3A_589 : vector<16xi32>
        %gather3A_594 = tpu.vector_load_idx %arg10[%add3A_593] : memref<2048xf32, #tpu.memory_space<vmem>>[vector<16xi32>], vector<16xf32>,
        %masked_sort3A = arith.constant dense<true> : vector<16xi1>
        %masked_sort3A_595, %masked_sort3A_596, %masked_sort3A_597 = tpu.sort %gather3A_594, %add3A_593 masked %masked_sort3A : (vector<16xf32>, vector<16xi32>, vector<16xi1>) -> (vector<16xi1>, vector<16xf32>, vector<16xi32>)
        %rev3A_598 = arith.constant 15 : i32
        %rev3A_599 = vector.broadcast %rev3A_598 : i32 to vector<16xi32>
        %rev3A_600 = tpu.iota {dimensions = array<i32: 0>} : vector<16xi32>
        %rev3A_601 = arith.subi %rev3A_599, %rev3A_600 : vector<16xi32>
        %rev3A_602 = tpu.dynamic_gather %masked_sort3A_596[%rev3A_601] in [0] : vector<16xf32>, vector<16xi32> -> vector<16xf32>
        %rev3A_603 = arith.constant 15 : i32
        %rev3A_604 = vector.broadcast %rev3A_603 : i32 to vector<16xi32>
        %rev3A_605 = tpu.iota {dimensions = array<i32: 0>} : vector<16xi32>
        %rev3A_606 = arith.subi %rev3A_604, %rev3A_605 : vector<16xi32>
        %rev3A_607 = tpu.dynamic_gather %masked_sort3A_597[%rev3A_606] in [0] : vector<16xi32>, vector<16xi32> -> vector<16xi32>
        %le3A_608 = arith.cmpf ole, %while3A_584, %rev3A_602 : vector<16xf32>
        %select_n3A = arith.select %le3A_608, %while3A_584, %rev3A_602 : vector<16xi1>, vector<16xf32>
        %select_n3A_609 = arith.select %le3A_608, %while3A_585, %rev3A_607 : vector<16xi1>, vector<16xi32>
        %masked_sort3A_610 = arith.constant dense<true> : vector<16xi1>
        %masked_sort3A_611, %masked_sort3A_612, %masked_sort3A_613 = tpu.sort %select_n3A, %select_n3A_609 masked %masked_sort3A_610 : (vector<16xf32>, vector<16xi32>, vector<16xi1>) -> (vector<16xi1>, vector<16xf32>, vector<16xi32>)
        %rev3A_614 = arith.constant 15 : i32
        %rev3A_615 = vector.broadcast %rev3A_614 : i32 to vector<16xi32>
        %rev3A_616 = tpu.iota {dimensions = array<i32: 0>} : vector<16xi32>
        %rev3A_617 = arith.subi %rev3A_615, %rev3A_616 : vector<16xi32>
        %rev3A_618 = tpu.dynamic_gather %masked_sort3A_612[%rev3A_617] in [0] : vector<16xf32>, vector<16xi32> -> vector<16xf32>
        %rev3A_619 = arith.constant 15 : i32
        %rev3A_620 = vector.broadcast %rev3A_619 : i32 to vector<16xi32>
        %rev3A_621 = tpu.iota {dimensions = array<i32: 0>} : vector<16xi32>
        %rev3A_622 = arith.subi %rev3A_620, %rev3A_621 : vector<16xi32>
        %rev3A_623 = tpu.dynamic_gather %masked_sort3A_613[%rev3A_622] in [0] : vector<16xi32>, vector<16xi32> -> vector<16xi32>
        %le3A_624 = arith.cmpf ole, %while3A_582, %rev3A_618 : vector<16xf32>
        %select_n3A_625 = arith.select %le3A_624, %while3A_582, %rev3A_618 : vector<16xi1>, vector<16xf32>
        %select_n3A_626 = arith.select %le3A_624, %while3A_583, %rev3A_623 : vector<16xi1>, vector<16xi32>
        %select_n3A_627 = arith.select %le3A_624, %rev3A_618, %while3A_582 : vector<16xi1>, vector<16xf32>
        %select_n3A_628 = arith.select %le3A_624, %rev3A_623, %while3A_583 : vector<16xi1>, vector<16xi32>
        %masked_sort3A_629 = arith.constant dense<true> : vector<16xi1>
        %masked_sort3A_630, %masked_sort3A_631, %masked_sort3A_632 = tpu.sort %select_n3A_625, %select_n3A_626 masked %masked_sort3A_629 : (vector<16xf32>, vector<16xi32>, vector<16xi1>) -> (vector<16xi1>, vector<16xf32>, vector<16xi32>)
        %masked_sort3A_633 = arith.constant dense<true> : vector<16xi1>
        %masked_sort3A_634, %masked_sort3A_635, %masked_sort3A_636 = tpu.sort %select_n3A_627, %select_n3A_628 masked %masked_sort3A_633 : (vector<16xf32>, vector<16xi32>, vector<16xi1>) -> (vector<16xi1>, vector<16xf32>, vector<16xi32>)
        scf.yield %masked_sort3A_631, %masked_sort3A_632, %masked_sort3A_635, %masked_sort3A_636 : vector<16xf32>, vector<16xi32>, vector<16xf32>, vector<16xi32>
      }
      %while3A_529 = arith.constant 1 : i32
      %while3A_530:4 = scf.for %while3A_581 = %while3A_526 to %while3A_522 step %while3A_529 iter_args(%while3A_582 = %while3A_528#0, %while3A_583 = %while3A_528#1, %while3A_584 = %while3A_528#2, %while3A_585 = %while3A_528#3) -> (vector<16xf32>, vector<16xi32>, vector<16xf32>, vector<16xi32>)  : i32 {
        %broadcast_in_dim3A_586 = arith.constant 6 : i32
        %broadcast_in_dim3A_587 = vector.broadcast %broadcast_in_dim3A_586 : i32 to vector<16xi32>
        %broadcast_in_dim3A_588 = vector.broadcast %while3A_581 : i32 to vector<16xi32>
        %gather3A_589 = tpu.vector_load_idx %arg20[%broadcast_in_dim3A_587, %broadcast_in_dim3A_588] : memref<8x16xi32, #tpu.memory_space<vmem>>[vector<16xi32>, vector<16xi32>], vector<16xi32>,
        %mul3A_590 = arith.constant 128 : i32
        %mul3A_591 = vector.broadcast %mul3A_590 : i32 to vector<16xi32>
        %mul3A_592 = arith.muli %iota3A, %mul3A_591 : vector<16xi32>
        %add3A_593 = arith.addi %mul3A_592, %gather3A_589 : vector<16xi32>
        %gather3A_594 = tpu.vector_load_idx %arg10[%add3A_593] : memref<2048xf32, #tpu.memory_space<vmem>>[vector<16xi32>], vector<16xf32>,
        %masked_sort3A = arith.constant dense<true> : vector<16xi1>
        %masked_sort3A_595, %masked_sort3A_596, %masked_sort3A_597 = tpu.sort %gather3A_594, %add3A_593 masked %masked_sort3A : (vector<16xf32>, vector<16xi32>, vector<16xi1>) -> (vector<16xi1>, vector<16xf32>, vector<16xi32>)
        %rev3A_598 = arith.constant 15 : i32
        %rev3A_599 = vector.broadcast %rev3A_598 : i32 to vector<16xi32>
        %rev3A_600 = tpu.iota {dimensions = array<i32: 0>} : vector<16xi32>
        %rev3A_601 = arith.subi %rev3A_599, %rev3A_600 : vector<16xi32>
        %rev3A_602 = tpu.dynamic_gather %masked_sort3A_596[%rev3A_601] in [0] : vector<16xf32>, vector<16xi32> -> vector<16xf32>
        %rev3A_603 = arith.constant 15 : i32
        %rev3A_604 = vector.broadcast %rev3A_603 : i32 to vector<16xi32>
        %rev3A_605 = tpu.iota {dimensions = array<i32: 0>} : vector<16xi32>
        %rev3A_606 = arith.subi %rev3A_604, %rev3A_605 : vector<16xi32>
        %rev3A_607 = tpu.dynamic_gather %masked_sort3A_597[%rev3A_606] in [0] : vector<16xi32>, vector<16xi32> -> vector<16xi32>
        %le3A_608 = arith.cmpf ole, %while3A_584, %rev3A_602 : vector<16xf32>
        %select_n3A = arith.select %le3A_608, %while3A_584, %rev3A_602 : vector<16xi1>, vector<16xf32>
        %select_n3A_609 = arith.select %le3A_608, %while3A_585, %rev3A_607 : vector<16xi1>, vector<16xi32>
        %masked_sort3A_610 = arith.constant dense<true> : vector<16xi1>
        %masked_sort3A_611, %masked_sort3A_612, %masked_sort3A_613 = tpu.sort %select_n3A, %select_n3A_609 masked %masked_sort3A_610 : (vector<16xf32>, vector<16xi32>, vector<16xi1>) -> (vector<16xi1>, vector<16xf32>, vector<16xi32>)
        %rev3A_614 = arith.constant 15 : i32
        %rev3A_615 = vector.broadcast %rev3A_614 : i32 to vector<16xi32>
        %rev3A_616 = tpu.iota {dimensions = array<i32: 0>} : vector<16xi32>
        %rev3A_617 = arith.subi %rev3A_615, %rev3A_616 : vector<16xi32>
        %rev3A_618 = tpu.dynamic_gather %masked_sort3A_612[%rev3A_617] in [0] : vector<16xf32>, vector<16xi32> -> vector<16xf32>
        %rev3A_619 = arith.constant 15 : i32
        %rev3A_620 = vector.broadcast %rev3A_619 : i32 to vector<16xi32>
        %rev3A_621 = tpu.iota {dimensions = array<i32: 0>} : vector<16xi32>
        %rev3A_622 = arith.subi %rev3A_620, %rev3A_621 : vector<16xi32>
        %rev3A_623 = tpu.dynamic_gather %masked_sort3A_613[%rev3A_622] in [0] : vector<16xi32>, vector<16xi32> -> vector<16xi32>
        %le3A_624 = arith.cmpf ole, %while3A_582, %rev3A_618 : vector<16xf32>
        %select_n3A_625 = arith.select %le3A_624, %while3A_582, %rev3A_618 : vector<16xi1>, vector<16xf32>
        %select_n3A_626 = arith.select %le3A_624, %while3A_583, %rev3A_623 : vector<16xi1>, vector<16xi32>
        %select_n3A_627 = arith.select %le3A_624, %rev3A_618, %while3A_582 : vector<16xi1>, vector<16xf32>
        %select_n3A_628 = arith.select %le3A_624, %rev3A_623, %while3A_583 : vector<16xi1>, vector<16xi32>
        %masked_sort3A_629 = arith.constant dense<true> : vector<16xi1>
        %masked_sort3A_630, %masked_sort3A_631, %masked_sort3A_632 = tpu.sort %select_n3A_625, %select_n3A_626 masked %masked_sort3A_629 : (vector<16xf32>, vector<16xi32>, vector<16xi1>) -> (vector<16xi1>, vector<16xf32>, vector<16xi32>)
        %masked_sort3A_633 = arith.constant dense<true> : vector<16xi1>
        %masked_sort3A_634, %masked_sort3A_635, %masked_sort3A_636 = tpu.sort %select_n3A_627, %select_n3A_628 masked %masked_sort3A_633 : (vector<16xf32>, vector<16xi32>, vector<16xi1>) -> (vector<16xi1>, vector<16xf32>, vector<16xi32>)
        scf.yield %masked_sort3A_631, %masked_sort3A_632, %masked_sort3A_635, %masked_sort3A_636 : vector<16xf32>, vector<16xi32>, vector<16xf32>, vector<16xi32>
      }
      %while3A_531 = arith.constant 0 : i32
      %while3A_532 = arith.subi %reduce_max3A_454, %while3A_531 : i32
      %while3A_533 = arith.addi %while3A_531, %while3A_532 : i32
      %while3A_534 = arith.constant 1 : i32
      %while3A_535 = arith.divsi %while3A_532, %while3A_534 : i32
      %while3A_536 = arith.muli %while3A_535, %while3A_534 : i32
      %while3A_537 = arith.addi %while3A_531, %while3A_536 : i32
      %while3A_538 = arith.constant 1 : i32
      %while3A_539:4 = scf.for %while3A_581 = %while3A_531 to %while3A_537 step %while3A_538 iter_args(%while3A_582 = %while3A_530#0, %while3A_583 = %while3A_530#1, %while3A_584 = %while3A_530#2, %while3A_585 = %while3A_530#3) -> (vector<16xf32>, vector<16xi32>, vector<16xf32>, vector<16xi32>)  : i32 {
        %broadcast_in_dim3A_586 = arith.constant 7 : i32
        %broadcast_in_dim3A_587 = vector.broadcast %broadcast_in_dim3A_586 : i32 to vector<16xi32>
        %broadcast_in_dim3A_588 = vector.broadcast %while3A_581 : i32 to vector<16xi32>
        %gather3A_589 = tpu.vector_load_idx %arg20[%broadcast_in_dim3A_587, %broadcast_in_dim3A_588] : memref<8x16xi32, #tpu.memory_space<vmem>>[vector<16xi32>, vector<16xi32>], vector<16xi32>,
        %mul3A_590 = arith.constant 128 : i32
        %mul3A_591 = vector.broadcast %mul3A_590 : i32 to vector<16xi32>
        %mul3A_592 = arith.muli %iota3A, %mul3A_591 : vector<16xi32>
        %add3A_593 = arith.addi %mul3A_592, %gather3A_589 : vector<16xi32>
        %gather3A_594 = tpu.vector_load_idx %arg10[%add3A_593] : memref<2048xf32, #tpu.memory_space<vmem>>[vector<16xi32>], vector<16xf32>,
        %masked_sort3A = arith.constant dense<true> : vector<16xi1>
        %masked_sort3A_595, %masked_sort3A_596, %masked_sort3A_597 = tpu.sort %gather3A_594, %add3A_593 masked %masked_sort3A : (vector<16xf32>, vector<16xi32>, vector<16xi1>) -> (vector<16xi1>, vector<16xf32>, vector<16xi32>)
        %rev3A_598 = arith.constant 15 : i32
        %rev3A_599 = vector.broadcast %rev3A_598 : i32 to vector<16xi32>
        %rev3A_600 = tpu.iota {dimensions = array<i32: 0>} : vector<16xi32>
        %rev3A_601 = arith.subi %rev3A_599, %rev3A_600 : vector<16xi32>
        %rev3A_602 = tpu.dynamic_gather %masked_sort3A_596[%rev3A_601] in [0] : vector<16xf32>, vector<16xi32> -> vector<16xf32>
        %rev3A_603 = arith.constant 15 : i32
        %rev3A_604 = vector.broadcast %rev3A_603 : i32 to vector<16xi32>
        %rev3A_605 = tpu.iota {dimensions = array<i32: 0>} : vector<16xi32>
        %rev3A_606 = arith.subi %rev3A_604, %rev3A_605 : vector<16xi32>
        %rev3A_607 = tpu.dynamic_gather %masked_sort3A_597[%rev3A_606] in [0] : vector<16xi32>, vector<16xi32> -> vector<16xi32>
        %le3A_608 = arith.cmpf ole, %while3A_584, %rev3A_602 : vector<16xf32>
        %select_n3A = arith.select %le3A_608, %while3A_584, %rev3A_602 : vector<16xi1>, vector<16xf32>
        %select_n3A_609 = arith.select %le3A_608, %while3A_585, %rev3A_607 : vector<16xi1>, vector<16xi32>
        %masked_sort3A_610 = arith.constant dense<true> : vector<16xi1>
        %masked_sort3A_611, %masked_sort3A_612, %masked_sort3A_613 = tpu.sort %select_n3A, %select_n3A_609 masked %masked_sort3A_610 : (vector<16xf32>, vector<16xi32>, vector<16xi1>) -> (vector<16xi1>, vector<16xf32>, vector<16xi32>)
        %rev3A_614 = arith.constant 15 : i32
        %rev3A_615 = vector.broadcast %rev3A_614 : i32 to vector<16xi32>
        %rev3A_616 = tpu.iota {dimensions = array<i32: 0>} : vector<16xi32>
        %rev3A_617 = arith.subi %rev3A_615, %rev3A_616 : vector<16xi32>
        %rev3A_618 = tpu.dynamic_gather %masked_sort3A_612[%rev3A_617] in [0] : vector<16xf32>, vector<16xi32> -> vector<16xf32>
        %rev3A_619 = arith.constant 15 : i32
        %rev3A_620 = vector.broadcast %rev3A_619 : i32 to vector<16xi32>
        %rev3A_621 = tpu.iota {dimensions = array<i32: 0>} : vector<16xi32>
        %rev3A_622 = arith.subi %rev3A_620, %rev3A_621 : vector<16xi32>
        %rev3A_623 = tpu.dynamic_gather %masked_sort3A_613[%rev3A_622] in [0] : vector<16xi32>, vector<16xi32> -> vector<16xi32>
        %le3A_624 = arith.cmpf ole, %while3A_582, %rev3A_618 : vector<16xf32>
        %select_n3A_625 = arith.select %le3A_624, %while3A_582, %rev3A_618 : vector<16xi1>, vector<16xf32>
        %select_n3A_626 = arith.select %le3A_624, %while3A_583, %rev3A_623 : vector<16xi1>, vector<16xi32>
        %select_n3A_627 = arith.select %le3A_624, %rev3A_618, %while3A_582 : vector<16xi1>, vector<16xf32>
        %select_n3A_628 = arith.select %le3A_624, %rev3A_623, %while3A_583 : vector<16xi1>, vector<16xi32>
        %masked_sort3A_629 = arith.constant dense<true> : vector<16xi1>
        %masked_sort3A_630, %masked_sort3A_631, %masked_sort3A_632 = tpu.sort %select_n3A_625, %select_n3A_626 masked %masked_sort3A_629 : (vector<16xf32>, vector<16xi32>, vector<16xi1>) -> (vector<16xi1>, vector<16xf32>, vector<16xi32>)
        %masked_sort3A_633 = arith.constant dense<true> : vector<16xi1>
        %masked_sort3A_634, %masked_sort3A_635, %masked_sort3A_636 = tpu.sort %select_n3A_627, %select_n3A_628 masked %masked_sort3A_633 : (vector<16xf32>, vector<16xi32>, vector<16xi1>) -> (vector<16xi1>, vector<16xf32>, vector<16xi32>)
        scf.yield %masked_sort3A_631, %masked_sort3A_632, %masked_sort3A_635, %masked_sort3A_636 : vector<16xf32>, vector<16xi32>, vector<16xf32>, vector<16xi32>
      }
      %while3A_540 = arith.constant 1 : i32
      %while3A_541:4 = scf.for %while3A_581 = %while3A_537 to %while3A_533 step %while3A_540 iter_args(%while3A_582 = %while3A_539#0, %while3A_583 = %while3A_539#1, %while3A_584 = %while3A_539#2, %while3A_585 = %while3A_539#3) -> (vector<16xf32>, vector<16xi32>, vector<16xf32>, vector<16xi32>)  : i32 {
        %broadcast_in_dim3A_586 = arith.constant 7 : i32
        %broadcast_in_dim3A_587 = vector.broadcast %broadcast_in_dim3A_586 : i32 to vector<16xi32>
        %broadcast_in_dim3A_588 = vector.broadcast %while3A_581 : i32 to vector<16xi32>
        %gather3A_589 = tpu.vector_load_idx %arg20[%broadcast_in_dim3A_587, %broadcast_in_dim3A_588] : memref<8x16xi32, #tpu.memory_space<vmem>>[vector<16xi32>, vector<16xi32>], vector<16xi32>,
        %mul3A_590 = arith.constant 128 : i32
        %mul3A_591 = vector.broadcast %mul3A_590 : i32 to vector<16xi32>
        %mul3A_592 = arith.muli %iota3A, %mul3A_591 : vector<16xi32>
        %add3A_593 = arith.addi %mul3A_592, %gather3A_589 : vector<16xi32>
        %gather3A_594 = tpu.vector_load_idx %arg10[%add3A_593] : memref<2048xf32, #tpu.memory_space<vmem>>[vector<16xi32>], vector<16xf32>,
        %masked_sort3A = arith.constant dense<true> : vector<16xi1>
        %masked_sort3A_595, %masked_sort3A_596, %masked_sort3A_597 = tpu.sort %gather3A_594, %add3A_593 masked %masked_sort3A : (vector<16xf32>, vector<16xi32>, vector<16xi1>) -> (vector<16xi1>, vector<16xf32>, vector<16xi32>)
        %rev3A_598 = arith.constant 15 : i32
        %rev3A_599 = vector.broadcast %rev3A_598 : i32 to vector<16xi32>
        %rev3A_600 = tpu.iota {dimensions = array<i32: 0>} : vector<16xi32>
        %rev3A_601 = arith.subi %rev3A_599, %rev3A_600 : vector<16xi32>
        %rev3A_602 = tpu.dynamic_gather %masked_sort3A_596[%rev3A_601] in [0] : vector<16xf32>, vector<16xi32> -> vector<16xf32>
        %rev3A_603 = arith.constant 15 : i32
        %rev3A_604 = vector.broadcast %rev3A_603 : i32 to vector<16xi32>
        %rev3A_605 = tpu.iota {dimensions = array<i32: 0>} : vector<16xi32>
        %rev3A_606 = arith.subi %rev3A_604, %rev3A_605 : vector<16xi32>
        %rev3A_607 = tpu.dynamic_gather %masked_sort3A_597[%rev3A_606] in [0] : vector<16xi32>, vector<16xi32> -> vector<16xi32>
        %le3A_608 = arith.cmpf ole, %while3A_584, %rev3A_602 : vector<16xf32>
        %select_n3A = arith.select %le3A_608, %while3A_584, %rev3A_602 : vector<16xi1>, vector<16xf32>
        %select_n3A_609 = arith.select %le3A_608, %while3A_585, %rev3A_607 : vector<16xi1>, vector<16xi32>
        %masked_sort3A_610 = arith.constant dense<true> : vector<16xi1>
        %masked_sort3A_611, %masked_sort3A_612, %masked_sort3A_613 = tpu.sort %select_n3A, %select_n3A_609 masked %masked_sort3A_610 : (vector<16xf32>, vector<16xi32>, vector<16xi1>) -> (vector<16xi1>, vector<16xf32>, vector<16xi32>)
        %rev3A_614 = arith.constant 15 : i32
        %rev3A_615 = vector.broadcast %rev3A_614 : i32 to vector<16xi32>
        %rev3A_616 = tpu.iota {dimensions = array<i32: 0>} : vector<16xi32>
        %rev3A_617 = arith.subi %rev3A_615, %rev3A_616 : vector<16xi32>
        %rev3A_618 = tpu.dynamic_gather %masked_sort3A_612[%rev3A_617] in [0] : vector<16xf32>, vector<16xi32> -> vector<16xf32>
        %rev3A_619 = arith.constant 15 : i32
        %rev3A_620 = vector.broadcast %rev3A_619 : i32 to vector<16xi32>
        %rev3A_621 = tpu.iota {dimensions = array<i32: 0>} : vector<16xi32>
        %rev3A_622 = arith.subi %rev3A_620, %rev3A_621 : vector<16xi32>
        %rev3A_623 = tpu.dynamic_gather %masked_sort3A_613[%rev3A_622] in [0] : vector<16xi32>, vector<16xi32> -> vector<16xi32>
        %le3A_624 = arith.cmpf ole, %while3A_582, %rev3A_618 : vector<16xf32>
        %select_n3A_625 = arith.select %le3A_624, %while3A_582, %rev3A_618 : vector<16xi1>, vector<16xf32>
        %select_n3A_626 = arith.select %le3A_624, %while3A_583, %rev3A_623 : vector<16xi1>, vector<16xi32>
        %select_n3A_627 = arith.select %le3A_624, %rev3A_618, %while3A_582 : vector<16xi1>, vector<16xf32>
        %select_n3A_628 = arith.select %le3A_624, %rev3A_623, %while3A_583 : vector<16xi1>, vector<16xi32>
        %masked_sort3A_629 = arith.constant dense<true> : vector<16xi1>
        %masked_sort3A_630, %masked_sort3A_631, %masked_sort3A_632 = tpu.sort %select_n3A_625, %select_n3A_626 masked %masked_sort3A_629 : (vector<16xf32>, vector<16xi32>, vector<16xi1>) -> (vector<16xi1>, vector<16xf32>, vector<16xi32>)
        %masked_sort3A_633 = arith.constant dense<true> : vector<16xi1>
        %masked_sort3A_634, %masked_sort3A_635, %masked_sort3A_636 = tpu.sort %select_n3A_627, %select_n3A_628 masked %masked_sort3A_633 : (vector<16xf32>, vector<16xi32>, vector<16xi1>) -> (vector<16xi1>, vector<16xf32>, vector<16xi32>)
        scf.yield %masked_sort3A_631, %masked_sort3A_632, %masked_sort3A_635, %masked_sort3A_636 : vector<16xf32>, vector<16xi32>, vector<16xf32>, vector<16xi32>
      }
      %mul3A_542 = arith.constant 128 : i32
      %mul3A_543 = arith.muli %scan3A_26, %mul3A_542 : i32
      %mul3A_544 = arith.constant 4 : i32
      %mul3A_545 = vector.broadcast %mul3A_544 : i32 to vector<16xi32>
      %mul3A_546 = arith.muli %iota3A, %mul3A_545 : vector<16xi32>
      %add3A_547 = vector.broadcast %mul3A_543 : i32 to vector<16xi32>
      %add3A_548 = arith.addi %add3A_547, %mul3A_546 : vector<16xi32>
      %add3A_549 = arith.constant 64 : i32
      %add3A_550 = vector.broadcast %add3A_549 : i32 to vector<16xi32>
      %add3A_551 = arith.addi %add3A_548, %add3A_550 : vector<16xi32>
      %gather3A_552 = tpu.vector_load_idx %arg7[%while3A_541#1] : memref<2048xf32, #tpu.memory_space<vmem>>[vector<16xi32>], vector<16xf32>,
      %sub3A = arith.subf %gather3A_552, %gather3A : vector<16xf32>
      tpu.vector_store_idx %arg19[%add3A_548], %sub3A : memref<16384xf32, #tpu.memory_space<vmem>>[vector<16xi32>], vector<16xf32>,
      %gather3A_553 = tpu.vector_load_idx %arg7[%while3A_541#3] : memref<2048xf32, #tpu.memory_space<vmem>>[vector<16xi32>], vector<16xf32>,
      %sub3A_554 = arith.subf %gather3A_553, %gather3A : vector<16xf32>
      tpu.vector_store_idx %arg19[%add3A_551], %sub3A_554 : memref<16384xf32, #tpu.memory_space<vmem>>[vector<16xi32>], vector<16xf32>,
      %add3A_555 = arith.constant 1 : i32
      %add3A_556 = vector.broadcast %add3A_555 : i32 to vector<16xi32>
      %add3A_557 = arith.addi %add3A_548, %add3A_556 : vector<16xi32>
      %gather3A_558 = tpu.vector_load_idx %arg8[%while3A_541#1] : memref<2048xf32, #tpu.memory_space<vmem>>[vector<16xi32>], vector<16xf32>,
      %sub3A_559 = arith.subf %gather3A_558, %gather3A_28 : vector<16xf32>
      tpu.vector_store_idx %arg19[%add3A_557], %sub3A_559 : memref<16384xf32, #tpu.memory_space<vmem>>[vector<16xi32>], vector<16xf32>,
      %add3A_560 = arith.constant 1 : i32
      %add3A_561 = vector.broadcast %add3A_560 : i32 to vector<16xi32>
      %add3A_562 = arith.addi %add3A_551, %add3A_561 : vector<16xi32>
      %gather3A_563 = tpu.vector_load_idx %arg8[%while3A_541#3] : memref<2048xf32, #tpu.memory_space<vmem>>[vector<16xi32>], vector<16xf32>,
      %sub3A_564 = arith.subf %gather3A_563, %gather3A_28 : vector<16xf32>
      tpu.vector_store_idx %arg19[%add3A_562], %sub3A_564 : memref<16384xf32, #tpu.memory_space<vmem>>[vector<16xi32>], vector<16xf32>,
      %add3A_565 = arith.constant 2 : i32
      %add3A_566 = vector.broadcast %add3A_565 : i32 to vector<16xi32>
      %add3A_567 = arith.addi %add3A_548, %add3A_566 : vector<16xi32>
      %gather3A_568 = tpu.vector_load_idx %arg9[%while3A_541#1] : memref<2048xf32, #tpu.memory_space<vmem>>[vector<16xi32>], vector<16xf32>,
      %sub3A_569 = arith.subf %gather3A_568, %gather3A_29 : vector<16xf32>
      tpu.vector_store_idx %arg19[%add3A_567], %sub3A_569 : memref<16384xf32, #tpu.memory_space<vmem>>[vector<16xi32>], vector<16xf32>,
      %add3A_570 = arith.constant 2 : i32
      %add3A_571 = vector.broadcast %add3A_570 : i32 to vector<16xi32>
      %add3A_572 = arith.addi %add3A_551, %add3A_571 : vector<16xi32>
      %gather3A_573 = tpu.vector_load_idx %arg9[%while3A_541#3] : memref<2048xf32, #tpu.memory_space<vmem>>[vector<16xi32>], vector<16xf32>,
      %sub3A_574 = arith.subf %gather3A_573, %gather3A_29 : vector<16xf32>
      tpu.vector_store_idx %arg19[%add3A_572], %sub3A_574 : memref<16384xf32, #tpu.memory_space<vmem>>[vector<16xi32>], vector<16xf32>,
      %add3A_575 = arith.constant 3 : i32
      %add3A_576 = vector.broadcast %add3A_575 : i32 to vector<16xi32>
      %add3A_577 = arith.addi %add3A_548, %add3A_576 : vector<16xi32>
      tpu.vector_store_idx %arg19[%add3A_577], %broadcast_in_dim3A_5 : memref<16384xf32, #tpu.memory_space<vmem>>[vector<16xi32>], vector<16xf32>,
      %add3A_578 = arith.constant 3 : i32
      %add3A_579 = vector.broadcast %add3A_578 : i32 to vector<16xi32>
      %add3A_580 = arith.addi %add3A_551, %add3A_579 : vector<16xi32>
      tpu.vector_store_idx %arg19[%add3A_580], %broadcast_in_dim3A_5 : memref<16384xf32, #tpu.memory_space<vmem>>[vector<16xi32>], vector<16xf32>,
    }
    %scan3A_25 = arith.constant 128 : i32
    "tpu.region"() ({
      %run_scoped3A = tpu.sem_alloc : memref<!tpu.dma_semaphore, #tpu.memory_space<semaphore_mem>>
      %dma_start3A = arith.constant 0 : i32
      %dma_start3A_26 = tpu.memref_slice %arg5[%add3A, %dma_start3A] : memref<32x384xf32, #tpu.memory_space<hbm>> -> memref<1x384xf32, #tpu.memory_space<hbm>>
      %dma_start3A_27 = tpu.memref_squeeze %dma_start3A_26 : memref<1x384xf32, #tpu.memory_space<hbm>> -> memref<384xf32, #tpu.memory_space<hbm>>
      %dma_start3A_28 = arith.constant 0 : i32
      %dma_start3A_29 = tpu.memref_slice %arg5[%add3A, %dma_start3A_28] : memref<32x384xf32, #tpu.memory_space<hbm>> -> memref<1x384xf32, #tpu.memory_space<hbm>>
      %dma_start3A_30 = tpu.memref_squeeze %dma_start3A_29 : memref<1x384xf32, #tpu.memory_space<hbm>> -> memref<384xf32, #tpu.memory_space<hbm>>
      tpu.enqueue_dma source(%arg18 : memref<384xf32, #tpu.memory_space<vmem>>) target(%dma_start3A_30 : memref<384xf32, #tpu.memory_space<hbm>>) target_semaphore(%run_scoped3A : memref<!tpu.dma_semaphore, #tpu.memory_space<semaphore_mem>>)
      %dma_wait3A = arith.constant 0 : i32
      %dma_wait3A_31 = tpu.memref_slice %arg5[%add3A, %dma_wait3A] : memref<32x384xf32, #tpu.memory_space<hbm>> -> memref<1x384xf32, #tpu.memory_space<hbm>>
      %dma_wait3A_32 = tpu.memref_squeeze %dma_wait3A_31 : memref<1x384xf32, #tpu.memory_space<hbm>> -> memref<384xf32, #tpu.memory_space<hbm>>
      %dma_wait3A_33 = arith.constant 0 : i32
      %dma_wait3A_34 = tpu.memref_slice %arg5[%add3A, %dma_wait3A_33] : memref<32x384xf32, #tpu.memory_space<hbm>> -> memref<1x384xf32, #tpu.memory_space<hbm>>
      %dma_wait3A_35 = tpu.memref_squeeze %dma_wait3A_34 : memref<1x384xf32, #tpu.memory_space<hbm>> -> memref<384xf32, #tpu.memory_space<hbm>>
      tpu.wait_dma2 semaphore(%run_scoped3A : memref<!tpu.dma_semaphore, #tpu.memory_space<semaphore_mem>>) src(%arg18 : memref<384xf32, #tpu.memory_space<vmem>>) dst(%dma_wait3A_35 : memref<384xf32, #tpu.memory_space<hbm>>)
      tpu.yield
    }) : () -> ()
    "tpu.region"() ({
      %run_scoped3A = tpu.sem_alloc : memref<!tpu.dma_semaphore, #tpu.memory_space<semaphore_mem>>
      %dma_start3A = arith.constant 0 : i32
      %dma_start3A_26 = tpu.memref_slice %arg6[%add3A, %dma_start3A] : memref<32x16384xf32, #tpu.memory_space<hbm>> -> memref<1x16384xf32, #tpu.memory_space<hbm>>
      %dma_start3A_27 = tpu.memref_squeeze %dma_start3A_26 : memref<1x16384xf32, #tpu.memory_space<hbm>> -> memref<16384xf32, #tpu.memory_space<hbm>>
      %dma_start3A_28 = arith.constant 0 : i32
      %dma_start3A_29 = tpu.memref_slice %arg6[%add3A, %dma_start3A_28] : memref<32x16384xf32, #tpu.memory_space<hbm>> -> memref<1x16384xf32, #tpu.memory_space<hbm>>
      %dma_start3A_30 = tpu.memref_squeeze %dma_start3A_29 : memref<1x16384xf32, #tpu.memory_space<hbm>> -> memref<16384xf32, #tpu.memory_space<hbm>>
      tpu.enqueue_dma source(%arg19 : memref<16384xf32, #tpu.memory_space<vmem>>) target(%dma_start3A_30 : memref<16384xf32, #tpu.memory_space<hbm>>) target_semaphore(%run_scoped3A : memref<!tpu.dma_semaphore, #tpu.memory_space<semaphore_mem>>)
      %dma_wait3A = arith.constant 0 : i32
      %dma_wait3A_31 = tpu.memref_slice %arg6[%add3A, %dma_wait3A] : memref<32x16384xf32, #tpu.memory_space<hbm>> -> memref<1x16384xf32, #tpu.memory_space<hbm>>
      %dma_wait3A_32 = tpu.memref_squeeze %dma_wait3A_31 : memref<1x16384xf32, #tpu.memory_space<hbm>> -> memref<16384xf32, #tpu.memory_space<hbm>>
      %dma_wait3A_33 = arith.constant 0 : i32
      %dma_wait3A_34 = tpu.memref_slice %arg6[%add3A, %dma_wait3A_33] : memref<32x16384xf32, #tpu.memory_space<hbm>> -> memref<1x16384xf32, #tpu.memory_space<hbm>>
      %dma_wait3A_35 = tpu.memref_squeeze %dma_wait3A_34 : memref<1x16384xf32, #tpu.memory_space<hbm>> -> memref<16384xf32, #tpu.memory_space<hbm>>
      tpu.wait_dma2 semaphore(%run_scoped3A : memref<!tpu.dma_semaphore, #tpu.memory_space<semaphore_mem>>) src(%arg19 : memref<16384xf32, #tpu.memory_space<vmem>>) dst(%dma_wait3A_35 : memref<16384xf32, #tpu.memory_space<hbm>>)
      tpu.yield
    }) : () -> ()
    return
  }
}

module attributes {stable_mosaic.version = 14 : i64} {
  func.func @_mom_body(%arg0: i32, %arg1: memref<2048x4xf32, #tpu.memory_space<vmem>>, %arg2: memref<4x4xf32, #tpu.memory_space<vmem>>) attributes {dimension_semantics = [#tpu.dimension_semantics<arbitrary>], iteration_bounds = array<i64: 64>, scalar_prefetch = 0 : i64, scratch_operands = 0 : i64, tpu.core_type = #tpu.core_type<tc>, window_params = [{transform_indices = @transform_0, window_bounds = array<i64: 2048, 4>}, {pipeline_mode = #tpu.pipeline_mode<synchronous>, transform_indices = @transform_1, window_bounds = array<i64: 4, 4>}]} {
    %eq3A = arith.constant 0 : i32
    %eq3A_0 = arith.cmpi eq, %arg0, %eq3A : i32
    %convert_element_type3A = arith.extui %eq3A_0 : i1 to i32
    %cond3A = arith.constant 0 : i32
    %cond3A_1 = arith.cmpi ne, %convert_element_type3A, %cond3A : i32
    scf.if %cond3A_1 {
      %broadcast_in_dim3A = arith.constant 0.000000e+00 : f32
      %broadcast_in_dim3A_11 = vector.broadcast %broadcast_in_dim3A : f32 to vector<4x4xf32>
      %swap3A_12 = arith.constant 0 : index
      %swap3A_13 = arith.constant 0 : index
      %swap3A_14 = vector.load %arg2[%swap3A_12, %swap3A_13] : memref<4x4xf32, #tpu.memory_space<vmem>>, vector<4x4xf32>
      tpu.vector_store %arg2[%swap3A_12, %swap3A_13], %broadcast_in_dim3A_11 {strides = array<i32>} : memref<4x4xf32, #tpu.memory_space<vmem>>, vector<4x4xf32>,
    } else {
    }
    %get3A = arith.constant 0 : index
    %get3A_2 = arith.constant 0 : index
    %get3A_3 = vector.load %arg1[%get3A, %get3A_2] : memref<2048x4xf32, #tpu.memory_space<vmem>>, vector<2048x4xf32>
    %convert_element_type3A_4 = arith.truncf %get3A_3 : vector<2048x4xf32> to vector<2048x4xbf16>
    %get3A_5 = arith.constant 0 : index
    %get3A_6 = arith.constant 0 : index
    %get3A_7 = vector.load %arg2[%get3A_5, %get3A_6] : memref<4x4xf32, #tpu.memory_space<vmem>>, vector<4x4xf32>
    %dot_general3A = arith.constant dense<0.000000e+00> : vector<4x4xf32>
    %dot_general3A_8 = tpu.matmul %convert_element_type3A_4, %convert_element_type3A_4, %dot_general3A {dimension_numbers = #tpu.dot_dimension_numbers<[0], [0], [1], [1], [0, 1, 1, 1], [], []>, transpose_lhs_hint = false} : vector<2048x4xbf16>, vector<2048x4xbf16>, vector<4x4xf32> -> vector<4x4xf32>
    %add3A = arith.addf %get3A_7, %dot_general3A_8 : vector<4x4xf32>
    %swap3A = arith.constant 0 : index
    %swap3A_9 = arith.constant 0 : index
    %swap3A_10 = vector.load %arg2[%swap3A, %swap3A_9] : memref<4x4xf32, #tpu.memory_space<vmem>>, vector<4x4xf32>
    tpu.vector_store %arg2[%swap3A, %swap3A_9], %add3A {strides = array<i32>} : memref<4x4xf32, #tpu.memory_space<vmem>>, vector<4x4xf32>,
    return
  }
  func.func @transform_0(%arg0: i32) -> (i32, i32) {
    %c0_i32 = arith.constant 0 : i32
    %c0_i32_0 = arith.constant 0 : i32
    return %arg0, %c0_i32 : i32, i32
  }
  func.func @transform_1(%arg0: i32) -> (i32, i32) {
    %c0_i32 = arith.constant 0 : i32
    %c0_i32_0 = arith.constant 0 : i32
    %c0_i32_1 = arith.constant 0 : i32
    return %c0_i32, %c0_i32_0 : i32, i32
  }
}

module attributes {stable_mosaic.version = 14 : i64} {
  func.func @_stat1_body(%arg0: i32, %arg1: memref<2048x4xf32, #tpu.memory_space<vmem>>, %arg2: memref<4x64xbf16, #tpu.memory_space<vmem>>, %arg3: memref<4x4xf32, #tpu.memory_space<vmem>>, %arg4: memref<8x64xf32, #tpu.memory_space<vmem>>, %arg5: memref<8x64xf32, #tpu.memory_space<vmem>>, %arg6: memref<64x64xf32, #tpu.memory_space<vmem>>, %arg7: memref<8x64xf32, #tpu.memory_space<vmem>>) attributes {dimension_semantics = [#tpu.dimension_semantics<arbitrary>], iteration_bounds = array<i64: 64>, scalar_prefetch = 0 : i64, scratch_operands = 0 : i64, tpu.core_type = #tpu.core_type<tc>, window_params = [{transform_indices = @transform_0, window_bounds = array<i64: 2048, 4>}, {pipeline_mode = #tpu.pipeline_mode<synchronous>, transform_indices = @transform_1, window_bounds = array<i64: 4, 64>}, {pipeline_mode = #tpu.pipeline_mode<synchronous>, transform_indices = @transform_2, window_bounds = array<i64: 4, 4>}, {pipeline_mode = #tpu.pipeline_mode<synchronous>, transform_indices = @transform_3, window_bounds = array<i64: 8, 64>}, {pipeline_mode = #tpu.pipeline_mode<synchronous>, transform_indices = @transform_4, window_bounds = array<i64: 8, 64>}, {pipeline_mode = #tpu.pipeline_mode<synchronous>, transform_indices = @transform_5, window_bounds = array<i64: 64, 64>}, {pipeline_mode = #tpu.pipeline_mode<synchronous>, transform_indices = @transform_6, window_bounds = array<i64: 8, 64>}]} {
    %eq3A = arith.constant 0 : i32
    %eq3A_0 = arith.cmpi eq, %arg0, %eq3A : i32
    %convert_element_type3A = arith.extui %eq3A_0 : i1 to i32
    %cond3A = arith.constant 0 : i32
    %cond3A_1 = arith.cmpi ne, %convert_element_type3A, %cond3A : i32
    scf.if %cond3A_1 {
      %broadcast_in_dim3A_66 = arith.constant 0.000000e+00 : f32
      %broadcast_in_dim3A_67 = vector.broadcast %broadcast_in_dim3A_66 : f32 to vector<64x64xf32>
      %swap3A_68 = arith.constant 0 : index
      %swap3A_69 = arith.constant 0 : index
      %swap3A_70 = vector.load %arg6[%swap3A_68, %swap3A_69] : memref<64x64xf32, #tpu.memory_space<vmem>>, vector<64x64xf32>
      tpu.vector_store %arg6[%swap3A_68, %swap3A_69], %broadcast_in_dim3A_67 {strides = array<i32>} : memref<64x64xf32, #tpu.memory_space<vmem>>, vector<64x64xf32>,
      %broadcast_in_dim3A_71 = arith.constant 0.000000e+00 : f32
      %broadcast_in_dim3A_72 = vector.broadcast %broadcast_in_dim3A_71 : f32 to vector<8x64xf32>
      %swap3A_73 = arith.constant 0 : index
      %swap3A_74 = arith.constant 0 : index
      %swap3A_75 = vector.load %arg7[%swap3A_73, %swap3A_74] : memref<8x64xf32, #tpu.memory_space<vmem>>, vector<8x64xf32>
      tpu.vector_store %arg7[%swap3A_73, %swap3A_74], %broadcast_in_dim3A_72 {strides = array<i32>} : memref<8x64xf32, #tpu.memory_space<vmem>>, vector<8x64xf32>,
    } else {
    }
    %get3A = arith.constant 0 : index
    %get3A_2 = arith.constant 0 : index
    %get3A_3 = vector.load %arg2[%get3A, %get3A_2] : memref<4x64xbf16, #tpu.memory_space<vmem>>, vector<4x64xbf16>
    %convert_element_type3A_4 = arith.extf %get3A_3 : vector<4x64xbf16> to vector<4x64xf32>
    %get3A_5 = arith.constant 0 : index
    %get3A_6 = arith.constant 0 : index
    %get3A_7 = vector.load %arg3[%get3A_5, %get3A_6] : memref<4x4xf32, #tpu.memory_space<vmem>>, vector<4x4xf32>
    %div3A = arith.constant 1.310720e+05 : f32
    %div3A_8 = vector.broadcast %div3A : f32 to vector<4x4xf32>
    %div3A_9 = arith.divf %get3A_7, %div3A_8 : vector<4x4xf32>
    %slice3A = vector.extract_strided_slice %div3A_9 {offsets = [0, 3], sizes = [4, 1], strides = [1, 1]} : vector<4x4xf32> to vector<4x1xf32>
    %mul3A = vector.broadcast %slice3A : vector<4x1xf32> to vector<4x64xf32>
    %mul3A_10 = arith.mulf %convert_element_type3A_4, %mul3A : vector<4x64xf32>
    %reduce_sum3A = arith.constant dense<0.000000e+00> : vector<64xf32>
    %reduce_sum3A_11 = vector.multi_reduction <add>, %mul3A_10, %reduce_sum3A [0] : vector<4x64xf32> to vector<64xf32>
    %broadcast_in_dim3A = vector.shape_cast %reduce_sum3A_11 : vector<64xf32> to vector<1x64xf32>
    %dot_general3A = arith.constant dense<0.000000e+00> : vector<4x64xf32>
    %dot_general3A_12 = tpu.matmul %div3A_9, %convert_element_type3A_4, %dot_general3A {dimension_numbers = #tpu.dot_dimension_numbers<[1], [0], [0], [1], [0, 0, 1, 1], [], []>, transpose_lhs_hint = false} : vector<4x4xf32>, vector<4x64xf32>, vector<4x64xf32> -> vector<4x64xf32>
    %mul3A_13 = arith.mulf %convert_element_type3A_4, %dot_general3A_12 : vector<4x64xf32>
    %reduce_sum3A_14 = arith.constant dense<0.000000e+00> : vector<64xf32>
    %reduce_sum3A_15 = vector.multi_reduction <add>, %mul3A_13, %reduce_sum3A_14 [0] : vector<4x64xf32> to vector<64xf32>
    %broadcast_in_dim3A_16 = vector.shape_cast %reduce_sum3A_15 : vector<64xf32> to vector<1x64xf32>
    %mul3A_17 = arith.mulf %broadcast_in_dim3A, %broadcast_in_dim3A : vector<1x64xf32>
    %sub3A = arith.subf %broadcast_in_dim3A_16, %mul3A_17 : vector<1x64xf32>
    %get3A_18 = arith.constant 0 : index
    %get3A_19 = arith.constant 0 : index
    %get3A_20 = vector.load %arg4[%get3A_18, %get3A_19] : memref<8x64xf32, #tpu.memory_space<vmem>>, vector<1x64xf32>
    %add3A = arith.constant 9.99999974E-6 : f32
    %add3A_21 = vector.broadcast %add3A : f32 to vector<1x64xf32>
    %add3A_22 = arith.addf %sub3A, %add3A_21 : vector<1x64xf32>
    %sqrt3A = math.sqrt %add3A_22 : vector<1x64xf32>
    %div3A_23 = arith.divf %get3A_20, %sqrt3A : vector<1x64xf32>
    %get3A_24 = arith.constant 0 : index
    %get3A_25 = arith.constant 0 : index
    %get3A_26 = vector.load %arg1[%get3A_24, %get3A_25] : memref<2048x4xf32, #tpu.memory_space<vmem>>, vector<2048x4xf32>
    %convert_element_type3A_27 = arith.truncf %get3A_26 : vector<2048x4xf32> to vector<2048x4xbf16>
    %get3A_28 = arith.constant 0 : index
    %get3A_29 = arith.constant 0 : index
    %get3A_30 = vector.load %arg2[%get3A_28, %get3A_29] : memref<4x64xbf16, #tpu.memory_space<vmem>>, vector<4x64xbf16>
    %dot_general3A_31 = arith.constant dense<0.000000e+00> : vector<2048x64xf32>
    %dot_general3A_32 = tpu.matmul %convert_element_type3A_27, %get3A_30, %dot_general3A_31 {dimension_numbers = #tpu.dot_dimension_numbers<[1], [0], [0], [1], [0, 0, 1, 1], [], []>, transpose_lhs_hint = false} : vector<2048x4xbf16>, vector<4x64xbf16>, vector<2048x64xf32> -> vector<2048x64xf32>
    %sub3A_33 = vector.broadcast %broadcast_in_dim3A : vector<1x64xf32> to vector<2048x64xf32>
    %sub3A_34 = arith.subf %dot_general3A_32, %sub3A_33 : vector<2048x64xf32>
    %mul3A_35 = vector.broadcast %div3A_23 : vector<1x64xf32> to vector<2048x64xf32>
    %mul3A_36 = arith.mulf %sub3A_34, %mul3A_35 : vector<2048x64xf32>
    %get3A_37 = arith.constant 0 : index
    %get3A_38 = arith.constant 0 : index
    %get3A_39 = vector.load %arg5[%get3A_37, %get3A_38] : memref<8x64xf32, #tpu.memory_space<vmem>>, vector<1x64xf32>
    %add3A_40 = vector.broadcast %get3A_39 : vector<1x64xf32> to vector<2048x64xf32>
    %add3A_41 = arith.addf %mul3A_36, %add3A_40 : vector<2048x64xf32>
    %max3A = arith.constant 0.000000e+00 : f32
    %max3A_42 = vector.broadcast %max3A : f32 to vector<2048x64xf32>
    %max3A_43 = arith.maximumf %add3A_41, %max3A_42 : vector<2048x64xf32>
    %convert_element_type3A_44 = arith.truncf %max3A_43 : vector<2048x64xf32> to vector<2048x64xbf16>
    %get3A_45 = arith.constant 0 : index
    %get3A_46 = arith.constant 0 : index
    %get3A_47 = vector.load %arg6[%get3A_45, %get3A_46] : memref<64x64xf32, #tpu.memory_space<vmem>>, vector<64x64xf32>
    %dot_general3A_48 = arith.constant dense<0.000000e+00> : vector<64x64xf32>
    %dot_general3A_49 = tpu.matmul %convert_element_type3A_44, %convert_element_type3A_44, %dot_general3A_48 {dimension_numbers = #tpu.dot_dimension_numbers<[0], [0], [1], [1], [0, 1, 1, 1], [], []>, transpose_lhs_hint = false} : vector<2048x64xbf16>, vector<2048x64xbf16>, vector<64x64xf32> -> vector<64x64xf32>
    %add3A_50 = arith.addf %get3A_47, %dot_general3A_49 : vector<64x64xf32>
    %swap3A = arith.constant 0 : index
    %swap3A_51 = arith.constant 0 : index
    %swap3A_52 = vector.load %arg6[%swap3A, %swap3A_51] : memref<64x64xf32, #tpu.memory_space<vmem>>, vector<64x64xf32>
    tpu.vector_store %arg6[%swap3A, %swap3A_51], %add3A_50 {strides = array<i32>} : memref<64x64xf32, #tpu.memory_space<vmem>>, vector<64x64xf32>,
    %get3A_53 = arith.constant 0 : index
    %get3A_54 = arith.constant 0 : index
    %get3A_55 = vector.load %arg7[%get3A_53, %get3A_54] : memref<8x64xf32, #tpu.memory_space<vmem>>, vector<8x64xf32>
    %convert_element_type3A_56 = arith.extf %convert_element_type3A_44 : vector<2048x64xbf16> to vector<2048x64xf32>
    %reduce_sum3A_57 = arith.constant dense<0.000000e+00> : vector<64xf32>
    %reduce_sum3A_58 = vector.multi_reduction <add>, %convert_element_type3A_56, %reduce_sum3A_57 [0] : vector<2048x64xf32> to vector<64xf32>
    %broadcast_in_dim3A_59 = vector.shape_cast %reduce_sum3A_58 : vector<64xf32> to vector<1x64xf32>
    %broadcast_in_dim3A_60 = vector.shape_cast %broadcast_in_dim3A_59 : vector<1x64xf32> to vector<1x64xf32>
    %broadcast_in_dim3A_61 = vector.broadcast %broadcast_in_dim3A_60 : vector<1x64xf32> to vector<8x64xf32>
    %add3A_62 = arith.addf %get3A_55, %broadcast_in_dim3A_61 : vector<8x64xf32>
    %swap3A_63 = arith.constant 0 : index
    %swap3A_64 = arith.constant 0 : index
    %swap3A_65 = vector.load %arg7[%swap3A_63, %swap3A_64] : memref<8x64xf32, #tpu.memory_space<vmem>>, vector<8x64xf32>
    tpu.vector_store %arg7[%swap3A_63, %swap3A_64], %add3A_62 {strides = array<i32>} : memref<8x64xf32, #tpu.memory_space<vmem>>, vector<8x64xf32>,
    return
  }
  func.func @transform_0(%arg0: i32) -> (i32, i32) {
    %c0_i32 = arith.constant 0 : i32
    %c0_i32_0 = arith.constant 0 : i32
    return %arg0, %c0_i32 : i32, i32
  }
  func.func @transform_1(%arg0: i32) -> (i32, i32) {
    %c0_i32 = arith.constant 0 : i32
    %c0_i32_0 = arith.constant 0 : i32
    %c0_i32_1 = arith.constant 0 : i32
    return %c0_i32, %c0_i32_0 : i32, i32
  }
  func.func @transform_2(%arg0: i32) -> (i32, i32) {
    %c0_i32 = arith.constant 0 : i32
    %c0_i32_0 = arith.constant 0 : i32
    %c0_i32_1 = arith.constant 0 : i32
    return %c0_i32, %c0_i32_0 : i32, i32
  }
  func.func @transform_3(%arg0: i32) -> (i32, i32) {
    %c0_i32 = arith.constant 0 : i32
    %c0_i32_0 = arith.constant 0 : i32
    %c0_i32_1 = arith.constant 0 : i32
    return %c0_i32, %c0_i32_0 : i32, i32
  }
  func.func @transform_4(%arg0: i32) -> (i32, i32) {
    %c0_i32 = arith.constant 0 : i32
    %c0_i32_0 = arith.constant 0 : i32
    %c0_i32_1 = arith.constant 0 : i32
    return %c0_i32, %c0_i32_0 : i32, i32
  }
  func.func @transform_5(%arg0: i32) -> (i32, i32) {
    %c0_i32 = arith.constant 0 : i32
    %c0_i32_0 = arith.constant 0 : i32
    %c0_i32_1 = arith.constant 0 : i32
    return %c0_i32, %c0_i32_0 : i32, i32
  }
  func.func @transform_6(%arg0: i32) -> (i32, i32) {
    %c0_i32 = arith.constant 0 : i32
    %c0_i32_0 = arith.constant 0 : i32
    %c0_i32_1 = arith.constant 0 : i32
    return %c0_i32, %c0_i32_0 : i32, i32
  }
}

module attributes {stable_mosaic.version = 14 : i64} {
  func.func @_mlp_body(%arg0: i32, %arg1: memref<2048x4xf32, #tpu.memory_space<vmem>>, %arg2: memref<4x64xbf16, #tpu.memory_space<vmem>>, %arg3: memref<4x4xf32, #tpu.memory_space<vmem>>, %arg4: memref<8x64xf32, #tpu.memory_space<vmem>>, %arg5: memref<8x64xf32, #tpu.memory_space<vmem>>, %arg6: memref<64x128xbf16, #tpu.memory_space<vmem>>, %arg7: memref<8x128xf32, #tpu.memory_space<vmem>>, %arg8: memref<8x128xf32, #tpu.memory_space<vmem>>, %arg9: memref<8x128xf32, #tpu.memory_space<vmem>>, %arg10: memref<64x64xf32, #tpu.memory_space<vmem>>, %arg11: memref<8x64xf32, #tpu.memory_space<vmem>>, %arg12: memref<128x384xbf16, #tpu.memory_space<vmem>>, %arg13: memref<8x384xf32, #tpu.memory_space<vmem>>, %arg14: memref<64x384xf32, #tpu.memory_space<vmem>>) attributes {dimension_semantics = [#tpu.dimension_semantics<arbitrary>], iteration_bounds = array<i64: 64>, scalar_prefetch = 0 : i64, scratch_operands = 0 : i64, tpu.core_type = #tpu.core_type<tc>, window_params = [{transform_indices = @transform_0, window_bounds = array<i64: 2048, 4>}, {pipeline_mode = #tpu.pipeline_mode<synchronous>, transform_indices = @transform_1, window_bounds = array<i64: 4, 64>}, {pipeline_mode = #tpu.pipeline_mode<synchronous>, transform_indices = @transform_2, window_bounds = array<i64: 4, 4>}, {pipeline_mode = #tpu.pipeline_mode<synchronous>, transform_indices = @transform_3, window_bounds = array<i64: 8, 64>}, {pipeline_mode = #tpu.pipeline_mode<synchronous>, transform_indices = @transform_4, window_bounds = array<i64: 8, 64>}, {pipeline_mode = #tpu.pipeline_mode<synchronous>, transform_indices = @transform_5, window_bounds = array<i64: 64, 128>}, {pipeline_mode = #tpu.pipeline_mode<synchronous>, transform_indices = @transform_6, window_bounds = array<i64: 8, 128>}, {pipeline_mode = #tpu.pipeline_mode<synchronous>, transform_indices = @transform_7, window_bounds = array<i64: 8, 128>}, {pipeline_mode = #tpu.pipeline_mode<synchronous>, transform_indices = @transform_8, window_bounds = array<i64: 8, 128>}, {pipeline_mode = #tpu.pipeline_mode<synchronous>, transform_indices = @transform_9, window_bounds = array<i64: 64, 64>}, {pipeline_mode = #tpu.pipeline_mode<synchronous>, transform_indices = @transform_10, window_bounds = array<i64: 8, 64>}, {pipeline_mode = #tpu.pipeline_mode<synchronous>, transform_indices = @transform_11, window_bounds = array<i64: 128, 384>}, {pipeline_mode = #tpu.pipeline_mode<synchronous>, transform_indices = @transform_12, window_bounds = array<i64: 8, 384>}, {transform_indices = @transform_13, window_bounds = array<i64: 64, 384>}]} {
    %get3A = arith.constant 0 : index
    %get3A_0 = arith.constant 0 : index
    %get3A_1 = vector.load %arg2[%get3A, %get3A_0] : memref<4x64xbf16, #tpu.memory_space<vmem>>, vector<4x64xbf16>
    %convert_element_type3A = arith.extf %get3A_1 : vector<4x64xbf16> to vector<4x64xf32>
    %get3A_2 = arith.constant 0 : index
    %get3A_3 = arith.constant 0 : index
    %get3A_4 = vector.load %arg3[%get3A_2, %get3A_3] : memref<4x4xf32, #tpu.memory_space<vmem>>, vector<4x4xf32>
    %div3A = arith.constant 1.310720e+05 : f32
    %div3A_5 = vector.broadcast %div3A : f32 to vector<4x4xf32>
    %div3A_6 = arith.divf %get3A_4, %div3A_5 : vector<4x4xf32>
    %slice3A = vector.extract_strided_slice %div3A_6 {offsets = [0, 3], sizes = [4, 1], strides = [1, 1]} : vector<4x4xf32> to vector<4x1xf32>
    %mul3A = vector.broadcast %slice3A : vector<4x1xf32> to vector<4x64xf32>
    %mul3A_7 = arith.mulf %convert_element_type3A, %mul3A : vector<4x64xf32>
    %reduce_sum3A = arith.constant dense<0.000000e+00> : vector<64xf32>
    %reduce_sum3A_8 = vector.multi_reduction <add>, %mul3A_7, %reduce_sum3A [0] : vector<4x64xf32> to vector<64xf32>
    %broadcast_in_dim3A = vector.shape_cast %reduce_sum3A_8 : vector<64xf32> to vector<1x64xf32>
    %dot_general3A = arith.constant dense<0.000000e+00> : vector<4x64xf32>
    %dot_general3A_9 = tpu.matmul %div3A_6, %convert_element_type3A, %dot_general3A {dimension_numbers = #tpu.dot_dimension_numbers<[1], [0], [0], [1], [0, 0, 1, 1], [], []>, transpose_lhs_hint = false} : vector<4x4xf32>, vector<4x64xf32>, vector<4x64xf32> -> vector<4x64xf32>
    %mul3A_10 = arith.mulf %convert_element_type3A, %dot_general3A_9 : vector<4x64xf32>
    %reduce_sum3A_11 = arith.constant dense<0.000000e+00> : vector<64xf32>
    %reduce_sum3A_12 = vector.multi_reduction <add>, %mul3A_10, %reduce_sum3A_11 [0] : vector<4x64xf32> to vector<64xf32>
    %broadcast_in_dim3A_13 = vector.shape_cast %reduce_sum3A_12 : vector<64xf32> to vector<1x64xf32>
    %mul3A_14 = arith.mulf %broadcast_in_dim3A, %broadcast_in_dim3A : vector<1x64xf32>
    %sub3A = arith.subf %broadcast_in_dim3A_13, %mul3A_14 : vector<1x64xf32>
    %get3A_15 = arith.constant 0 : index
    %get3A_16 = arith.constant 0 : index
    %get3A_17 = vector.load %arg4[%get3A_15, %get3A_16] : memref<8x64xf32, #tpu.memory_space<vmem>>, vector<1x64xf32>
    %add3A = arith.constant 9.99999974E-6 : f32
    %add3A_18 = vector.broadcast %add3A : f32 to vector<1x64xf32>
    %add3A_19 = arith.addf %sub3A, %add3A_18 : vector<1x64xf32>
    %sqrt3A = math.sqrt %add3A_19 : vector<1x64xf32>
    %div3A_20 = arith.divf %get3A_17, %sqrt3A : vector<1x64xf32>
    %get3A_21 = arith.constant 0 : index
    %get3A_22 = arith.constant 0 : index
    %get3A_23 = vector.load %arg1[%get3A_21, %get3A_22] : memref<2048x4xf32, #tpu.memory_space<vmem>>, vector<2048x4xf32>
    %convert_element_type3A_24 = arith.truncf %get3A_23 : vector<2048x4xf32> to vector<2048x4xbf16>
    %get3A_25 = arith.constant 0 : index
    %get3A_26 = arith.constant 0 : index
    %get3A_27 = vector.load %arg2[%get3A_25, %get3A_26] : memref<4x64xbf16, #tpu.memory_space<vmem>>, vector<4x64xbf16>
    %dot_general3A_28 = arith.constant dense<0.000000e+00> : vector<2048x64xf32>
    %dot_general3A_29 = tpu.matmul %convert_element_type3A_24, %get3A_27, %dot_general3A_28 {dimension_numbers = #tpu.dot_dimension_numbers<[1], [0], [0], [1], [0, 0, 1, 1], [], []>, transpose_lhs_hint = false} : vector<2048x4xbf16>, vector<4x64xbf16>, vector<2048x64xf32> -> vector<2048x64xf32>
    %sub3A_30 = vector.broadcast %broadcast_in_dim3A : vector<1x64xf32> to vector<2048x64xf32>
    %sub3A_31 = arith.subf %dot_general3A_29, %sub3A_30 : vector<2048x64xf32>
    %mul3A_32 = vector.broadcast %div3A_20 : vector<1x64xf32> to vector<2048x64xf32>
    %mul3A_33 = arith.mulf %sub3A_31, %mul3A_32 : vector<2048x64xf32>
    %get3A_34 = arith.constant 0 : index
    %get3A_35 = arith.constant 0 : index
    %get3A_36 = vector.load %arg5[%get3A_34, %get3A_35] : memref<8x64xf32, #tpu.memory_space<vmem>>, vector<1x64xf32>
    %add3A_37 = vector.broadcast %get3A_36 : vector<1x64xf32> to vector<2048x64xf32>
    %add3A_38 = arith.addf %mul3A_33, %add3A_37 : vector<2048x64xf32>
    %max3A = arith.constant 0.000000e+00 : f32
    %max3A_39 = vector.broadcast %max3A : f32 to vector<2048x64xf32>
    %max3A_40 = arith.maximumf %add3A_38, %max3A_39 : vector<2048x64xf32>
    %convert_element_type3A_41 = arith.truncf %max3A_40 : vector<2048x64xf32> to vector<2048x64xbf16>
    %get3A_42 = arith.constant 0 : index
    %get3A_43 = arith.constant 0 : index
    %get3A_44 = vector.load %arg6[%get3A_42, %get3A_43] : memref<64x128xbf16, #tpu.memory_space<vmem>>, vector<64x128xbf16>
    %convert_element_type3A_45 = arith.extf %get3A_44 : vector<64x128xbf16> to vector<64x128xf32>
    %get3A_46 = arith.constant 0 : index
    %get3A_47 = arith.constant 0 : index
    %get3A_48 = vector.load %arg7[%get3A_46, %get3A_47] : memref<8x128xf32, #tpu.memory_space<vmem>>, vector<1x128xf32>
    %get3A_49 = arith.constant 0 : index
    %get3A_50 = arith.constant 0 : index
    %get3A_51 = vector.load %arg11[%get3A_49, %get3A_50] : memref<8x64xf32, #tpu.memory_space<vmem>>, vector<1x64xf32>
    %div3A_52 = arith.constant 1.310720e+05 : f32
    %div3A_53 = vector.broadcast %div3A_52 : f32 to vector<1x64xf32>
    %div3A_54 = arith.divf %get3A_51, %div3A_53 : vector<1x64xf32>
    %dot_general3A_55 = arith.constant dense<0.000000e+00> : vector<1x128xf32>
    %dot_general3A_56 = tpu.matmul %div3A_54, %convert_element_type3A_45, %dot_general3A_55 {dimension_numbers = #tpu.dot_dimension_numbers<[1], [0], [0], [1], [0, 0, 1, 1], [], []>, transpose_lhs_hint = false} : vector<1x64xf32>, vector<64x128xf32>, vector<1x128xf32> -> vector<1x128xf32>
    %add3A_57 = arith.addf %dot_general3A_56, %get3A_48 : vector<1x128xf32>
    %get3A_58 = arith.constant 0 : index
    %get3A_59 = arith.constant 0 : index
    %get3A_60 = vector.load %arg10[%get3A_58, %get3A_59] : memref<64x64xf32, #tpu.memory_space<vmem>>, vector<64x64xf32>
    %div3A_61 = arith.constant 1.310720e+05 : f32
    %div3A_62 = vector.broadcast %div3A_61 : f32 to vector<64x64xf32>
    %div3A_63 = arith.divf %get3A_60, %div3A_62 : vector<64x64xf32>
    %dot_general3A_64 = arith.constant dense<0.000000e+00> : vector<64x128xf32>
    %dot_general3A_65 = tpu.matmul %div3A_63, %convert_element_type3A_45, %dot_general3A_64 {dimension_numbers = #tpu.dot_dimension_numbers<[1], [0], [0], [1], [0, 0, 1, 1], [], []>, transpose_lhs_hint = false} : vector<64x64xf32>, vector<64x128xf32>, vector<64x128xf32> -> vector<64x128xf32>
    %mul3A_66 = arith.mulf %convert_element_type3A_45, %dot_general3A_65 : vector<64x128xf32>
    %reduce_sum3A_67 = arith.constant dense<0.000000e+00> : vector<128xf32>
    %reduce_sum3A_68 = vector.multi_reduction <add>, %mul3A_66, %reduce_sum3A_67 [0] : vector<64x128xf32> to vector<128xf32>
    %broadcast_in_dim3A_69 = vector.shape_cast %reduce_sum3A_68 : vector<128xf32> to vector<1x128xf32>
    %mul3A_70 = arith.constant 2.000000e+00 : f32
    %mul3A_71 = vector.broadcast %mul3A_70 : f32 to vector<1x128xf32>
    %mul3A_72 = arith.mulf %mul3A_71, %get3A_48 : vector<1x128xf32>
    %mul3A_73 = arith.mulf %mul3A_72, %dot_general3A_56 : vector<1x128xf32>
    %add3A_74 = arith.addf %broadcast_in_dim3A_69, %mul3A_73 : vector<1x128xf32>
    %mul3A_75 = arith.mulf %get3A_48, %get3A_48 : vector<1x128xf32>
    %add3A_76 = arith.addf %add3A_74, %mul3A_75 : vector<1x128xf32>
    %mul3A_77 = arith.mulf %add3A_57, %add3A_57 : vector<1x128xf32>
    %sub3A_78 = arith.subf %add3A_76, %mul3A_77 : vector<1x128xf32>
    %get3A_79 = arith.constant 0 : index
    %get3A_80 = arith.constant 0 : index
    %get3A_81 = vector.load %arg8[%get3A_79, %get3A_80] : memref<8x128xf32, #tpu.memory_space<vmem>>, vector<1x128xf32>
    %add3A_82 = arith.constant 9.99999974E-6 : f32
    %add3A_83 = vector.broadcast %add3A_82 : f32 to vector<1x128xf32>
    %add3A_84 = arith.addf %sub3A_78, %add3A_83 : vector<1x128xf32>
    %sqrt3A_85 = math.sqrt %add3A_84 : vector<1x128xf32>
    %div3A_86 = arith.divf %get3A_81, %sqrt3A_85 : vector<1x128xf32>
    %get3A_87 = arith.constant 0 : index
    %get3A_88 = arith.constant 0 : index
    %get3A_89 = vector.load %arg6[%get3A_87, %get3A_88] : memref<64x128xbf16, #tpu.memory_space<vmem>>, vector<64x128xbf16>
    %dot_general3A_90 = arith.constant dense<0.000000e+00> : vector<2048x128xf32>
    %dot_general3A_91 = tpu.matmul %convert_element_type3A_41, %get3A_89, %dot_general3A_90 {dimension_numbers = #tpu.dot_dimension_numbers<[1], [0], [0], [1], [0, 0, 1, 1], [], []>, transpose_lhs_hint = false} : vector<2048x64xbf16>, vector<64x128xbf16>, vector<2048x128xf32> -> vector<2048x128xf32>
    %add3A_92 = vector.broadcast %get3A_48 : vector<1x128xf32> to vector<2048x128xf32>
    %add3A_93 = arith.addf %dot_general3A_91, %add3A_92 : vector<2048x128xf32>
    %sub3A_94 = vector.broadcast %add3A_57 : vector<1x128xf32> to vector<2048x128xf32>
    %sub3A_95 = arith.subf %add3A_93, %sub3A_94 : vector<2048x128xf32>
    %mul3A_96 = vector.broadcast %div3A_86 : vector<1x128xf32> to vector<2048x128xf32>
    %mul3A_97 = arith.mulf %sub3A_95, %mul3A_96 : vector<2048x128xf32>
    %get3A_98 = arith.constant 0 : index
    %get3A_99 = arith.constant 0 : index
    %get3A_100 = vector.load %arg9[%get3A_98, %get3A_99] : memref<8x128xf32, #tpu.memory_space<vmem>>, vector<1x128xf32>
    %add3A_101 = vector.broadcast %get3A_100 : vector<1x128xf32> to vector<2048x128xf32>
    %add3A_102 = arith.addf %mul3A_97, %add3A_101 : vector<2048x128xf32>
    %max3A_103 = arith.constant 0.000000e+00 : f32
    %max3A_104 = vector.broadcast %max3A_103 : f32 to vector<2048x128xf32>
    %max3A_105 = arith.maximumf %add3A_102, %max3A_104 : vector<2048x128xf32>
    %convert_element_type3A_106 = arith.truncf %max3A_105 : vector<2048x128xf32> to vector<2048x128xbf16>
    %get3A_107 = arith.constant 0 : index
    %get3A_108 = arith.constant 0 : index
    %get3A_109 = vector.load %arg12[%get3A_107, %get3A_108] : memref<128x384xbf16, #tpu.memory_space<vmem>>, vector<128x384xbf16>
    %dot_general3A_110 = arith.constant dense<0.000000e+00> : vector<2048x384xf32>
    %dot_general3A_111 = tpu.matmul %convert_element_type3A_106, %get3A_109, %dot_general3A_110 {dimension_numbers = #tpu.dot_dimension_numbers<[1], [0], [0], [1], [0, 0, 1, 1], [], []>, transpose_lhs_hint = false} : vector<2048x128xbf16>, vector<128x384xbf16>, vector<2048x384xf32> -> vector<2048x384xf32>
    %get3A_112 = arith.constant 0 : index
    %get3A_113 = arith.constant 0 : index
    %get3A_114 = vector.load %arg13[%get3A_112, %get3A_113] : memref<8x384xf32, #tpu.memory_space<vmem>>, vector<1x384xf32>
    %add3A_115 = vector.broadcast %get3A_114 : vector<1x384xf32> to vector<2048x384xf32>
    %add3A_116 = arith.addf %dot_general3A_111, %add3A_115 : vector<2048x384xf32>
    %reshape3A = vector.shape_cast %add3A_116 : vector<2048x384xf32> to vector<64x32x384xf32>
    %reduce_max3A = arith.constant dense<0xFF800000> : vector<64x384xf32>
    %reduce_max3A_117 = vector.multi_reduction <maximumf>, %reshape3A, %reduce_max3A [1] : vector<64x32x384xf32> to vector<64x384xf32>
    %swap3A = arith.constant 0 : index
    %swap3A_118 = arith.constant 0 : index
    %swap3A_119 = vector.load %arg14[%swap3A, %swap3A_118] : memref<64x384xf32, #tpu.memory_space<vmem>>, vector<64x384xf32>
    tpu.vector_store %arg14[%swap3A, %swap3A_118], %reduce_max3A_117 {strides = array<i32>} : memref<64x384xf32, #tpu.memory_space<vmem>>, vector<64x384xf32>,
    return
  }
  func.func @transform_0(%arg0: i32) -> (i32, i32) {
    %c0_i32 = arith.constant 0 : i32
    %c0_i32_0 = arith.constant 0 : i32
    return %arg0, %c0_i32 : i32, i32
  }
  func.func @transform_1(%arg0: i32) -> (i32, i32) {
    %c0_i32 = arith.constant 0 : i32
    %c0_i32_0 = arith.constant 0 : i32
    %c0_i32_1 = arith.constant 0 : i32
    return %c0_i32, %c0_i32_0 : i32, i32
  }
  func.func @transform_2(%arg0: i32) -> (i32, i32) {
    %c0_i32 = arith.constant 0 : i32
    %c0_i32_0 = arith.constant 0 : i32
    %c0_i32_1 = arith.constant 0 : i32
    return %c0_i32, %c0_i32_0 : i32, i32
  }
  func.func @transform_3(%arg0: i32) -> (i32, i32) {
    %c0_i32 = arith.constant 0 : i32
    %c0_i32_0 = arith.constant 0 : i32
    %c0_i32_1 = arith.constant 0 : i32
    return %c0_i32, %c0_i32_0 : i32, i32
  }
  func.func @transform_4(%arg0: i32) -> (i32, i32) {
    %c0_i32 = arith.constant 0 : i32
    %c0_i32_0 = arith.constant 0 : i32
    %c0_i32_1 = arith.constant 0 : i32
    return %c0_i32, %c0_i32_0 : i32, i32
  }
  func.func @transform_5(%arg0: i32) -> (i32, i32) {
    %c0_i32 = arith.constant 0 : i32
    %c0_i32_0 = arith.constant 0 : i32
    %c0_i32_1 = arith.constant 0 : i32
    return %c0_i32, %c0_i32_0 : i32, i32
  }
  func.func @transform_6(%arg0: i32) -> (i32, i32) {
    %c0_i32 = arith.constant 0 : i32
    %c0_i32_0 = arith.constant 0 : i32
    %c0_i32_1 = arith.constant 0 : i32
    return %c0_i32, %c0_i32_0 : i32, i32
  }
  func.func @transform_7(%arg0: i32) -> (i32, i32) {
    %c0_i32 = arith.constant 0 : i32
    %c0_i32_0 = arith.constant 0 : i32
    %c0_i32_1 = arith.constant 0 : i32
    return %c0_i32, %c0_i32_0 : i32, i32
  }
  func.func @transform_8(%arg0: i32) -> (i32, i32) {
    %c0_i32 = arith.constant 0 : i32
    %c0_i32_0 = arith.constant 0 : i32
    %c0_i32_1 = arith.constant 0 : i32
    return %c0_i32, %c0_i32_0 : i32, i32
  }
  func.func @transform_9(%arg0: i32) -> (i32, i32) {
    %c0_i32 = arith.constant 0 : i32
    %c0_i32_0 = arith.constant 0 : i32
    %c0_i32_1 = arith.constant 0 : i32
    return %c0_i32, %c0_i32_0 : i32, i32
  }
  func.func @transform_10(%arg0: i32) -> (i32, i32) {
    %c0_i32 = arith.constant 0 : i32
    %c0_i32_0 = arith.constant 0 : i32
    %c0_i32_1 = arith.constant 0 : i32
    return %c0_i32, %c0_i32_0 : i32, i32
  }
  func.func @transform_11(%arg0: i32) -> (i32, i32) {
    %c0_i32 = arith.constant 0 : i32
    %c0_i32_0 = arith.constant 0 : i32
    %c0_i32_1 = arith.constant 0 : i32
    return %c0_i32, %c0_i32_0 : i32, i32
  }
  func.func @transform_12(%arg0: i32) -> (i32, i32) {
    %c0_i32 = arith.constant 0 : i32
    %c0_i32_0 = arith.constant 0 : i32
    %c0_i32_1 = arith.constant 0 : i32
    return %c0_i32, %c0_i32_0 : i32, i32
  }
  func.func @transform_13(%arg0: i32) -> (i32, i32) {
    %c0_i32 = arith.constant 0 : i32
    %c0_i32_0 = arith.constant 0 : i32
    return %arg0, %c0_i32 : i32, i32
  }
}

</mosaic_0001>

<sc_bundles>
// kernel: kernel.6.cloned.1.call-start
scs
__scs_entry_jumppad:
0x0: {  	(pc) =	sbr.rel $0x88, $3  }
0x1: {  	(tag) =	ssettag $0x0;
	lr =	simm.s32 $0x1  }
0x2: {  	[smem:$0x3F96] =	sst lr;
	_ =	strace $0xD0000000  }
0x3: {  	_ = 	snop  }
0x4: {  	_ = 	snop  }
0x5: {  	_ = 	snop  }
0x6: {  	_ = 	snop  }
0x7: {  	_ = 	snop  }
__scs_overlays_trampoline_lowered:
0x8: {  	[smem:$0x3FA5] =	sst s0  }
0x9: {  	[smem:$0x3FA6] =	sst s1  }
0xa: {  	[smem:$0x3FA7] =	sst s2  }
0xb: {  	[smem:$0x3FA8] =	sst s3  }
0xc: {  	[smem:$0x3FA9] =	sst s4  }
0xd: {  	[smem:$0x3FAA] =	sst s5  }
0xe: {  	[smem:$0x3FAB] =	sst s6  }
0xf: {  	[smem:$0x3FAC] =	sst s7  }
0x10: {  	[smem:$0x3FAD] =	sst s8  }
0x11: {  	[smem:$0x3FAE] =	sst s9;
	s0 =	simm.s32 @!p0 $0x0  }
0x12: {  	s1 =	sld [smem:$0x3F94];
	s0 =	simm.s32 @p0 $0x1  }
0x13: {  	[smem:$0x3FAF] =	sst s0;
	s0 =	simm.s32 @!p1 $0x0  }
0x14: {  	s2 =	sld [smem:$0x3F93];
	s0 =	simm.s32 @p1 $0x1  }
0x15: {  	[smem:$0x3FB0] =	sst s0;
	s0 =	simm.s32 @!p2 $0x0  }
0x16: {  	s3 =	sld [smem:$0x3FDB];
	s0 =	simm.s32 @p2 $0x1  }
0x17: {  	s4 =	simm.s32 $0x1BF5;
	[smem:$0x3FB2] =	sst s0  }
0x18: {  	s0 =	sld [smem:$0x3F95];
	_ =	swait.ge [sflag:s4], $0x0  }
0x19: {  	s7 =	sld [smem:$0x3F96]  }
0x1a: {  	s8 =	sadd.s32 $0xFFFFE003, lr  }
0x1b: {  	s9 =	sadd.s32 $0xFFFFFEF7, lr;
	s5 =	simm.s32 $0xFFFFFFFF;
	p2 =	slt.u32 s8, $0xFFFFF086  }
0x1c: {  	p1 =	slt.u32 s9, $0xF7A;
	s5 =	simm.s32 @!p2 $0x0  }
0x1d: {  	s5 =	simm.s32 @p1 $0x1;
	p0 =	seq.s32 s7, s2  }
0x1e: {  	s7 =	smul.u32 @!p0 $0xF7A, s2;
	p2 =	seq.s32 @!p0 s5, $0x0  }
0x1f: {  	s9 =	smul.u32 $0xF7A, s1;
	s8 =	simm.s32 @!p0 $0x1BF5;
	p2 =	por !p2, p0  }
0x20: {  	[sflag:s8] =	ssyncset.s32 @!p0 $0xFFFFF086;
	s6 =	sadd.s32 @!p0 s3, s7;
	s7 =	simm.s32 @!p0 $0x108  }
0x21: {  	s3 =	sadd.s32 s3, s9;
	s6 =	sadd.s32 @!p0 $0x88, s6;
	s7 =	simm.s32 @p2 $0x1082  }
0x22: {  	[simem:s7], [sflag:s8] =	dma.local @!p0 [hbm:s6], $0xF7A  }
0x23: {  	s9 =	sor.u32 $0xD0000000, s2;
	s6 =	simm.s32 $0x108;
	_ =	swait.ge @!p0 [sflag:s8], $0x0  }
0x24: {  	s3 =	sadd.s32 $0x88, s3;
	s6 =	simm.s32 @!p1 $0x1082;
	[sflag:s4] =	ssyncset.s32 $0xFFFFF086  }
0x25: {  	[simem:s6], [sflag:s4] =	dma.local [hbm:s3], $0xF7A  }
0x26: {  	[smem:$0x3F96] =	sst s1;
	(tag) =	ssettag s2;
	_ =	strace s9  }
0x27: {  	s1 =	sld [smem:$0x3FA6]  }
0x28: {  	s2 =	sld [smem:$0x3FA7]  }
0x29: {  	s4 =	sld [smem:$0x3FA9]  }
0x2a: {  	p0 =	seq.s32 s5, $0x0;
	s5 =	sld [smem:$0x3FAA]  }
0x2b: {  	s6 =	sld [smem:$0x3FAB]  }
0x2c: {  	s7 =	sld [smem:$0x3FAC]  }
0x2d: {  	s3 =	simm.s32 $0x108;
	s8 =	sld [smem:$0x3FAD]  }
0x2e: {  	s3 =	simm.s32 @!p0 $0x1082;
	s9 =	sld [smem:$0x3FAE]  }
0x2f: {  	lr =	sadd.s32 s0, s3;
	s0 =	sld [smem:$0x3FA5]  }
0x30: {  	s3 =	sld [smem:$0x3FA8]  }
0x31: {  	[smem:$0x3FB1] =	sst s10  }
0x32: {  	s10 =	sld [smem:$0x3FAF];
	_ =	sdelay $0x3  }
0x33: {  	p0 =	seq.s32 s10, $0x1;
	s10 =	sld [smem:$0x3FB1];
	_ =	sdelay $0x3  }
0x34: {  	[smem:$0x3FB1] =	sst s10  }
0x35: {  	s10 =	sld [smem:$0x3FB0];
	_ =	sdelay $0x3  }
0x36: {  	p1 =	seq.s32 s10, $0x1;
	s10 =	sld [smem:$0x3FB1];
	_ =	sdelay $0x3  }
0x37: {  	[smem:$0x3FB1] =	sst s10  }
0x38: {  	s10 =	sld [smem:$0x3FB2]  }
0x39: {  	_ = 	snop;
	(pc) =	sbr.ind lr, $3  }
0x3a: {  	_ = 	snop  }
0x3b: {  	_ = 	snop  }
0x3c: {  	p2 =	seq.s32 s10, $0x1;
	s10 =	sld [smem:$0x3FB1]  }
0x3d: {  	_ =	shalt  }
0x3e: {  	_ =	shalt  }
0x3f: {  	_ =	shalt  }
0x40: {  	_ =	shalt  }
0x41: {  	_ =	shalt  }
0x42: {  	_ =	shalt  }
0x43: {  	_ =	shalt  }
0x44: {  	_ =	shalt  }
0x45: {  	_ =	shalt  }
0x46: {  	_ =	shalt  }
0x47: {  	_ =	shalt  }
0x48: {  	_ =	shalt  }
0x49: {  	_ =	shalt  }
0x4a: {  	_ =	shalt  }
0x4b: {  	_ =	shalt  }
0x4c: {  	_ =	shalt  }
0x4d: {  	_ =	shalt  }
0x4e: {  	_ =	shalt  }
0x4f: {  	_ =	shalt  }
0x50: {  	_ =	shalt  }
0x51: {  	_ =	shalt  }
0x52: {  	_ =	shalt  }
0x53: {  	_ =	shalt  }
0x54: {  	_ =	shalt  }
0x55: {  	_ =	shalt  }
0x56: {  	_ =	shalt  }
0x57: {  	_ =	shalt  }
0x58: {  	_ =	shalt  }
0x59: {  	_ =	shalt  }
0x5a: {  	_ =	shalt  }
0x5b: {  	_ =	shalt  }
0x5c: {  	_ =	shalt  }
0x5d: {  	_ =	shalt  }
0x5e: {  	_ =	shalt  }
0x5f: {  	_ =	shalt  }
0x60: {  	_ =	shalt  }
0x61: {  	_ =	shalt  }
0x62: {  	_ =	shalt  }
0x63: {  	_ =	shalt  }
0x64: {  	_ =	shalt  }
0x65: {  	_ =	shalt  }
0x66: {  	_ =	shalt  }
0x67: {  	_ =	shalt  }
0x68: {  	_ =	shalt  }
0x69: {  	_ =	shalt  }
0x6a: {  	_ =	shalt  }
0x6b: {  	_ =	shalt  }
0x6c: {  	_ =	shalt  }
0x6d: {  	_ =	shalt  }
0x6e: {  	_ =	shalt  }
0x6f: {  	_ =	shalt  }
0x70: {  	_ =	shalt  }
0x71: {  	_ =	shalt  }
0x72: {  	_ =	shalt  }
0x73: {  	_ =	shalt  }
0x74: {  	_ =	shalt  }
0x75: {  	_ =	shalt  }
0x76: {  	_ =	shalt  }
0x77: {  	_ =	shalt  }
0x78: {  	_ =	shalt  }
0x79: {  	_ =	shalt  }
0x7a: {  	_ =	shalt  }
0x7b: {  	_ =	shalt  }
0x7c: {  	_ =	shalt  }
0x7d: {  	_ =	shalt  }
0x7e: {  	_ =	shalt  }
0x7f: {  	_ =	shalt  }
0x80: {  	_ =	shalt  }
0x81: {  	_ =	shalt  }
0x82: {  	_ =	shalt  }
0x83: {  	_ =	shalt  }
0x84: {  	_ =	shalt  }
0x85: {  	_ =	shalt  }
0x86: {  	_ =	shalt  }
0x87: {  	_ =	shalt  }
.Lfunc_end0:
.L_simem_size_0:
called_computation_lowered:
.L_overlay_start_0:
0x88: {  	s2 =	sld [smem:$0x3FD9]  }
0x89: {  	s3 =	sld [smem:$0x3FFE];
	_ =	sdelay $0x1  }
0x8a: {  	s1 =	srdreg.scid  }
0x8b: {  	s0 =	sand.u32 $0x1, s1  }
0x8c: {  	s14 =	sshll.u32 s0, $0xA;
	s2 =	sadd.s32 s3, s2  }
0x8d: {  	s2 =	sadd.s32 s2, s14  }
0x8e: {  	[smem:$0x3FBD] =	sst s2  }
0x8f: {  	_ = 	snop  }
0x90: {  	s2 =	sld [smem:$0x3FD0];
	_ =	sdelay $0x2  }
0x91: {  	s15 =	simm.s32 $0xA;
	s4 =	simm.s32 $0x10  }
0x92: {  	[smem:s4], [sflag:s15] =	dma.local [hbm:s2], $0x1  }
0x93: {  	_ =	swait.eq [sflag:s15], $0x1  }
0x94: {  	[sflag:s15] =	ssyncset.done $0x0  }
0x95: {  	s16 =	sld [smem:$0x10];
	[sflag:s15] =	ssyncadd.s32 $0xFFFFFFFF  }
0x96: {  	s17 =	sld [smem:$0x11];
	(tm) =	ssettm $0x1  }
0x97: {  	s18 =	sld [smem:$0x3FFB];
	_ =	sdelay $0x3  }
0x98: {  	_ =	strace s18  }
0x99: {  	s4 =	sld [smem:$0x3FFC];
	_ =	sdelay $0x3  }
0x9a: {  	_ =	strace s4  }
0x9b: {  	s4 =	sld [smem:$0x3FFD];
	_ =	sdelay $0x3  }
0x9c: {  	_ =	strace s4  }
0x9d: {  	_ =	strace $0x8FFFFFFF  }
0x9e: {  	s19 =	sld [smem:$0x3FDB];
	_ =	sdelay $0x1  }
0x9f: {  	s5 =	simm.s32 $_scs_section_size  }
0xa0: {  	s6 =	simm.s32 $_size__tile_overlayer_lowered;
	s7 =	simm.s32 $_tile_overlayer_lowered  }
0xa1: {  	s22 =	simm.s32 $0x1BFF;
	s21 =	sshll.u32 s7, $0x1;
	s4 =	sadd.s32 s5, s19  }
0xa2: {  	s8 =	simm.s32 $0x0;
	s20 =	sshll.u32 s6, $0x1;
	s6 =	sadd.s32 s21, s4  }
0xa3: {  	[timem:s8], [sflag:s22] =	dma.local [hbm:s6], s20  }
0xa4: {  	_ =	swait.ge [sflag:s22], s20  }
0xa5: {  	s5 =	ssub.s32 $0x0, s20;
	[sflag:s22] =	ssyncset.done $0x0  }
0xa6: {  	[sflag:s22] =	ssyncadd.s32 s5;
	_ =	sdelay $0x1  }
0xa7: {  	s23 =	simm.s32 $0x1B8B  }
0xa8: {  	_ =	swait.ge [sflag:s23], $0x1  }
0xa9: {  	[sflag:s23] =	ssyncset.done $0x0  }
0xaa: {  	s25 =	simm.s32 $0x1B8E;
	s24 =	sld [smem:$0x3FFE];
	[sflag:s23] =	ssyncadd.s32 $0xFFFFFFFF  }
0xab: {  	s26 =	simm.s32 $execute0_lowered;
	[smem:$0x3FD2] =	sst s25  }
0xac: {  	s6 =	sshll.u32 s26, $0x1;
	_ =	strace $0x80000046;
	[dreg:$0x1] =	wrdreg $0xFFFFFFFF  }
0xad: {  	s28 =	simm.s32 $_size_execute0_lowered;
	s4 =	sadd.s32 s4, s6;
	[dreg:$0x0] =	wrdreg $0x0  }
0xae: {  	s6 =	sshll.u32 s28, $0x1;
	[dreg:$0x2] =	wrdreg s4  }
0xaf: {  	[dreg:$0x3] =	wrdreg s6  }
0xb0: {  	[dreg:$0x4] =	wrdreg $0xC0  }
0xb1: {  	_ =	task [dreg:s8], $0x5FFFF  }
0xb2: {  	[dreg:$0x1] =	wrdreg $0xFFFFFFFF  }
0xb3: {  	[dreg:$0x0] =	wrdreg $0x60  }
0xb4: {  	[dreg:$0x2] =	wrdreg s24  }
0xb5: {  	[dreg:$0x3] =	wrdreg s17  }
0xb6: {  	[dreg:$0x4] =	wrdreg s16  }
0xb7: {  	[dreg:$0x5] =	wrdreg $0x9  }
0xb8: {  	_ =	task.clear_ibuf [dreg:s8], $0x6FFFF;
	_ =	strace $0x90000046  }
0xb9: {  	s29 =	simm.s32 $0x9;
	_ =	strace $0x80000048  }
0xba: {  	_ =	swait.ge [sflag:s29], $0x1  }
0xbb: {  	[sflag:s29] =	ssyncadd.s32 $0xFFFFFFFF  }
0xbc: {  	_ =	strace $0x90000048  }
0xbd: {  	_ =	sfence  }
0xbe: {  	s30 =	sld [smem:$0x0];
	_ =	sdelay $0x2  }
0xbf: {  	s31 =	sshll.u32 s1, $0xD;
	s1 =	sshrl.u32 s1, $0x2  }
0xc0: {  	s3 =	sand.u32 $0x4000, s31;
	s1 =	sadd.s32 s1, s30  }
0xc1: {  	s0 =	sor.u32 s3, s0;
	s1 =	sshll.u32 s1, $0x11  }
0xc2: {  	s0 =	sor.u32 s1, s0  }
0xc3: {  	s0 =	sadd.s32 $0x8F2B, s0  }
0xc4: {  	[sflag:s0] =	ssyncadd.remote.s32 $0x1  }
0xc5: {  	_ =	sfence.sel $0xFFFF  }
0xc6: {  	[dreg:$0x0] =	wrdreg $0xFFFFFFFF;
	(pc) =	sbr.abs _section_cstart, $3  }
0xc7: {  	[dreg:$0x1] =	wrdreg $0xFFFFFFFF  }
0xc8: {  	_ =	task.clear_ibuf [dreg:s8], $0x2FFFF;
	_ =	strace $0x9FFFFFFF  }
0xc9: {  	(tm) =	ssettm $0x7FFFFFFF  }
tec
execute0_lowered:
.L_overlay_start_1:
0x0: {  	(tag) =	ssettag $0x1  }
0x1: {  	s0 =	rddreg [dreg:$0x0]  }
0x2: {  	s1 =	rddreg [dreg:$0x1]  }
0x3: {  	s3 =	rddreg [dreg:$0x2]  }
0x4: {  	s4 =	srdreg.scid;
	s6 =	stileid.u32;
	s2 =	simm.s32 $0x0  }
0x5: {  	s11 =	simm.s32 $0x1;
	s12 =	simm.s32 $0x800;
	s13 =	simm.s32 $0x1000  }
0x6: {  	s14 =	simm.s32 $0x4000;
	s15 =	simm.s32 $0x4080;
	s16 =	simm.s32 $0x4100  }
0x7: {  	s17 =	simm.s32 $0x4180;
	s18 =	simm.s32 $0x8300;
	s19 =	simm.s32 $0x8380  }
0x8: {  	s20 =	simm.s32 $0x8400;
	s21 =	simm.s32 $0x8480;
	s28 =	simm.s32 $0x4300  }
0x9: {  	s29 =	simm.s32 $0x0;
	s4 =	sand.u32 $0x1, s4;
	s5 =	sshll.u32 s6, $0x8  }
0xa: {  	s6 =	sshrl.u32 s6, $0x2;
	[smem:$0x7FF] =	sst s2;
	s7 =	sshll.u32 s4, $0x7  }
0xb: {  	s5 =	sand.u32 $0x300, s5;
	s22 =	sshll.u32 s6, $0xE;
	_ =	strace $0x80000047  }
0xc: {  	s4 =	ssub.s32 $0x2, s4;
	s9 =	smul.u32 $0xC00, s6;
	s5 =	sor.u32 s7, s5  }
0xd: {  	s6 =	sshll.u32 s6, $0x11;
	s8 =	sshrl.u32 s4, $0x1;
	s7 =	sor.u32 s22, s5  }
0xe: {  	s4 =	ssub.s32 s4, s8;
	s23 =	sor.u32 s9, s5;
	s5 =	sor.u32 s6, s5  }
0xf: {  	s22 =	simm.s32 $0x8500;
	s7 =	sshrl.u32 s7, $0x3;
	s25 =	sshrl.u32 s23, $0x3  }
0x10: {  	s5 =	sshrl.u32 s5, $0x3;
	s31 =	smax.u32 s4, $0x1;
	s23 =	simm.s32 $0x8580  }
0x11: {  	s0 =	sadd.s32 s7, s0;
	s26 =	sadd.s32 s1, s25;
	[dreg:$0x9] =	wrdreg s31  }
.Ltmp0:
0x12: {  	s30 =	sadd.s32 s3, s5;
	[dreg:$0x7] =	wrdreg s26;
	(pc) =	sbr.rel .LBB2_1-.Ltmp0, $4  }
0x13: {  	v0 =	vlaneseq.u32;
	v1 =	vimm.f32 $1.000000000e+10;
	v10 =	vimm.f32 $1.000000000e+00;
	s1 =	simm.s32 $0x80;
	s7 =	sadd.s32 $0x5800, s0;
	[dreg:$0x8] =	wrdreg s30  }
0x14: {  	v2 =	vmul.u32 $0xFFFFFFFF, v0;
	v3 =	vor.u32 $0x10, v0;
	v4 =	vor.u32 $0x20, v0;
	s3 =	simm.s32 $0x400;
	s24 =	sadd.s32 $0x3800, s0;
	[dreg:$0x4] =	wrdreg s7  }
0x15: {  	v5 =	vor.u32 $0x30, v0;
	v6 =	vor.u32 $0x40, v0;
	v7 =	vor.u32 $0x50, v0;
	s25 =	simm.s32 $0x8680;
	s0 =	sadd.s32 $0x1800, s0;
	[dreg:$0x5] =	wrdreg s24  }
0x16: {  	v8 =	vor.u32 $0x60, v0;
	v9 =	vor.u32 $0x70, v0;
	v2 =	vadd.s32 $0xF, v2;
	s26 =	simm.s32 $0x1800;
	[dreg:$0x6] =	wrdreg s0;
	s24 =	simm.s32 $0x8600  }
.LBB2_70:
0x17: {  	s0 =	rddreg [dreg:$0x7];
	s1 =	simm.s32 $0x80;
	s3 =	simm.s32 $0x400  }
0x18: {  	[hbm4b:s0+s1] =	stream.strided.scatter [tilespmem:s17], [sflag:$0x1], $0x180, s3, s1, $0x38;
	[tilespmem:$0x8700] =	vst v63  }
0x19: {  	_ =	swait.ge [sflag:s11], $0x180  }
0x1a: {  	[sflag:s11] =	ssyncset.done $0x0  }
0x1b: {  	s30 =	rddreg [dreg:$0x8];
	[sflag:s11] =	ssyncadd.s32 $0xFFFFFE80  }
0x1c: {  	[hbm4b:s30+s1] =	stream.strided.scatter [tilespmem:s28], [sflag:$0x1], $0x4000, s3, s1, $0x38;
	[tilespmem:$0x8700] =	vst v63  }
0x1d: {  	_ =	swait.ge [sflag:s11], $0x4000  }
0x1e: {  	s29 =	sadd.s32 $0x1, s29;
	s31 =	rddreg [dreg:$0x9]  }
0x1f: {  	p0 =	sne.s32 s29, s31  }
.Ltmp1:
0x20: {  	_ = 	snop;
	(pc) =	sbr.rel @!p0 .LBB2_71-.Ltmp1, $3  }
0x21: {  	_ =	sdelay $0x1  }
0x22: {  	[sflag:s11] =	ssyncset.done $0x0  }
0x23: {  	[sflag:s11] =	ssyncadd.s32 $0xFFFFC000  }
.LBB2_1:
0x24: {  	s0 =	rddreg [dreg:$0x4]  }
0x25: {  	[tilespmem:s2], [sflag:$0x1] =	stream.strided.gather [hbm4b:s0+s1], $0x800, s3, s1, $0x38;
	[tilespmem:$0x8700] =	vst v63  }
0x26: {  	_ =	swait.ge [sflag:s11], $0x800  }
0x27: {  	[sflag:s11] =	ssyncset.done $0x0  }
0x28: {  	s30 =	rddreg [dreg:$0x5];
	[sflag:s11] =	ssyncadd.s32 $0xFFFFF800  }
0x29: {  	[tilespmem:s12], [sflag:$0x1] =	stream.strided.gather [hbm4b:s30+s1], $0x800, s3, s1, $0x38;
	[tilespmem:$0x8700] =	vst v63  }
0x2a: {  	_ =	swait.ge [sflag:s11], $0x800  }
0x2b: {  	[sflag:s11] =	ssyncset.done $0x0  }
0x2c: {  	s31 =	rddreg [dreg:$0x6];
	[sflag:s11] =	ssyncadd.s32 $0xFFFFF800  }
0x2d: {  	[tilespmem:s13], [sflag:$0x1] =	stream.strided.gather [hbm4b:s31+s1], $0x800, s3, s1, $0x38;
	[tilespmem:$0x8700] =	vst v63  }
0x2e: {  	_ =	swait.ge [sflag:s11], $0x800  }
0x2f: {  	[sflag:s11] =	ssyncset.done $0x0  }
0x30: {  	s1 =	simm.s32 $0x0;
	[sflag:s11] =	ssyncadd.s32 $0xFFFFF800  }
0x31: {  	v11 =	vld [tilespmem:s1+$0x0]  }
0x32: {  	v12 =	vld [tilespmem:s1+$0x800]  }
0x33: {  	v15 =	vld [tilespmem:s1+$0x1000];
	_ =	sdelay $0x3  }
0x34: {  	s0 =	simm.s32 $0x10;
	[tilespmem:s1+$0x1800] =	vst v1;
	v14 =	vmul.f32 v11, v11;
	v16 =	vmul.f32 v12, v12;
	v17 =	vshrl.u32 v11, $0x10  }
0x35: {  	v13 =	vld [tilespmem:s0+$0x0];
	v18 =	vshrl.u32 v12, $0x10;
	v19 =	vmul.f32 v15, v15;
	v20 =	vshrl.u32 v15, $0x10  }
0x36: {  	v17 =	vand.u32 $0x1, v17;
	v18 =	vand.u32 $0x1, v18;
	v16 =	vadd.f32 v16, v14;
	v14 =	vld [tilespmem:s0+$0x800]  }
0x37: {  	v11 =	vadd.s32 v17, v11;
	v17 =	vadd.s32 v18, v12;
	v18 =	vand.u32 $0x1, v20  }
0x38: {  	v12 =	vld [tilespmem:s0+$0x1000];
	v11 =	vadd.s32 $0x7FFF, v11;
	v15 =	vadd.s32 v18, v15  }
0x39: {  	[tilespmem:s0+$0x1800] =	vst v1;
	v17 =	vadd.s32 $0x7FFF, v17;
	v16 =	vadd.f32 v19, v16;
	v11 =	vand.u32 $0xFFFF0000, v11  }
0x3a: {  	v18 =	vshrl.u32 v13, $0x10;
	v15 =	vadd.s32 $0x7FFF, v15;
	v20 =	vand.u32 $0xFFFF0000, v17;
	[tilespmem:s1+$0x2000] =	vst v11  }
0x3b: {  	s3 =	simm.s32 $0x20;
	[tilespmem:s1+$0x3800] =	vst v16;
	v16 =	vmul.f32 v13, v13;
	v17 =	vshrl.u32 v14, $0x10;
	v19 =	vmul.f32 v14, v14  }
0x3c: {  	s4 =	simm.s32 $0xC0;
	v18 =	vand.u32 $0x1, v18;
	v15 =	vand.u32 $0xFFFF0000, v15;
	v11 =	vld [tilespmem:s3+$0x0];
	[tilespmem:s1+$0x2800] =	vst v20;
	v17 =	vand.u32 $0x1, v17  }
.LBB2_2:
0x3d: {  	p0 =	sne.s32 s4, $0x1FC0;
	v20 =	vld [tilespmem:s3+$0x800];
	v21 =	vshrl.u32 v12, $0x10;
	v16 =	vadd.f32 v19, v16;
	v19 =	vmul.f32 v12, v12;
	[tilespmem:s1+$0x3000] =	vst v15;
	s1 =	smov.u32 s0;
	s0 =	smov.u32 s3  }
0x3e: {  	v13 =	vadd.s32 v18, v13;
	v14 =	vadd.s32 v17, v14;
	[tilespmem:s0+$0x1800] =	vst v1;
	v15 =	vand.u32 $0x1, v21  }
.Ltmp2:
0x3f: {  	v22 =	vadd.s32 $0x7FFF, v13;
	v15 =	vadd.s32 v15, v12;
	v12 =	vld [tilespmem:s0+$0x1000];
	v16 =	vadd.f32 v19, v16;
	(pc) =	sbr.rel @p0 .LBB2_2-.Ltmp2, $4  }
0x40: {  	v17 =	vand.u32 $0xFFFF0000, v22;
	v19 =	vadd.s32 $0x7FFF, v14;
	v23 =	vadd.s32 $0x7FFF, v15  }
0x41: {  	v21 =	vand.u32 $0xFFFF0000, v19;
	v18 =	vshrl.u32 v11, $0x10;
	v15 =	vand.u32 $0xFFFF0000, v23;
	[tilespmem:s1+$0x3800] =	vst v16;
	v13 =	vmovc v11  }
0x42: {  	s3 =	sshra.s32 s4, $0x2;
	v22 =	vshrl.u32 v20, $0x10;
	v16 =	vmul.f32 v11, v13;
	v19 =	vmul.f32 v20, v20;
	[tilespmem:s1+$0x2000] =	vst v17;
	v14 =	vmovc v20  }
0x43: {  	s4 =	sadd.s32 $0x40, s4;
	v18 =	vand.u32 $0x1, v18;
	v11 =	vld [tilespmem:s3+$0x0];
	v17 =	vand.u32 $0x1, v22;
	[tilespmem:s1+$0x2800] =	vst v21  }
0x44: {  	v20 =	vld [tilespmem:s3+$0x800];
	[tilespmem:s1+$0x3000] =	vst v15;
	v49 =	vshrl.u32 v12, $0x10;
	v16 =	vadd.f32 v19, v16  }
0x45: {  	v50 =	vmul.f32 v12, v12;
	v13 =	vadd.s32 v18, v13;
	v14 =	vadd.s32 v17, v14;
	v51 =	vld [tilespmem:s3+$0x1000]  }
0x46: {  	v15 =	vand.u32 $0x1, v49;
	v13 =	vadd.s32 $0x7FFF, v13;
	v14 =	vadd.s32 $0x7FFF, v14  }
0x47: {  	v52 =	vadd.s32 v15, v12;
	v53 =	vadd.f32 v50, v16;
	v13 =	vand.u32 $0xFFFF0000, v13  }
0x48: {  	v14 =	vand.u32 $0xFFFF0000, v14;
	v12 =	vadd.s32 $0x7FFF, v52;
	v54 =	vmul.f32 v11, v11  }
0x49: {  	[tilespmem:s3+$0x1800] =	vst v1;
	v56 =	vshrl.u32 v11, $0x10;
	v12 =	vand.u32 $0xFFFF0000, v12;
	v55 =	vmul.f32 v20, v20  }
0x4a: {  	[tilespmem:s0+$0x2000] =	vst v13;
	v57 =	vshrl.u32 v20, $0x10;
	v59 =	vand.u32 $0x1, v56;
	v58 =	vmul.f32 v51, v51  }
0x4b: {  	[tilespmem:s0+$0x2800] =	vst v14;
	v15 =	vand.u32 $0x1, v57;
	v60 =	vshrl.u32 v51, $0x10;
	v11 =	vadd.s32 v59, v11  }
0x4c: {  	[tilespmem:s0+$0x3800] =	vst v53;
	v16 =	vadd.f32 v55, v54;
	v62 =	vadd.s32 v15, v20;
	v11 =	vadd.s32 $0x7FFF, v11  }
0x4d: {  	[tilespmem:s0+$0x3000] =	vst v12;
	v14 =	vand.u32 $0x1, v60;
	v11 =	vand.u32 $0xFFFF0000, v11;
	v12 =	vadd.s32 $0x7FFF, v62  }
0x4e: {  	v14 =	vadd.s32 v14, v51;
	v61 =	vadd.f32 v58, v16;
	v12 =	vand.u32 $0xFFFF0000, v12;
	[tilespmem:s3+$0x2000] =	vst v11  }
0x4f: {  	v63 =	vadd.s32 $0x7FFF, v14;
	[tilespmem:s3+$0x2800] =	vst v12  }
0x50: {  	v11 =	vand.u32 $0xFFFF0000, v63;
	[tilespmem:s3+$0x3800] =	vst v61  }
0x51: {  	s1 =	simm.s32 $0x0;
	s0 =	simm.s32 $0x0;
	[tilespmem:s3+$0x3000] =	vst v11;
	s3 =	simm.s32 $0x0  }
.LBB2_4:
0x52: {  	v12 =	vmov s3;
	_ =	sdelay $0x4  }
0x53: {  	s6 =	simm.s32 $0x800;
	v15 =	vmov s1;
	v11 =	vld.idx.msk [tilespmem:v12+s0+$0x0], $0xffff  }
0x54: {  	s4 =	simm.s32 $0x1000;
	s31 =	smul.u32 $0x3, s1;
	v13 =	vld.idx.msk [tilespmem:v12+s6+$0x0], $0xffff  }
0x55: {  	v14 =	vld.idx.msk [tilespmem:v12+s4+$0x0], $0xffff  }
0x56: {  	v12 =	vmov s31  }
0x57: {  	v16 =	vadd.s32 $0x1, v12  }
0x58: {  	v17 =	vadd.s32 $0x2, v12;
	[tilespmem:v15+s14+$0x0] =	vst.idx.msk $0x1, v11  }
0x59: {  	p1 =	por $0x1, $0x1;
	[tilespmem:v15+s15+$0x0] =	vst.idx.msk $0x1, v13  }
.Ltmp3:
0x5a: {  	[tilespmem:v15+s16+$0x0] =	vst.idx.msk $0x1, v14;
	(pc) =	sbr.rel @!p1 .LBB2_5-.Ltmp3, $4  }
0x5b: {  	[tilespmem:v12+s17+$0x0] =	vst.idx.msk $0x1, v11  }
0x5c: {  	[tilespmem:v16+s17+$0x0] =	vst.idx.msk $0x1, v13  }
0x5d: {  	[tilespmem:v17+s17+$0x0] =	vst.idx.msk $0x1, v14  }
0x5e: {  	s3 =	simm.s32 $0x1800;
	s5 =	simm.s32 $0x10;
	p0 =	por $0x0, $0x0;
	v15 =	vimm.f32 $-1.000000000e+00;
	v12 =	vimm.s32 $0x0;
	v16 =	vld [tilespmem:s0+$0x0]  }
0x5f: {  	v17 =	vld [tilespmem:s6+$0x0];
	_ =	sdelay $0x1  }
0x60: {  	v18 =	vld [tilespmem:s4+$0x0];
	_ =	sdelay $0x2  }
0x61: {  	v16 =	vsub.f32 v16, v11;
	v17 =	vsub.f32 v17, v13;
	_ =	sdelay $0x1  }
0x62: {  	v18 =	vsub.f32 v18, v14;
	v16 =	vmul.f32 v16, v16;
	v17 =	vmul.f32 v17, v17  }
0x63: {  	v19 =	vld [tilespmem:s3+$0x0]  }
0x64: {  	v16 =	vadd.f32 v17, v16;
	v17 =	vmul.f32 v18, v18  }
0x65: {  	p1 =	por $0x1, $0x1  }
.Ltmp4:
0x66: {  	v16 =	vadd.f32 v17, v16;
	(pc) =	sbr.rel @!p1 .LBB2_7-.Ltmp4, $4  }
0x67: {  	_ = 	snop  }
0x68: {  	v17 =	vmin.f32 v19, v16  }
0x69: {  	s9 =	simm.s32 $0x20;
	s6 =	simm.s32 $0x810;
	p0 =	por $0x1, $0x1;
	v18 =	vor.u32 s0, v0;
	[tilespmem:s3+$0x0] =	vst v17;
	vm0 =	vgt.f32 v17, v15  }
0x6a: {  	s8 =	simm.s32 $0x1000;
	s7 =	simm.s32 $0x1800;
	s30 =	simm.s32 $0x10;
	v16 =	vld [tilespmem:s5+$0x0];
	v15 =	vsel vm0, v17, v15;
	v12 =	vsel vm0, v18, v12  }
.LBB2_8:
0x6b: {  	p1 =	sne.s32 s9, $0x7F0;
	v17 =	vld [tilespmem:s6+$0x0]  }
0x6c: {  	s8 =	sadd.s32 $0x10, s8  }
0x6d: {  	v18 =	vld [tilespmem:s8+$0x0];
	_ =	sdelay $0x2  }
0x6e: {  	v16 =	vsub.f32 v16, v11;
	v17 =	vsub.f32 v17, v13;
	_ =	sdelay $0x1  }
0x6f: {  	s7 =	sadd.s32 $0x10, s7;
	v16 =	vmul.f32 v16, v16;
	v18 =	vsub.f32 v18, v14;
	v17 =	vmul.f32 v17, v17  }
0x70: {  	v19 =	vld [tilespmem:s7+$0x0]  }
0x71: {  	v16 =	vadd.f32 v17, v16;
	v17 =	vmul.f32 v18, v18;
	_ =	sdelay $0x1  }
.Ltmp5:
0x72: {  	v16 =	vadd.f32 v17, v16;
	(pc) =	sbr.rel @p1 .LBB2_8-.Ltmp5, $4  }
0x73: {  	_ = 	snop  }
0x74: {  	v17 =	vmin.f32 v19, v16  }
0x75: {  	s30 =	sadd.s32 $0x10, s30;
	v18 =	vor.u32 s5, v0;
	s5 =	smov.u32 s9;
	[tilespmem:s7+$0x0] =	vst v17;
	vm0 =	vgt.f32 v17, v15  }
0x76: {  	s6 =	sadd.s32 $0x10, s6;
	s9 =	sadd.s32 $0x10, s9;
	v16 =	vld [tilespmem:s30+$0x0];
	v15 =	vsel vm0, v17, v15;
	v12 =	vsel vm0, v18, v12  }
.LBB2_9:
0x77: {  	v17 =	vld [tilespmem:s6+$0x0];
	s6 =	sadd.s32 @p0 $0x10, s8  }
0x78: {  	s4 =	smov.u32 @p0 s6  }
0x79: {  	v18 =	vld [tilespmem:s4+$0x0];
	_ =	sdelay $0x2  }
0x7a: {  	v11 =	vsub.f32 v16, v11;
	v13 =	vsub.f32 v17, v13  }
0x7b: {  	s4 =	sadd.s32 @p0 $0x10, s7  }
0x7c: {  	s3 =	smov.u32 @p0 s4;
	v11 =	vmul.f32 v11, v11;
	v14 =	vsub.f32 v18, v14;
	v13 =	vmul.f32 v13, v13  }
0x7d: {  	v59 =	vld [tilespmem:s3+$0x0]  }
0x7e: {  	v11 =	vadd.f32 v13, v11;
	v60 =	vmul.f32 v14, v14;
	_ =	sdelay $0x1  }
0x7f: {  	v11 =	vadd.f32 v60, v11;
	_ =	sdelay $0x1  }
0x80: {  	v11 =	vmin.f32 v59, v11  }
0x81: {  	vm0 =	vgt.f32 v11, v15  }
0x82: {  	v61 =	vsel vm0, v11, v15  }
0x83: {  	(xrf0) =	vmax.scan.msk.f32 $0xffff, v61;
	_ =	sdelay $0x5  }
0x84: {  	v62, _, _ =	vpop (xrf0)  }
0x85: {  	v63 =	vor.u32 s5, v0;
	v14 =	vbroadcast v62, $0xF  }
0x86: {  	v12 =	vsel vm0, v63, v12  }
0x87: {  	v12 =	vxor.u32 $0x80000000, v12;
	vm15 =	veq.f32 v61, v14  }
0x88: {  	v12 =	vnsel vm15, $0x80000800, v12  }
0x89: {  	(xrf0) =	vmin.scan.msk.u32 $0xffff, v12;
	_ =	sdelay $0x5  }
0x8a: {  	v12, _, _ =	vpop (xrf0)  }
0x8b: {  	(v2sf) =	vpush v12, $0xF;
	_ =	sdelay $0x9  }
0x8c: {  	s1 =	sadd.s32 $0x1, s1  }
0x8d: {  	p0 =	sne.s32 s1, $0x80  }
.Ltmp6:
0x8e: {  	_ = 	snop;
	(pc) =	sbr.rel @p0 .LBB2_4-.Ltmp6, $4  }
.Ltmp7:
0x8f: {  	_ = 	snop;
	(pc) =	sbr.rel @!p0 .LBB2_10-.Ltmp7, $4  }
0x90: {  	_ = 	snop  }
0x91: {  	s31 =	spop (v2sf)  }
0x92: {  	s30 =	simm.s32 $0x0;
	[tilespmem:s3+$0x0] =	vst v11;
	s3 =	sxor.u32 $0x80000000, s31  }
0x93: {  	_ = 	snop  }
.LBB2_5:
.Ltmp8:
0x94: {  	(pc) =	sbr.rel .LBB2_9-.Ltmp8, $2  }
0x95: {  	_ =	sdelay $0x2  }
0x96: {  	s8 =	simm.s32 $0x1000;
	s7 =	simm.s32 $0x1800;
	s5 =	simm.s32 $0x0  }
.LBB2_7:
.Ltmp9:
0x97: {  	(pc) =	sbr.rel .LBB2_9-.Ltmp9, $2  }
0x98: {  	_ =	sdelay $0x2  }
0x99: {  	s8 =	simm.s32 $0x1000;
	s7 =	simm.s32 $0x1800  }
.LBB2_22:
0x9a: {  	v20 =	vmov v15;
	v19 =	vmov v14  }
.LBB2_68:
0x9b: {  	_ =	sdelay $0x1  }
0x9c: {  	v18, v21, _ =	vpop @p0 (xrf1)  }
0x9d: {  	v18 =	vperm.xlane @p0 v18, v2  }
0x9e: {  	v21 =	vperm.xlane @p0 v21, v2  }
0x9f: {  	vm0 =	vle.f32 @p0 v20, v18  }
0xa0: {  	v22 =	vsel @p0 vm0, v18, v20;
	v23 =	vsel @p0 vm0, v21, v19  }
0xa1: {  	(xrf1) =	vsort.ascd.msk.f32 @p0 $0xffff, v22, v23;
	_ =	sdelay $0xc  }
0xa2: {  	v22, v23, _ =	vpop (xrf1)  }
0xa3: {  	v22 =	vperm.xlane v22, v2;
	v24, v25, _ =	vpop @p0 (xrf1)  }
0xa4: {  	v18 =	vsel @p0 vm0, v20, v18;
	v63 =	vperm.xlane v23, v2;
	v17 =	vpsel p0, v24, v17  }
0xa5: {  	v19 =	vsel @p0 vm0, v19, v21;
	v16 =	vpsel p0, v25, v16;
	vm14 =	vle.f32 v17, v22  }
0xa6: {  	(xrf1) =	vsort.ascd.msk.f32 @p0 $0xffff, v18, v19;
	v17 =	vsel vm14, v17, v22;
	v16 =	vsel vm14, v16, v63  }
0xa7: {  	(xrf1) =	vsort.ascd.msk.f32 $0xffff, v17, v16;
	_ =	sdelay $0xc  }
0xa8: {  	v16, v17, _ =	vpop @p0 (xrf1)  }
0xa9: {  	v18, v19, _ =	vpop (xrf1)  }
0xaa: {  	v18 =	vperm.xlane v18, v2  }
0xab: {  	v15 =	vpsel p0, v16, v15;
	v16 =	vperm.xlane v19, v2  }
0xac: {  	v14 =	vpsel p0, v17, v14;
	vm15 =	vle.f32 v15, v18  }
0xad: {  	v17 =	vsel vm15, v18, v15;
	v19 =	vsel vm15, v16, v14  }
0xae: {  	(xrf1) =	vsort.ascd.msk.f32 $0xffff, v17, v19  }
0xaf: {  	v15 =	vsel vm15, v15, v18;
	v14 =	vsel vm15, v14, v16  }
0xb0: {  	(xrf1) =	vsort.ascd.msk.f32 $0xffff, v15, v14;
	_ =	sdelay $0xb  }
0xb1: {  	v14, v16, _ =	vpop (xrf1);
	_ =	sdelay $0x1  }
0xb2: {  	v15, v14, _ =	vpop (xrf1)  }
.LBB2_69:
0xb3: {  	_ =	sdelay $0x3  }
0xb4: {  	v15 =	vld.idx.msk [tilespmem:v14+s2+$0x0], $0xffff;
	v17 =	vmul.u32 $0x4, v0  }
0xb5: {  	s0 =	sshll.u32 s30, $0x7  }
0xb6: {  	v18 =	vor.u32 s0, v17;
	_ =	sdelay $0x2  }
0xb7: {  	v15 =	vsub.f32 v15, v13;
	_ =	sdelay $0x1  }
0xb8: {  	[tilespmem:v18+s28+$0x0] =	vst.idx.msk $0xffff, v15  }
0xb9: {  	v15 =	vld.idx.msk [tilespmem:v16+s2+$0x0], $0xffff  }
0xba: {  	v55 =	vor.u32 $0x40, v17  }
0xbb: {  	v18 =	vor.u32 s0, v55;
	_ =	sdelay $0x2  }
0xbc: {  	v56 =	vsub.f32 v15, v13;
	_ =	sdelay $0x1  }
0xbd: {  	[tilespmem:v18+s28+$0x0] =	vst.idx.msk $0xffff, v56  }
0xbe: {  	v13 =	vld.idx.msk [tilespmem:v14+s12+$0x0], $0xffff  }
0xbf: {  	v57 =	vor.u32 $0x1, v17  }
0xc0: {  	v15 =	vor.u32 s0, v57;
	_ =	sdelay $0x2  }
0xc1: {  	v13 =	vsub.f32 v13, v12;
	_ =	sdelay $0x1  }
0xc2: {  	[tilespmem:v15+s28+$0x0] =	vst.idx.msk $0xffff, v13  }
0xc3: {  	v13 =	vld.idx.msk [tilespmem:v16+s12+$0x0], $0xffff  }
0xc4: {  	v58 =	vor.u32 $0x41, v17  }
0xc5: {  	v15 =	vor.u32 s0, v58;
	_ =	sdelay $0x2  }
0xc6: {  	v59 =	vsub.f32 v13, v12;
	_ =	sdelay $0x1  }
0xc7: {  	[tilespmem:v15+s28+$0x0] =	vst.idx.msk $0xffff, v59  }
0xc8: {  	v12 =	vld.idx.msk [tilespmem:v14+s13+$0x0], $0xffff  }
0xc9: {  	v60 =	vor.u32 $0x2, v17  }
0xca: {  	v13 =	vor.u32 s0, v60;
	_ =	sdelay $0x2  }
0xcb: {  	v12 =	vsub.f32 v12, v11;
	_ =	sdelay $0x1  }
0xcc: {  	[tilespmem:v13+s28+$0x0] =	vst.idx.msk $0xffff, v12  }
0xcd: {  	v12 =	vld.idx.msk [tilespmem:v16+s13+$0x0], $0xffff  }
0xce: {  	v61 =	vor.u32 $0x42, v17  }
0xcf: {  	v62 =	vor.u32 $0x3, v17;
	v13 =	vor.u32 s0, v61  }
0xd0: {  	s30 =	sadd.s32 $0x1, s30;
	v63 =	vor.u32 $0x43, v17;
	v14 =	vor.u32 s0, v62  }
0xd1: {  	p0 =	sne.s32 s30, $0x80;
	v15 =	vor.u32 s0, v63  }
.Ltmp10:
0xd2: {  	v11 =	vsub.f32 v12, v11;
	(pc) =	sbr.rel @!p0 .LBB2_70-.Ltmp10, $4  }
0xd3: {  	_ = 	snop  }
0xd4: {  	[tilespmem:v13+s28+$0x0] =	vst.idx.msk $0xffff, v11  }
0xd5: {  	[tilespmem:v14+s28+$0x0] =	vst.idx.msk $0xffff, v10  }
0xd6: {  	[tilespmem:v15+s28+$0x0] =	vst.idx.msk $0xffff, v10  }
.LBB2_10:
0xd7: {  	v11 =	vmov s30;
	_ =	sdelay $0x2  }
0xd8: {  	s1 =	simm.s32 $0x0  }
0xd9: {  	v16 =	vld [tilespmem:s1+$0x2070]  }
0xda: {  	v13 =	vld.idx.msk [tilespmem:v11+s14+$0x0], $0xffff  }
0xdb: {  	v12 =	vld.idx.msk [tilespmem:v11+s15+$0x0], $0xffff  }
0xdc: {  	v17 =	vld [tilespmem:s1+$0x2870]  }
0xdd: {  	v11 =	vld.idx.msk [tilespmem:v11+s16+$0x0], $0xffff  }
0xde: {  	v18 =	vld [tilespmem:s1+$0x2000]  }
0xdf: {  	v19 =	vld [tilespmem:s1+$0x3070]  }
0xe0: {  	v21 =	vld [tilespmem:s1+$0x2800];
	v14 =	vshrl.u32 v13, $0x10;
	v15 =	vshrl.u32 v12, $0x10  }
0xe1: {  	v22 =	vld [tilespmem:s1+$0x2010];
	v14 =	vand.u32 $0x1, v14;
	v15 =	vand.u32 $0x1, v15  }
0xe2: {  	v23 =	vld [tilespmem:s1+$0x2810];
	v20 =	vshrl.u32 v11, $0x10;
	v14 =	vadd.s32 v14, v13;
	v15 =	vadd.s32 v15, v12  }
0xe3: {  	v25 =	vld [tilespmem:s1+$0x2020];
	v20 =	vand.u32 $0x1, v20;
	v14 =	vadd.s32 $0x7FFF, v14;
	v15 =	vadd.s32 $0x7FFF, v15  }
0xe4: {  	v26 =	vld [tilespmem:s1+$0x2820];
	v20 =	vadd.s32 v20, v11;
	v14 =	vand.u32 $0xFFFF0000, v14;
	v15 =	vand.u32 $0xFFFF0000, v15  }
0xe5: {  	v28 =	vld [tilespmem:s1+$0x2830];
	v20 =	vadd.s32 $0x7FFF, v20;
	v24 =	vmul.f32 v14, v16;
	v17 =	vmul.f32 v15, v17  }
0xe6: {  	v29 =	vld [tilespmem:s1+$0x3870];
	v27 =	vmul.f32 v12, v12;
	v16 =	vand.u32 $0xFFFF0000, v20  }
0xe7: {  	v30 =	vld [tilespmem:s1+$0x2040];
	v20 =	vmul.f32 v13, v13;
	v19 =	vmul.f32 v16, v19;
	v17 =	vadd.f32 v17, v24  }
0xe8: {  	v31 =	vld [tilespmem:s1+$0x2850]  }
0xe9: {  	v32 =	vld [tilespmem:s1+$0x2060];
	v20 =	vadd.f32 v27, v20;
	v27 =	vmul.f32 v11, v11;
	v19 =	vadd.f32 v19, v17  }
0xea: {  	v33 =	vld [tilespmem:s1+$0x3000]  }
0xeb: {  	v24 =	vld [tilespmem:s1+$0x2030];
	v17 =	vadd.f32 v27, v20;
	v19 =	vadd.f32 v19, v19  }
0xec: {  	v20 =	vld [tilespmem:s1+$0x2840]  }
0xed: {  	v18 =	vmul.f32 v14, v18;
	v21 =	vmul.f32 v15, v21;
	v27 =	vld [tilespmem:s1+$0x2050];
	v19 =	vsub.f32 v17, v19  }
0xee: {  	v34 =	vld [tilespmem:s1+$0x3010];
	v22 =	vmul.f32 v14, v22;
	v23 =	vmul.f32 v15, v23  }
0xef: {  	v25 =	vmul.f32 v14, v25;
	v26 =	vmul.f32 v15, v26;
	v19 =	vadd.f32 v19, v29;
	v29 =	vld [tilespmem:s1+$0x2860]  }
0xf0: {  	v18 =	vadd.f32 v21, v18;
	v21 =	vmul.f32 v14, v24;
	v24 =	vmul.f32 v15, v28;
	v28 =	vld [tilespmem:s1+$0x3020]  }
0xf1: {  	v22 =	vadd.f32 v23, v22;
	v23 =	vmul.f32 v14, v30;
	v30 =	vld [tilespmem:s1+$0x3030];
	v20 =	vmul.f32 v15, v20  }
0xf2: {  	v26 =	vadd.f32 v26, v25;
	v25 =	vmul.f32 v14, v27;
	v27 =	vmul.f32 v15, v31;
	v31 =	vld [tilespmem:s1+$0x3040]  }
0xf3: {  	v62 =	vmul.f32 v16, v33;
	v21 =	vadd.f32 v24, v21;
	v24 =	vmul.f32 v14, v32  }
0xf4: {  	v35 =	vld [tilespmem:s1+$0x3050];
	v20 =	vadd.f32 v20, v23;
	v23 =	vmul.f32 v15, v29;
	v29 =	vmul.f32 v16, v34  }
0xf5: {  	v63 =	vld [tilespmem:s1+$0x3060];
	v18 =	vadd.f32 v62, v18;
	v37 =	vadd.f32 v27, v25;
	v27 =	vmul.f32 v16, v28  }
0xf6: {  	v23 =	vadd.f32 v23, v24;
	v22 =	vadd.f32 v29, v22;
	v24 =	vmul.f32 v16, v30  }
0xf7: {  	v32 =	vld [tilespmem:s1+$0x3850];
	v29 =	vadd.f32 v18, v18;
	v18 =	vadd.f32 v27, v26;
	v26 =	vmul.f32 v16, v31  }
0xf8: {  	v25 =	vld [tilespmem:s1+$0x3800];
	v33 =	vadd.f32 v22, v22;
	v21 =	vadd.f32 v24, v21  }
0xf9: {  	s0 =	simm.s32 $0x80;
	[tilespmem:s1+$0x1870] =	vst v19;
	v28 =	vld [tilespmem:s1+$0x3840];
	v22 =	vmul.f32 v16, v35;
	v35 =	vadd.f32 v18, v18;
	v18 =	vadd.f32 v26, v20  }
0xfa: {  	v34 =	vld [tilespmem:s0+$0x2070];
	v20 =	vmul.f32 v16, v63;
	v26 =	vimm.f32 $1.000000020e+30;
	v40 =	vsub.f32 v17, v29  }
0xfb: {  	v27 =	vld [tilespmem:s1+$0x3810];
	v24 =	vimm.f32 $1.000000020e+30;
	v36 =	vadd.f32 v21, v21;
	v21 =	vadd.f32 v22, v37  }
0xfc: {  	v31 =	vld [tilespmem:s1+$0x3820];
	v37 =	vadd.f32 v18, v18;
	v38 =	vadd.f32 v20, v23;
	v18 =	vmin.f32 v26, v19  }
0xfd: {  	v30 =	vld [tilespmem:s1+$0x3830];
	v23 =	vimm.f32 $1.000000020e+30;
	v22 =	vimm.f32 $1.000000020e+30;
	v20 =	vimm.f32 $1.000000020e+30  }
0xfe: {  	s3 =	simm.s32 $0x400;
	v29 =	vld [tilespmem:s1+$0x3860];
	v19 =	vimm.f32 $1.000000020e+30;
	v39 =	vadd.f32 v21, v21;
	v21 =	vimm.f32 $1.000000020e+30  }
.LBB2_11:
0xff: {  	p0 =	sne.s32 s3, $0x1E00;
	v41 =	vld [tilespmem:s0+$0x2870];
	v33 =	vsub.f32 v17, v33;
	v38 =	vadd.f32 v38, v38  }
0x100: {  	v35 =	vsub.f32 v17, v35;
	v36 =	vsub.f32 v17, v36;
	v42 =	vld [tilespmem:s0+$0x2000]  }
0x101: {  	v37 =	vsub.f32 v17, v37;
	v39 =	vsub.f32 v17, v39;
	v43 =	vld [tilespmem:s0+$0x3070]  }
0x102: {  	v25 =	vadd.f32 v40, v25;
	v38 =	vsub.f32 v17, v38;
	v44 =	vld [tilespmem:s0+$0x2800]  }
0x103: {  	v27 =	vadd.f32 v33, v27;
	v31 =	vadd.f32 v35, v31;
	v40 =	vld [tilespmem:s0+$0x2010]  }
0x104: {  	v30 =	vadd.f32 v36, v30;
	v34 =	vmul.f32 v14, v34;
	v33 =	vld [tilespmem:s0+$0x2810];
	v35 =	vmul.f32 v15, v41;
	[tilespmem:s1+$0x1800] =	vst v25  }
0x105: {  	v28 =	vadd.f32 v37, v28;
	v32 =	vadd.f32 v39, v32;
	v36 =	vmul.f32 v14, v42;
	v41 =	vld [tilespmem:s0+$0x2020];
	[tilespmem:s1+$0x1810] =	vst v27  }
0x106: {  	v29 =	vadd.f32 v38, v29;
	v37 =	vld [tilespmem:s0+$0x2820];
	v34 =	vadd.f32 v35, v34;
	v35 =	vmul.f32 v16, v43;
	[tilespmem:s1+$0x1820] =	vst v31  }
0x107: {  	v26 =	vmin.f32 v26, v25;
	v24 =	vmin.f32 v24, v27;
	v38 =	vmul.f32 v15, v44;
	v39 =	vld [tilespmem:s0+$0x2030];
	[tilespmem:s1+$0x1830] =	vst v30  }
0x108: {  	v23 =	vmin.f32 v23, v31;
	v25 =	vmul.f32 v14, v40;
	v27 =	vld [tilespmem:s0+$0x2830];
	v34 =	vadd.f32 v35, v34;
	[tilespmem:s1+$0x1840] =	vst v28  }
0x109: {  	v22 =	vmin.f32 v22, v30;
	v31 =	vadd.f32 v38, v36;
	v33 =	vmul.f32 v15, v33;
	v35 =	vld [tilespmem:s0+$0x3870];
	[tilespmem:s1+$0x1850] =	vst v32  }
0x10a: {  	v21 =	vmin.f32 v21, v28;
	v30 =	vmul.f32 v14, v41;
	v36 =	vld [tilespmem:s0+$0x2040];
	v34 =	vadd.f32 v34, v34;
	[tilespmem:s1+$0x1860] =	vst v29;
	s1 =	smov.u32 s0  }
0x10b: {  	v20 =	vmin.f32 v20, v32;
	v28 =	vadd.f32 v33, v25;
	v25 =	vmul.f32 v15, v37;
	v33 =	vld [tilespmem:s1+$0x2840]  }
0x10c: {  	v19 =	vmin.f32 v19, v29;
	v32 =	vmul.f32 v14, v39;
	v37 =	vld [tilespmem:s1+$0x2050];
	v34 =	vsub.f32 v17, v34  }
0x10d: {  	v29 =	vadd.f32 v25, v30;
	v25 =	vmul.f32 v15, v27;
	v27 =	vld [tilespmem:s1+$0x2850]  }
0x10e: {  	v30 =	vld [tilespmem:s1+$0x2060];
	v34 =	vadd.f32 v34, v35  }
0x10f: {  	v32 =	vadd.f32 v25, v32;
	v25 =	vmul.f32 v14, v36;
	v35 =	vld [tilespmem:s1+$0x2860]  }
0x110: {  	v36 =	vld [tilespmem:s1+$0x3000];
	v33 =	vmul.f32 v15, v33;
	[tilespmem:s1+$0x1870] =	vst v34;
	v18 =	vmin.f32 v18, v34  }
0x111: {  	v34 =	vld [tilespmem:s1+$0x3010];
	v37 =	vmul.f32 v14, v37  }
0x112: {  	v38 =	vld [tilespmem:s1+$0x3020];
	v39 =	vadd.f32 v33, v25;
	v25 =	vmul.f32 v15, v27  }
0x113: {  	v33 =	vld [tilespmem:s1+$0x3030];
	v27 =	vmul.f32 v14, v30  }
0x114: {  	v30 =	vld [tilespmem:s1+$0x3040];
	v37 =	vadd.f32 v25, v37;
	v25 =	vmul.f32 v15, v35  }
0x115: {  	v35 =	vmul.f32 v16, v36;
	v36 =	vld [tilespmem:s1+$0x3050]  }
0x116: {  	v34 =	vmul.f32 v16, v34;
	v40 =	vadd.f32 v25, v27;
	v41 =	vld [tilespmem:s1+$0x3060]  }
0x117: {  	v31 =	vadd.f32 v35, v31;
	v25 =	vld [tilespmem:s1+$0x3800];
	v35 =	vmul.f32 v16, v38  }
0x118: {  	v28 =	vadd.f32 v34, v28;
	v27 =	vld [tilespmem:s1+$0x3810];
	v34 =	vmul.f32 v16, v33  }
0x119: {  	v42 =	vadd.f32 v31, v31;
	v29 =	vadd.f32 v35, v29;
	v31 =	vld [tilespmem:s1+$0x3820];
	v38 =	vmul.f32 v16, v30  }
.Ltmp11:
0x11a: {  	v33 =	vadd.f32 v28, v28;
	v32 =	vadd.f32 v34, v32;
	v30 =	vld [tilespmem:s1+$0x3830];
	v34 =	vmul.f32 v16, v36;
	(pc) =	sbr.rel @p0 .LBB2_11-.Ltmp11, $4  }
0x11b: {  	v35 =	vadd.f32 v29, v29;
	v29 =	vadd.f32 v38, v39;
	v28 =	vld [tilespmem:s1+$0x3840];
	v38 =	vmul.f32 v16, v41  }
0x11c: {  	v36 =	vadd.f32 v32, v32;
	v39 =	vadd.f32 v34, v37;
	v32 =	vld [tilespmem:s1+$0x3850]  }
0x11d: {  	s0 =	sshra.s32 s3, $0x2;
	v37 =	vadd.f32 v29, v29;
	v38 =	vadd.f32 v38, v40;
	v29 =	vld [tilespmem:s1+$0x3860]  }
0x11e: {  	s3 =	sadd.s32 $0x200, s3;
	v40 =	vsub.f32 v17, v42;
	v34 =	vld [tilespmem:s0+$0x2070];
	v39 =	vadd.f32 v39, v39  }
0x11f: {  	v41 =	vld [tilespmem:s0+$0x2870]  }
0x120: {  	v42 =	vld [tilespmem:s0+$0x2000]  }
0x121: {  	v43 =	vld [tilespmem:s0+$0x3070];
	v33 =	vsub.f32 v17, v33;
	v59 =	vsub.f32 v17, v35  }
0x122: {  	v44 =	vld [tilespmem:s0+$0x2800];
	v60 =	vsub.f32 v17, v36;
	v40 =	vadd.f32 v40, v25  }
0x123: {  	v45 =	vld [tilespmem:s0+$0x2010];
	v61 =	vsub.f32 v17, v37;
	v47 =	vadd.f32 v33, v27  }
0x124: {  	v46 =	vld [tilespmem:s0+$0x2810];
	v62 =	vadd.f32 v38, v38;
	v36 =	vadd.f32 v59, v31;
	[tilespmem:s1+$0x1800] =	vst v40  }
0x125: {  	v63 =	vsub.f32 v17, v39;
	v37 =	vadd.f32 v60, v30;
	v48 =	vld [tilespmem:s0+$0x2020];
	[tilespmem:s1+$0x1810] =	vst v47  }
0x126: {  	v35 =	vadd.f32 v61, v28;
	v33 =	vsub.f32 v17, v62;
	v49 =	vld [tilespmem:s0+$0x2820];
	[tilespmem:s1+$0x1820] =	vst v36  }
0x127: {  	v31 =	vadd.f32 v63, v32;
	v38 =	vld [tilespmem:s0+$0x2030];
	[tilespmem:s1+$0x1830] =	vst v37  }
0x128: {  	v50 =	vmul.f32 v14, v34;
	v29 =	vadd.f32 v33, v29;
	v51 =	vmul.f32 v15, v41;
	v39 =	vld [tilespmem:s0+$0x2830];
	[tilespmem:s1+$0x1840] =	vst v35  }
0x129: {  	v52 =	vld [tilespmem:s0+$0x3870];
	[tilespmem:s1+$0x1850] =	vst v31  }
0x12a: {  	v53 =	vmul.f32 v16, v43;
	v27 =	vadd.f32 v51, v50;
	v41 =	vld [tilespmem:s0+$0x2040];
	[tilespmem:s1+$0x1860] =	vst v29  }
0x12b: {  	v55 =	vld [tilespmem:s0+$0x3000]  }
0x12c: {  	v54 =	vadd.f32 v53, v27;
	_ =	sdelay $0x1  }
0x12d: {  	v56 =	vmul.f32 v14, v42;
	v57 =	vmul.f32 v15, v44;
	v25 =	vadd.f32 v54, v54;
	_ =	sdelay $0x1  }
0x12e: {  	v58 =	vadd.f32 v57, v56;
	v25 =	vsub.f32 v17, v25;
	v59 =	vmul.f32 v16, v55;
	_ =	sdelay $0x1  }
0x12f: {  	v28 =	vadd.f32 v25, v52;
	v25 =	vadd.f32 v59, v58  }
0x130: {  	v60 =	vld [tilespmem:s0+$0x3800]  }
0x131: {  	v25 =	vadd.f32 v25, v25;
	_ =	sdelay $0x1  }
0x132: {  	v25 =	vsub.f32 v17, v25;
	_ =	sdelay $0x1  }
0x133: {  	v25 =	vadd.f32 v25, v60  }
0x134: {  	v26 =	vmin.f32 v26, v40  }
0x135: {  	v27 =	vmin.f32 v26, v25  }
0x136: {  	(xrf1) =	vsort.ascd.msk.f32 $0xffff, v27, v27;
	_ =	sdelay $0xd  }
0x137: {  	v61, _, _ =	vpop (xrf1)  }
0x138: {  	v26 =	vperm.xlane v61, v2;
	_ =	sdelay $0x1  }
0x139: {  	v26 =	vmin.f32 v26, $1.000000020e+30  }
0x13a: {  	(xrf1) =	vsort.ascd.msk.f32 $0xffff, v26, v26;
	_ =	sdelay $0x3  }
0x13b: {  	v62 =	vld [tilespmem:s0+$0x3010];
	_ =	sdelay $0x2  }
0x13c: {  	v63 =	vmul.f32 v14, v45;
	v40 =	vmul.f32 v15, v46;
	_ =	sdelay $0x1  }
0x13d: {  	v30 =	vadd.f32 v40, v63;
	v26 =	vmul.f32 v16, v62;
	_ =	sdelay $0x1  }
0x13e: {  	v26 =	vadd.f32 v26, v30  }
0x13f: {  	v45 =	vld [tilespmem:s0+$0x3810]  }
0x140: {  	v26 =	vadd.f32 v26, v26  }
0x141: {  	v46, _, _ =	vpop (xrf1)  }
0x142: {  	v26 =	vsub.f32 v17, v26;
	v34 =	vperm.xlane v46, v2;
	_ =	sdelay $0x1  }
0x143: {  	v26 =	vadd.f32 v26, v45;
	v50 =	vmin.f32 v34, $1.000000020e+30  }
0x144: {  	v24 =	vmin.f32 v24, v47;
	v34 =	vmax.f32 v34, $1.000000020e+30;
	(xrf1) =	vsort.ascd.msk.f32 $0xffff, v50, v50  }
0x145: {  	v30 =	vmin.f32 v24, v26;
	(xrf1) =	vsort.ascd.msk.f32 $0xffff, v34, v34  }
0x146: {  	(xrf1) =	vsort.ascd.msk.f32 $0xffff, v30, v30;
	_ =	sdelay $0xb  }
0x147: {  	v51, _, _ =	vpop (xrf1)  }
0x148: {  	v52, _, _ =	vpop (xrf1)  }
0x149: {  	v53, _, _ =	vpop (xrf1)  }
0x14a: {  	v40 =	vperm.xlane v53, v2;
	_ =	sdelay $0x1  }
0x14b: {  	v24 =	vmin.f32 v52, v40  }
0x14c: {  	(xrf1) =	vsort.ascd.msk.f32 $0xffff, v24, v24;
	_ =	sdelay $0x3  }
0x14d: {  	v54 =	vld [tilespmem:s0+$0x3020];
	_ =	sdelay $0x2  }
0x14e: {  	v56 =	vmul.f32 v15, v49;
	v55 =	vmul.f32 v14, v48;
	_ =	sdelay $0x1  }
0x14f: {  	v40 =	vadd.f32 v56, v55;
	v24 =	vmul.f32 v16, v54;
	_ =	sdelay $0x1  }
0x150: {  	v24 =	vadd.f32 v24, v40  }
0x151: {  	v57 =	vld [tilespmem:s0+$0x3820]  }
0x152: {  	v24 =	vadd.f32 v24, v24  }
0x153: {  	v58, _, _ =	vpop (xrf1)  }
0x154: {  	v24 =	vsub.f32 v17, v24;
	v45 =	vperm.xlane v58, v2;
	_ =	sdelay $0x1  }
0x155: {  	v24 =	vadd.f32 v24, v57;
	v59 =	vmin.f32 v51, v45  }
0x156: {  	v23 =	vmin.f32 v23, v36;
	v60 =	vmax.f32 v51, v45;
	(xrf1) =	vsort.ascd.msk.f32 $0xffff, v59, v59  }
0x157: {  	v34 =	vmin.f32 v23, v24;
	(xrf1) =	vsort.ascd.msk.f32 $0xffff, v60, v60  }
0x158: {  	(xrf1) =	vsort.ascd.msk.f32 $0xffff, v34, v34;
	_ =	sdelay $0xb  }
0x159: {  	v61, _, _ =	vpop (xrf1)  }
0x15a: {  	v62, _, _ =	vpop (xrf1)  }
0x15b: {  	v63, _, _ =	vpop (xrf1)  }
0x15c: {  	v40 =	vperm.xlane v63, v2;
	_ =	sdelay $0x1  }
0x15d: {  	v23 =	vmin.f32 v62, v40  }
0x15e: {  	(xrf1) =	vsort.ascd.msk.f32 $0xffff, v23, v23;
	_ =	sdelay $0x3  }
0x15f: {  	v45 =	vld [tilespmem:s0+$0x3030];
	_ =	sdelay $0x2  }
0x160: {  	v38 =	vmul.f32 v14, v38;
	v39 =	vmul.f32 v15, v39;
	_ =	sdelay $0x1  }
0x161: {  	v38 =	vadd.f32 v39, v38;
	v23 =	vmul.f32 v16, v45;
	_ =	sdelay $0x1  }
0x162: {  	v23 =	vadd.f32 v23, v38  }
0x163: {  	v46 =	vld [tilespmem:s0+$0x3830]  }
0x164: {  	v23 =	vadd.f32 v23, v23  }
0x165: {  	v47, _, _ =	vpop (xrf1)  }
0x166: {  	v23 =	vsub.f32 v17, v23;
	v39 =	vperm.xlane v47, v2;
	_ =	sdelay $0x1  }
0x167: {  	v23 =	vadd.f32 v23, v46;
	v48 =	vmin.f32 v61, v39  }
0x168: {  	v22 =	vmin.f32 v22, v37;
	v36 =	vmax.f32 v61, v39;
	(xrf1) =	vsort.ascd.msk.f32 $0xffff, v48, v48  }
0x169: {  	v37 =	vmin.f32 v22, v23;
	(xrf1) =	vsort.ascd.msk.f32 $0xffff, v36, v36  }
0x16a: {  	(xrf1) =	vsort.ascd.msk.f32 $0xffff, v37, v37;
	_ =	sdelay $0xb  }
0x16b: {  	v49, _, _ =	vpop (xrf1)  }
0x16c: {  	v50, _, _ =	vpop (xrf1)  }
0x16d: {  	v51, _, _ =	vpop (xrf1)  }
0x16e: {  	v38 =	vperm.xlane v51, v2;
	_ =	sdelay $0x1  }
0x16f: {  	v22 =	vmin.f32 v50, v38  }
0x170: {  	(xrf1) =	vsort.ascd.msk.f32 $0xffff, v22, v22;
	_ =	sdelay $0x1  }
0x171: {  	v43 =	vld [tilespmem:s0+$0x2840];
	_ =	sdelay $0x1  }
0x172: {  	v52 =	vld [tilespmem:s0+$0x3040];
	_ =	sdelay $0x2  }
0x173: {  	v53 =	vmul.f32 v14, v41;
	v54 =	vmul.f32 v15, v43;
	_ =	sdelay $0x1  }
0x174: {  	v38 =	vadd.f32 v54, v53;
	v22 =	vmul.f32 v16, v52;
	_ =	sdelay $0x1  }
0x175: {  	v22 =	vadd.f32 v22, v38  }
0x176: {  	v55 =	vld [tilespmem:s0+$0x3840]  }
0x177: {  	v22 =	vadd.f32 v22, v22  }
0x178: {  	v56, _, _ =	vpop (xrf1)  }
0x179: {  	v22 =	vsub.f32 v17, v22;
	v39 =	vperm.xlane v56, v2;
	_ =	sdelay $0x1  }
0x17a: {  	v22 =	vadd.f32 v22, v55;
	v57 =	vmin.f32 v49, v39  }
0x17b: {  	v21 =	vmin.f32 v21, v35;
	v58 =	vmax.f32 v49, v39;
	(xrf1) =	vsort.ascd.msk.f32 $0xffff, v57, v57  }
0x17c: {  	v21 =	vmin.f32 v21, v22;
	(xrf1) =	vsort.ascd.msk.f32 $0xffff, v58, v58  }
0x17d: {  	(xrf1) =	vsort.ascd.msk.f32 $0xffff, v21, v21;
	_ =	sdelay $0xb  }
0x17e: {  	v59, _, _ =	vpop (xrf1)  }
0x17f: {  	v60, _, _ =	vpop (xrf1)  }
0x180: {  	v61, _, _ =	vpop (xrf1)  }
0x181: {  	v38 =	vperm.xlane v61, v2;
	_ =	sdelay $0x1  }
0x182: {  	v36 =	vmin.f32 v60, v38  }
0x183: {  	(xrf1) =	vsort.ascd.msk.f32 $0xffff, v36, v36  }
0x184: {  	v42 =	vld [tilespmem:s0+$0x2050]  }
0x185: {  	v44 =	vld [tilespmem:s0+$0x2850];
	_ =	sdelay $0x1  }
0x186: {  	v62 =	vld [tilespmem:s0+$0x3050];
	_ =	sdelay $0x2  }
0x187: {  	v63 =	vmul.f32 v14, v42;
	v42 =	vmul.f32 v15, v44;
	_ =	sdelay $0x1  }
0x188: {  	v38 =	vadd.f32 v42, v63;
	v36 =	vmul.f32 v16, v62;
	_ =	sdelay $0x1  }
0x189: {  	v36 =	vadd.f32 v36, v38  }
0x18a: {  	v43 =	vld [tilespmem:s0+$0x3850]  }
0x18b: {  	v36 =	vadd.f32 v36, v36  }
0x18c: {  	v44, _, _ =	vpop (xrf1)  }
0x18d: {  	v36 =	vsub.f32 v17, v36;
	v39 =	vperm.xlane v44, v2;
	_ =	sdelay $0x1  }
0x18e: {  	v36 =	vadd.f32 v36, v43;
	v45 =	vmin.f32 v59, v39  }
0x18f: {  	v20 =	vmin.f32 v20, v31;
	v46 =	vmax.f32 v59, v39;
	(xrf1) =	vsort.ascd.msk.f32 $0xffff, v45, v45  }
0x190: {  	v20 =	vmin.f32 v20, v36;
	(xrf1) =	vsort.ascd.msk.f32 $0xffff, v46, v46  }
0x191: {  	(xrf1) =	vsort.ascd.msk.f32 $0xffff, v20, v20;
	_ =	sdelay $0xb  }
0x192: {  	v47, _, _ =	vpop (xrf1)  }
0x193: {  	v48, _, _ =	vpop (xrf1)  }
0x194: {  	v49, _, _ =	vpop (xrf1)  }
0x195: {  	v38 =	vperm.xlane v49, v2;
	_ =	sdelay $0x1  }
0x196: {  	v35 =	vmin.f32 v48, v38  }
0x197: {  	(xrf1) =	vsort.ascd.msk.f32 $0xffff, v35, v35  }
0x198: {  	v32 =	vld [tilespmem:s0+$0x2060]  }
0x199: {  	v33 =	vld [tilespmem:s0+$0x2860];
	_ =	sdelay $0x1  }
0x19a: {  	v50 =	vld [tilespmem:s0+$0x3060];
	_ =	sdelay $0x2  }
0x19b: {  	v14 =	vmul.f32 v14, v32;
	v15 =	vmul.f32 v15, v33;
	_ =	sdelay $0x1  }
0x19c: {  	v14 =	vadd.f32 v15, v14;
	v15 =	vmul.f32 v16, v50;
	_ =	sdelay $0x1  }
0x19d: {  	v14 =	vadd.f32 v15, v14  }
0x19e: {  	v15 =	vld [tilespmem:s0+$0x3860]  }
0x19f: {  	v14 =	vadd.f32 v14, v14  }
0x1a0: {  	v16, _, _ =	vpop (xrf1)  }
0x1a1: {  	v14 =	vsub.f32 v17, v14;
	v16 =	vperm.xlane v16, v2;
	_ =	sdelay $0x1  }
0x1a2: {  	v14 =	vadd.f32 v14, v15;
	v15 =	vmin.f32 v47, v16  }
0x1a3: {  	v17 =	vmin.f32 v19, v29;
	(xrf1) =	vsort.ascd.msk.f32 $0xffff, v15, v15;
	v15 =	vmax.f32 v47, v16  }
0x1a4: {  	v16 =	vmin.f32 v17, v14;
	(xrf1) =	vsort.ascd.msk.f32 $0xffff, v15, v15  }
0x1a5: {  	(xrf1) =	vsort.ascd.msk.f32 $0xffff, v16, v16;
	_ =	sdelay $0xb  }
0x1a6: {  	v15, _, _ =	vpop (xrf1)  }
0x1a7: {  	v17, _, _ =	vpop (xrf1)  }
0x1a8: {  	v51, _, _ =	vpop (xrf1)  }
0x1a9: {  	v19 =	vperm.xlane v51, v2;
	_ =	sdelay $0x1  }
0x1aa: {  	v17 =	vmin.f32 v17, v19  }
0x1ab: {  	(xrf1) =	vsort.ascd.msk.f32 $0xffff, v17, v17;
	_ =	sdelay $0xd  }
0x1ac: {  	v17, _, _ =	vpop (xrf1)  }
0x1ad: {  	v17 =	vperm.xlane v17, v2;
	_ =	sdelay $0x1  }
0x1ae: {  	v52 =	vmin.f32 v15, v17  }
0x1af: {  	v15 =	vmax.f32 v15, v17;
	(xrf1) =	vsort.ascd.msk.f32 $0xffff, v52, v52  }
0x1b0: {  	v17 =	vmin.f32 v18, v28;
	(xrf1) =	vsort.ascd.msk.f32 $0xffff, v15, v15  }
0x1b1: {  	(xrf1) =	vsort.ascd.msk.f32 $0xffff, v17, v17;
	_ =	sdelay $0xb  }
0x1b2: {  	v15, _, _ =	vpop (xrf1)  }
0x1b3: {  	v53, _, _ =	vpop (xrf1)  }
0x1b4: {  	v54, _, _ =	vpop (xrf1)  }
0x1b5: {  	v19 =	vperm.xlane v54, v2;
	_ =	sdelay $0x1  }
0x1b6: {  	v18 =	vmin.f32 v53, v19  }
0x1b7: {  	(xrf1) =	vsort.ascd.msk.f32 $0xffff, v18, v18;
	_ =	sdelay $0xd  }
0x1b8: {  	v18, _, _ =	vpop (xrf1)  }
0x1b9: {  	v18 =	vperm.xlane v18, v2;
	_ =	sdelay $0x1  }
0x1ba: {  	v15 =	vmax.f32 v15, v18  }
0x1bb: {  	(xrf1) =	vsort.ascd.msk.f32 $0xffff, v15, v15;
	_ =	sdelay $0xd  }
0x1bc: {  	v15, _, _ =	vpop (xrf1)  }
0x1bd: {  	(xrf0) =	vmax.scan.msk.f32 $0xffff, v15;
	_ =	sdelay $0x5  }
0x1be: {  	v15, _, _ =	vpop (xrf0)  }
0x1bf: {  	v15 =	vbroadcast v15, $0xF;
	_ =	sdelay $0x1  }
0x1c0: {  	vm0 =	vle.f32 v27, v15  }
0x1c1: {  	vm1 =	vle.f32 v30, v15;
	v55 =	vmpcnt.ones.xlane vm0  }
0x1c2: {  	vm2 =	vle.f32 v34, v15;
	v56 =	vmpcnt.ones.xlane vm1  }
0x1c3: {  	vm3 =	vle.f32 v37, v15;
	v57 =	vmpcnt.ones.xlane vm2;
	v18 =	vxor.u32 $0x80000000, v55  }
0x1c4: {  	vm4 =	vle.f32 v21, v15;
	v59 =	vmpcnt.ones.xlane vm3;
	v58 =	vxor.u32 $0x80000000, v56;
	(xrf0) =	vmax.scan.msk.u32 $0xffff, v18  }
0x1c5: {  	vm5 =	vle.f32 v20, v15;
	v21 =	vmpcnt.ones.xlane vm4;
	v60 =	vxor.u32 $0x80000000, v57;
	(xrf0) =	vmax.scan.msk.u32 $0xffff, v58  }
0x1c6: {  	vm6 =	vle.f32 v16, v15;
	v62 =	vmpcnt.ones.xlane vm5;
	v61 =	vxor.u32 $0x80000000, v59;
	(xrf0) =	vmax.scan.msk.u32 $0xffff, v60  }
0x1c7: {  	vm7 =	vle.f32 v17, v15;
	v63 =	vmpcnt.ones.xlane vm6;
	v16 =	vxor.u32 $0x80000000, v21;
	(xrf0) =	vmax.scan.msk.u32 $0xffff, v61  }
0x1c8: {  	v15 =	vxor.u32 $0x80000000, v62;
	(xrf0) =	vmax.scan.msk.u32 $0xffff, v16;
	v16 =	vmpcnt.ones.xlane vm7  }
0x1c9: {  	(xrf0) =	vmax.scan.msk.u32 $0xffff, v15;
	v15 =	vxor.u32 $0x80000000, v63  }
0x1ca: {  	v17, _, _ =	vpop (xrf0);
	(xrf0) =	vmax.scan.msk.u32 $0xffff, v15;
	v15 =	vxor.u32 $0x80000000, v16;
	_ =	sdelay $0x1  }
0x1cb: {  	(v2sf) =	vpush v17, $0xF;
	v16, _, _ =	vpop (xrf0);
	(xrf0) =	vmax.scan.msk.u32 $0xffff, v15  }
0x1cc: {  	v15, _, _ =	vpop (xrf0);
	(v2sf) =	vpush v16, $0xF  }
0x1cd: {  	v16, _, _ =	vpop (xrf0);
	(v2sf) =	vpush v15, $0xF  }
0x1ce: {  	v15, _, _ =	vpop (xrf0);
	(v2sf) =	vpush v16, $0xF  }
0x1cf: {  	v16, _, _ =	vpop (xrf0);
	(v2sf) =	vpush v15, $0xF  }
0x1d0: {  	v15, _, _ =	vpop (xrf0);
	(v2sf) =	vpush v16, $0xF  }
0x1d1: {  	(v2sf) =	vpush v15, $0xF;
	v15, _, _ =	vpop (xrf0)  }
0x1d2: {  	[tilespmem:s0+$0x1870] =	vst v28;
	(v2sf) =	vpush v15, $0xF  }
0x1d3: {  	[tilespmem:s0+$0x1800] =	vst v25  }
0x1d4: {  	[tilespmem:s0+$0x1810] =	vst v26  }
0x1d5: {  	[tilespmem:s0+$0x1820] =	vst v24  }
0x1d6: {  	[tilespmem:s0+$0x1830] =	vst v23  }
0x1d7: {  	[tilespmem:s0+$0x1840] =	vst v22  }
0x1d8: {  	[tilespmem:s0+$0x1860] =	vst v14  }
0x1d9: {  	[tilespmem:s0+$0x1850] =	vst v36  }
0x1da: {  	[tilespmem:s18+$0x0] =	vst.msk vm0, v0;
	s10 =	spop (v2sf)  }
0x1db: {  	[tilespmem:s19+$0x0] =	vst.msk vm1, v3;
	s8 =	sxor.u32 $0x80000000, s10;
	s6 =	spop (v2sf)  }
0x1dc: {  	[tilespmem:s20+$0x0] =	vst.msk vm2, v4;
	p0 =	sgt.s32 s8, $0x0;
	s5 =	spop (v2sf)  }
.Ltmp12:
0x1dd: {  	[tilespmem:s21+$0x0] =	vst.msk vm3, v5;
	s4 =	spop (v2sf);
	(pc) =	sbr.rel @!p0 .LBB2_13-.Ltmp12, $4  }
0x1de: {  	[tilespmem:s22+$0x0] =	vst.msk vm4, v6;
	s3 =	spop (v2sf)  }
0x1df: {  	[tilespmem:s23+$0x0] =	vst.msk vm5, v7;
	s1 =	spop (v2sf)  }
0x1e0: {  	[tilespmem:s24+$0x0] =	vst.msk vm6, v8;
	s0 =	spop (v2sf)  }
0x1e1: {  	s7 =	simm.s32 $0x0;
	v14 =	vimm.s32 $0x0;
	[tilespmem:s25+$0x0] =	vst.msk vm7, v9;
	v15 =	vimm.f32 $1.000000020e+30;
	s31 =	spop (v2sf)  }
0x1e2: {  	v16 =	vmov s7;
	_ =	sdelay $0x4  }
0x1e3: {  	v17 =	vld.idx.msk [tilespmem:v16+s18+$0x0], $0xffff;
	_ =	sdelay $0x2  }
0x1e4: {  	v16 =	vmul.u32 $0x80, v0;
	_ =	sdelay $0x1  }
0x1e5: {  	v17 =	vadd.s32 v16, v17;
	_ =	sdelay $0x4  }
0x1e6: {  	p1 =	seq.s32 s8, $0x1;
	v18 =	vld.idx.msk [tilespmem:v17+s26+$0x0], $0xffff  }
.Ltmp13:
0x1e7: {  	_ = 	snop;
	(pc) =	sbr.rel @p1 .LBB2_24-.Ltmp13, $2  }
0x1e8: {  	_ =	sdelay $0x2  }
0x1e9: {  	s9 =	simm.s32 $0x1;
	p0 =	por $0x0, $0x0;
	(xrf1) =	vsort.ascd.msk.f32 $0xffff, v18, v17  }
0x1ea: {  	_ =	sdelay $0x1  }
0x1eb: {  	v17 =	vmov s9;
	_ =	sdelay $0x4  }
0x1ec: {  	v17 =	vld.idx.msk [tilespmem:v17+s18+$0x0], $0xffff;
	_ =	sdelay $0x4  }
0x1ed: {  	v17 =	vadd.s32 v16, v17  }
0x1ee: {  	v18, v19, _ =	vpop (xrf1)  }
0x1ef: {  	v18 =	vperm.xlane v18, v2  }
0x1f0: {  	v19 =	vperm.xlane v19, v2  }
0x1f1: {  	vm0 =	vle.f32 v15, v18  }
0x1f2: {  	p1 =	seq.s32 s8, $0x2;
	v20 =	vld.idx.msk [tilespmem:v17+s26+$0x0], $0xffff;
	v18 =	vsel vm0, v15, v18;
	v19 =	vsel vm0, v14, v19  }
.Ltmp14:
0x1f3: {  	(xrf1) =	vsort.ascd.msk.f32 $0xffff, v18, v19;
	(pc) =	sbr.rel @p1 .LBB2_26-.Ltmp14, $2  }
0x1f4: {  	_ =	sdelay $0x2  }
0x1f5: {  	s9 =	simm.s32 $0x2;
	p0 =	por $0x1, $0x1;
	v18 =	vimm.s32 $0x0;
	(xrf1) =	vsort.ascd.msk.f32 $0xffff, v20, v17;
	v17 =	vimm.f32 $1.000000020e+30  }
.LBB2_27:
0x1f6: {  	_ = 	snop  }
0x1f7: {  	s10 =	smov.u32 s9;
	s9 =	sadd.s32 $0x1, s9  }
0x1f8: {  	p1 =	seq.s32 s8, s9;
	_ =	sdelay $0x6  }
0x1f9: {  	v19, v20, _ =	vpop (xrf1)  }
0x1fa: {  	v19 =	vperm.xlane v19, v2;
	v20 =	vperm.xlane v20, v2;
	_ =	sdelay $0x1  }
0x1fb: {  	vm0 =	vle.f32 v17, v19  }
0x1fc: {  	v21 =	vmov s10;
	v22, v23, _ =	vpop (xrf1);
	v24 =	vsel vm0, v19, v17;
	v25 =	vsel vm0, v20, v18  }
0x1fd: {  	v18 =	vsel vm0, v18, v20;
	v22 =	vperm.xlane v22, v2;
	(xrf1) =	vsort.ascd.msk.f32 $0xffff, v24, v25  }
0x1fe: {  	v17 =	vsel vm0, v17, v19  }
0x1ff: {  	(xrf1) =	vsort.ascd.msk.f32 $0xffff, v17, v18;
	_ =	sdelay $0x1  }
0x200: {  	v17 =	vld.idx.msk [tilespmem:v21+s18+$0x0], $0xffff;
	_ =	sdelay $0x5  }
0x201: {  	v19 =	vadd.s32 v16, v17;
	_ =	sdelay $0x1  }
0x202: {  	v17 =	vperm.xlane v23, v2;
	_ =	sdelay $0x1  }
0x203: {  	v18, v20, _ =	vpop (xrf1)  }
0x204: {  	v21 =	vld.idx.msk [tilespmem:v19+s26+$0x0], $0xffff;
	vm0 =	vle.f32 v18, v22  }
0x205: {  	v22 =	vsel vm0, v18, v22;
	v20 =	vsel vm0, v20, v17;
	v17, v18, _ =	vpop (xrf1)  }
.Ltmp15:
0x206: {  	(xrf1) =	vsort.ascd.msk.f32 $0xffff, v22, v20;
	(pc) =	sbr.rel @!p1 .LBB2_27-.Ltmp15, $2  }
0x207: {  	_ =	sdelay $0x2  }
0x208: {  	(xrf1) =	vsort.ascd.msk.f32 $0xffff, v21, v19  }
.LBB2_28:
0x209: {  	_ =	sdelay $0x8  }
0x20a: {  	v16, v19, _ =	vpop @p0 (xrf1)  }
0x20b: {  	v16 =	vperm.xlane @p0 v16, v2  }
0x20c: {  	v19 =	vperm.xlane @p0 v19, v2  }
0x20d: {  	vm0 =	vle.f32 @p0 v17, v16  }
0x20e: {  	v20 =	vsel @p0 vm0, v16, v17;
	v21 =	vsel @p0 vm0, v19, v18  }
0x20f: {  	(xrf1) =	vsort.ascd.msk.f32 @p0 $0xffff, v20, v21;
	_ =	sdelay $0xc  }
0x210: {  	v20, v21, _ =	vpop (xrf1)  }
0x211: {  	v20 =	vperm.xlane v20, v2;
	v22, v23, _ =	vpop @p0 (xrf1)  }
0x212: {  	v18 =	vsel @p0 vm0, v18, v19;
	v19 =	vperm.xlane v21, v2;
	v63 =	vpsel p0, v22, v15  }
0x213: {  	v16 =	vsel @p0 vm0, v17, v16;
	v17 =	vpsel p0, v23, v14;
	vm14 =	vle.f32 v63, v20  }
0x214: {  	(xrf1) =	vsort.ascd.msk.f32 @p0 $0xffff, v16, v18;
	v16 =	vsel vm14, v63, v20;
	v17 =	vsel vm14, v17, v19  }
0x215: {  	(xrf1) =	vsort.ascd.msk.f32 $0xffff, v16, v17;
	_ =	sdelay $0xc  }
0x216: {  	v16, v17, _ =	vpop @p0 (xrf1)  }
0x217: {  	v18, v19, _ =	vpop (xrf1)  }
0x218: {  	v18 =	vperm.xlane v18, v2  }
0x219: {  	v15 =	vpsel p0, v16, v15;
	v16 =	vperm.xlane v19, v2  }
0x21a: {  	v14 =	vpsel p0, v17, v14;
	vm15 =	vle.f32 v15, v18  }
0x21b: {  	v17 =	vsel vm15, v18, v15;
	v19 =	vsel vm15, v16, v14  }
0x21c: {  	v14 =	vsel vm15, v14, v16;
	v15 =	vsel vm15, v15, v18;
	(xrf1) =	vsort.ascd.msk.f32 $0xffff, v17, v19  }
0x21d: {  	(xrf1) =	vsort.ascd.msk.f32 $0xffff, v15, v14;
	_ =	sdelay $0x9  }
.Ltmp16:
0x21e: {  	_ = 	snop;
	(pc) =	sbr.rel .LBB2_14-.Ltmp16, $3  }
0x21f: {  	_ =	sdelay $0x1  }
0x220: {  	v17, v16, _ =	vpop (xrf1)  }
0x221: {  	v15, v14, _ =	vpop (xrf1)  }
.LBB2_13:
0x222: {  	v17 =	vimm.f32 $1.000000020e+30;
	v16 =	vimm.s32 $0x0  }
.LBB2_14:
0x223: {  	s6 =	sxor.u32 $0x80000000, s6  }
0x224: {  	p0 =	sgt.s32 s6, $0x0  }
.Ltmp17:
0x225: {  	_ = 	snop;
	(pc) =	sbr.rel @!p0 .LBB2_15-.Ltmp17, $1  }
0x226: {  	_ =	sdelay $0x3  }
0x227: {  	v18 =	vmov s7  }
0x228: {  	v18 =	vand.u32 $0x7FFFFFFF, v18  }
0x229: {  	v18 =	vadd.s32 $0x80, v18;
	_ =	sdelay $0x4  }
0x22a: {  	v19 =	vld.idx.msk [tilespmem:v18+s18+$0x0], $0xffff;
	_ =	sdelay $0x2  }
0x22b: {  	v18 =	vmul.u32 $0x80, v0;
	_ =	sdelay $0x1  }
0x22c: {  	v19 =	vadd.s32 v18, v19;
	_ =	sdelay $0x4  }
0x22d: {  	p1 =	seq.s32 s6, $0x1;
	v20 =	vld.idx.msk [tilespmem:v19+s26+$0x0], $0xffff  }
.Ltmp18:
0x22e: {  	_ = 	snop;
	(pc) =	sbr.rel @p1 .LBB2_30-.Ltmp18, $2  }
0x22f: {  	_ =	sdelay $0x2  }
0x230: {  	s7 =	simm.s32 $0x1;
	p0 =	por $0x0, $0x0;
	(xrf1) =	vsort.ascd.msk.f32 $0xffff, v20, v19  }
0x231: {  	_ =	sdelay $0x1  }
0x232: {  	v19 =	vmov s7  }
0x233: {  	v19 =	vand.u32 $0x7FFFFFFF, v19  }
0x234: {  	v19 =	vadd.s32 $0x80, v19;
	_ =	sdelay $0x4  }
0x235: {  	v19 =	vld.idx.msk [tilespmem:v19+s18+$0x0], $0xffff;
	_ =	sdelay $0x3  }
0x236: {  	v20, v21, _ =	vpop (xrf1)  }
0x237: {  	v19 =	vadd.s32 v18, v19;
	v20 =	vperm.xlane v20, v2  }
0x238: {  	v21 =	vperm.xlane v21, v2  }
0x239: {  	vm0 =	vle.f32 v17, v20  }
0x23a: {  	v20 =	vsel vm0, v17, v20;
	v21 =	vsel vm0, v16, v21  }
0x23b: {  	(xrf1) =	vsort.ascd.msk.f32 $0xffff, v20, v21  }
0x23c: {  	p1 =	seq.s32 s6, $0x2;
	v22 =	vld.idx.msk [tilespmem:v19+s26+$0x0], $0xffff  }
.Ltmp19:
0x23d: {  	_ = 	snop;
	(pc) =	sbr.rel @p1 .LBB2_32-.Ltmp19, $2  }
0x23e: {  	_ =	sdelay $0x2  }
0x23f: {  	s7 =	simm.s32 $0x2;
	p0 =	por $0x1, $0x1;
	v20 =	vmov v15;
	(xrf1) =	vsort.ascd.msk.f32 $0xffff, v22, v19;
	v19 =	vmov v14  }
.LBB2_33:
0x240: {  	_ = 	snop  }
0x241: {  	s8 =	smov.u32 s7;
	s7 =	sadd.s32 $0x1, s7  }
0x242: {  	p1 =	seq.s32 s6, s7;
	_ =	sdelay $0x4  }
0x243: {  	v21, v22, _ =	vpop (xrf1)  }
0x244: {  	v21 =	vperm.xlane v21, v2;
	v22 =	vperm.xlane v22, v2;
	_ =	sdelay $0x1  }
0x245: {  	vm0 =	vle.f32 v20, v21  }
0x246: {  	v27 =	vmov s8;
	v24 =	vsel vm0, v21, v20;
	v25 =	vsel vm0, v22, v19  }
0x247: {  	v26 =	vand.u32 $0x7FFFFFFF, v27;
	v20 =	vsel vm0, v20, v21;
	v19 =	vsel vm0, v19, v22;
	(xrf1) =	vsort.ascd.msk.f32 $0xffff, v24, v25  }
0x248: {  	v21 =	vadd.s32 $0x80, v26;
	v22, v23, _ =	vpop (xrf1);
	(xrf1) =	vsort.ascd.msk.f32 $0xffff, v20, v19  }
0x249: {  	v22 =	vperm.xlane v22, v2;
	_ =	sdelay $0x3  }
0x24a: {  	v19 =	vld.idx.msk [tilespmem:v21+s18+$0x0], $0xffff;
	_ =	sdelay $0x5  }
0x24b: {  	v21 =	vadd.s32 v18, v19;
	_ =	sdelay $0x1  }
0x24c: {  	v23 =	vperm.xlane v23, v2;
	v24, v25, _ =	vpop (xrf1)  }
0x24d: {  	vm0 =	vle.f32 v24, v22;
	v20, v19, _ =	vpop (xrf1)  }
0x24e: {  	v22 =	vsel vm0, v24, v22;
	v23 =	vsel vm0, v25, v23  }
0x24f: {  	v24 =	vld.idx.msk [tilespmem:v21+s26+$0x0], $0xffff;
	(xrf1) =	vsort.ascd.msk.f32 $0xffff, v22, v23;
	_ =	sdelay $0x1  }
.Ltmp20:
0x250: {  	(pc) =	sbr.rel @!p1 .LBB2_33-.Ltmp20, $2  }
0x251: {  	_ =	sdelay $0x2  }
0x252: {  	(xrf1) =	vsort.ascd.msk.f32 $0xffff, v24, v21  }
.LBB2_34:
0x253: {  	_ =	sdelay $0x6  }
0x254: {  	v18, v21, _ =	vpop @p0 (xrf1)  }
0x255: {  	v18 =	vperm.xlane @p0 v18, v2  }
0x256: {  	v21 =	vperm.xlane @p0 v21, v2  }
0x257: {  	vm0 =	vle.f32 @p0 v20, v18  }
0x258: {  	v22 =	vsel @p0 vm0, v18, v20;
	v23 =	vsel @p0 vm0, v21, v19  }
0x259: {  	(xrf1) =	vsort.ascd.msk.f32 @p0 $0xffff, v22, v23;
	_ =	sdelay $0xc  }
0x25a: {  	v22, v23, _ =	vpop (xrf1)  }
0x25b: {  	v22 =	vperm.xlane v22, v2;
	v24, v25, _ =	vpop @p0 (xrf1)  }
0x25c: {  	v18 =	vsel @p0 vm0, v20, v18;
	v63 =	vperm.xlane v23, v2;
	v17 =	vpsel p0, v24, v17  }
0x25d: {  	v19 =	vsel @p0 vm0, v19, v21;
	v16 =	vpsel p0, v25, v16;
	vm14 =	vle.f32 v17, v22  }
0x25e: {  	(xrf1) =	vsort.ascd.msk.f32 @p0 $0xffff, v18, v19;
	v17 =	vsel vm14, v17, v22;
	v16 =	vsel vm14, v16, v63  }
0x25f: {  	(xrf1) =	vsort.ascd.msk.f32 $0xffff, v17, v16;
	_ =	sdelay $0xc  }
0x260: {  	v16, v17, _ =	vpop @p0 (xrf1)  }
0x261: {  	v18, v19, _ =	vpop (xrf1)  }
0x262: {  	v18 =	vperm.xlane v18, v2  }
0x263: {  	v15 =	vpsel p0, v16, v15;
	v16 =	vperm.xlane v19, v2  }
0x264: {  	v14 =	vpsel p0, v17, v14;
	vm15 =	vle.f32 v15, v18  }
0x265: {  	v17 =	vsel vm15, v18, v15;
	v19 =	vsel vm15, v16, v14  }
0x266: {  	v15 =	vsel vm15, v15, v18;
	v14 =	vsel vm15, v14, v16;
	(xrf1) =	vsort.ascd.msk.f32 $0xffff, v17, v19  }
0x267: {  	(xrf1) =	vsort.ascd.msk.f32 $0xffff, v15, v14;
	_ =	sdelay $0xc  }
0x268: {  	v17, v16, _ =	vpop (xrf1)  }
0x269: {  	v15, v14, _ =	vpop (xrf1)  }
.LBB2_15:
0x26a: {  	s6 =	sxor.u32 $0x80000000, s5  }
0x26b: {  	p0 =	sgt.s32 s6, $0x0  }
.Ltmp21:
0x26c: {  	_ = 	snop;
	(pc) =	sbr.rel @!p0 .LBB2_16-.Ltmp21, $2  }
0x26d: {  	_ =	sdelay $0x2  }
0x26e: {  	s5 =	simm.s32 $0x0  }
0x26f: {  	v18 =	vmov s5  }
0x270: {  	v18 =	vand.u32 $0x7FFFFFFF, v18  }
0x271: {  	v18 =	vadd.s32 $0x100, v18;
	_ =	sdelay $0x4  }
0x272: {  	v19 =	vld.idx.msk [tilespmem:v18+s18+$0x0], $0xffff;
	_ =	sdelay $0x2  }
0x273: {  	v18 =	vmul.u32 $0x80, v0;
	_ =	sdelay $0x1  }
0x274: {  	v19 =	vadd.s32 v18, v19;
	_ =	sdelay $0x4  }
0x275: {  	p1 =	seq.s32 s6, $0x1;
	v20 =	vld.idx.msk [tilespmem:v19+s26+$0x0], $0xffff  }
.Ltmp22:
0x276: {  	_ = 	snop;
	(pc) =	sbr.rel @p1 .LBB2_36-.Ltmp22, $2  }
0x277: {  	_ =	sdelay $0x2  }
0x278: {  	s7 =	simm.s32 $0x1;
	p0 =	por $0x0, $0x0;
	(xrf1) =	vsort.ascd.msk.f32 $0xffff, v20, v19  }
0x279: {  	_ =	sdelay $0x1  }
0x27a: {  	v19 =	vmov s7  }
0x27b: {  	v19 =	vand.u32 $0x7FFFFFFF, v19  }
0x27c: {  	v19 =	vadd.s32 $0x100, v19;
	_ =	sdelay $0x4  }
0x27d: {  	v19 =	vld.idx.msk [tilespmem:v19+s18+$0x0], $0xffff;
	_ =	sdelay $0x3  }
0x27e: {  	v20, v21, _ =	vpop (xrf1)  }
0x27f: {  	v19 =	vadd.s32 v18, v19;
	v20 =	vperm.xlane v20, v2  }
0x280: {  	v21 =	vperm.xlane v21, v2  }
0x281: {  	vm0 =	vle.f32 v17, v20  }
0x282: {  	v20 =	vsel vm0, v17, v20;
	v21 =	vsel vm0, v16, v21  }
0x283: {  	(xrf1) =	vsort.ascd.msk.f32 $0xffff, v20, v21  }
0x284: {  	p1 =	seq.s32 s6, $0x2;
	v22 =	vld.idx.msk [tilespmem:v19+s26+$0x0], $0xffff  }
.Ltmp23:
0x285: {  	_ = 	snop;
	(pc) =	sbr.rel @p1 .LBB2_38-.Ltmp23, $2  }
0x286: {  	_ =	sdelay $0x2  }
0x287: {  	s7 =	simm.s32 $0x2;
	p0 =	por $0x1, $0x1;
	v20 =	vmov v15;
	(xrf1) =	vsort.ascd.msk.f32 $0xffff, v22, v19;
	v19 =	vmov v14  }
.LBB2_39:
0x288: {  	_ = 	snop  }
0x289: {  	s8 =	smov.u32 s7;
	s7 =	sadd.s32 $0x1, s7  }
0x28a: {  	p1 =	seq.s32 s6, s7;
	_ =	sdelay $0x4  }
0x28b: {  	v21, v22, _ =	vpop (xrf1)  }
0x28c: {  	v21 =	vperm.xlane v21, v2;
	v22 =	vperm.xlane v22, v2;
	_ =	sdelay $0x1  }
0x28d: {  	vm0 =	vle.f32 v20, v21  }
0x28e: {  	v27 =	vmov s8;
	v24 =	vsel vm0, v21, v20;
	v25 =	vsel vm0, v22, v19  }
0x28f: {  	v26 =	vand.u32 $0x7FFFFFFF, v27;
	v20 =	vsel vm0, v20, v21;
	v19 =	vsel vm0, v19, v22;
	(xrf1) =	vsort.ascd.msk.f32 $0xffff, v24, v25  }
0x290: {  	v21 =	vadd.s32 $0x100, v26;
	v22, v23, _ =	vpop (xrf1);
	(xrf1) =	vsort.ascd.msk.f32 $0xffff, v20, v19  }
0x291: {  	v22 =	vperm.xlane v22, v2;
	_ =	sdelay $0x3  }
0x292: {  	v19 =	vld.idx.msk [tilespmem:v21+s18+$0x0], $0xffff;
	_ =	sdelay $0x5  }
0x293: {  	v21 =	vadd.s32 v18, v19;
	_ =	sdelay $0x1  }
0x294: {  	v23 =	vperm.xlane v23, v2;
	v24, v25, _ =	vpop (xrf1)  }
0x295: {  	vm0 =	vle.f32 v24, v22;
	v20, v19, _ =	vpop (xrf1)  }
0x296: {  	v22 =	vsel vm0, v24, v22;
	v23 =	vsel vm0, v25, v23  }
0x297: {  	v24 =	vld.idx.msk [tilespmem:v21+s26+$0x0], $0xffff;
	(xrf1) =	vsort.ascd.msk.f32 $0xffff, v22, v23;
	_ =	sdelay $0x1  }
.Ltmp24:
0x298: {  	(pc) =	sbr.rel @!p1 .LBB2_39-.Ltmp24, $2  }
0x299: {  	_ =	sdelay $0x2  }
0x29a: {  	(xrf1) =	vsort.ascd.msk.f32 $0xffff, v24, v21  }
.LBB2_40:
0x29b: {  	_ =	sdelay $0x6  }
0x29c: {  	v18, v21, _ =	vpop @p0 (xrf1)  }
0x29d: {  	v18 =	vperm.xlane @p0 v18, v2  }
0x29e: {  	v21 =	vperm.xlane @p0 v21, v2  }
0x29f: {  	vm0 =	vle.f32 @p0 v20, v18  }
0x2a0: {  	v22 =	vsel @p0 vm0, v18, v20;
	v23 =	vsel @p0 vm0, v21, v19  }
0x2a1: {  	(xrf1) =	vsort.ascd.msk.f32 @p0 $0xffff, v22, v23;
	_ =	sdelay $0xc  }
0x2a2: {  	v22, v23, _ =	vpop (xrf1)  }
0x2a3: {  	v22 =	vperm.xlane v22, v2;
	v24, v25, _ =	vpop @p0 (xrf1)  }
0x2a4: {  	v18 =	vsel @p0 vm0, v20, v18;
	v63 =	vperm.xlane v23, v2;
	v17 =	vpsel p0, v24, v17  }
0x2a5: {  	v19 =	vsel @p0 vm0, v19, v21;
	v16 =	vpsel p0, v25, v16;
	vm14 =	vle.f32 v17, v22  }
0x2a6: {  	(xrf1) =	vsort.ascd.msk.f32 @p0 $0xffff, v18, v19;
	v17 =	vsel vm14, v17, v22;
	v16 =	vsel vm14, v16, v63  }
0x2a7: {  	(xrf1) =	vsort.ascd.msk.f32 $0xffff, v17, v16;
	_ =	sdelay $0xc  }
0x2a8: {  	v16, v17, _ =	vpop @p0 (xrf1)  }
0x2a9: {  	v18, v19, _ =	vpop (xrf1)  }
0x2aa: {  	v18 =	vperm.xlane v18, v2  }
0x2ab: {  	v15 =	vpsel p0, v16, v15;
	v16 =	vperm.xlane v19, v2  }
0x2ac: {  	v14 =	vpsel p0, v17, v14;
	vm15 =	vle.f32 v15, v18  }
0x2ad: {  	v17 =	vsel vm15, v18, v15;
	v19 =	vsel vm15, v16, v14  }
0x2ae: {  	v15 =	vsel vm15, v15, v18;
	v14 =	vsel vm15, v14, v16;
	(xrf1) =	vsort.ascd.msk.f32 $0xffff, v17, v19  }
0x2af: {  	(xrf1) =	vsort.ascd.msk.f32 $0xffff, v15, v14;
	_ =	sdelay $0xc  }
0x2b0: {  	v17, v16, _ =	vpop (xrf1)  }
0x2b1: {  	v15, v14, _ =	vpop (xrf1)  }
.LBB2_16:
0x2b2: {  	s4 =	sxor.u32 $0x80000000, s4  }
0x2b3: {  	p0 =	sgt.s32 s4, $0x0  }
.Ltmp25:
0x2b4: {  	_ = 	snop;
	(pc) =	sbr.rel @!p0 .LBB2_17-.Ltmp25, $1  }
0x2b5: {  	_ =	sdelay $0x3  }
0x2b6: {  	v18 =	vmov s5  }
0x2b7: {  	v18 =	vand.u32 $0x7FFFFFFF, v18  }
0x2b8: {  	v18 =	vadd.s32 $0x180, v18;
	_ =	sdelay $0x4  }
0x2b9: {  	v19 =	vld.idx.msk [tilespmem:v18+s18+$0x0], $0xffff;
	_ =	sdelay $0x2  }
0x2ba: {  	v18 =	vmul.u32 $0x80, v0;
	_ =	sdelay $0x1  }
0x2bb: {  	v19 =	vadd.s32 v18, v19;
	_ =	sdelay $0x4  }
0x2bc: {  	p1 =	seq.s32 s4, $0x1;
	v20 =	vld.idx.msk [tilespmem:v19+s26+$0x0], $0xffff  }
.Ltmp26:
0x2bd: {  	_ = 	snop;
	(pc) =	sbr.rel @p1 .LBB2_42-.Ltmp26, $2  }
0x2be: {  	_ =	sdelay $0x2  }
0x2bf: {  	s5 =	simm.s32 $0x1;
	p0 =	por $0x0, $0x0;
	(xrf1) =	vsort.ascd.msk.f32 $0xffff, v20, v19  }
0x2c0: {  	_ =	sdelay $0x1  }
0x2c1: {  	v19 =	vmov s5  }
0x2c2: {  	v19 =	vand.u32 $0x7FFFFFFF, v19  }
0x2c3: {  	v19 =	vadd.s32 $0x180, v19;
	_ =	sdelay $0x4  }
0x2c4: {  	v19 =	vld.idx.msk [tilespmem:v19+s18+$0x0], $0xffff;
	_ =	sdelay $0x3  }
0x2c5: {  	v20, v21, _ =	vpop (xrf1)  }
0x2c6: {  	v19 =	vadd.s32 v18, v19;
	v20 =	vperm.xlane v20, v2  }
0x2c7: {  	v21 =	vperm.xlane v21, v2  }
0x2c8: {  	vm0 =	vle.f32 v17, v20  }
0x2c9: {  	v20 =	vsel vm0, v17, v20;
	v21 =	vsel vm0, v16, v21  }
0x2ca: {  	(xrf1) =	vsort.ascd.msk.f32 $0xffff, v20, v21  }
0x2cb: {  	p1 =	seq.s32 s4, $0x2;
	v22 =	vld.idx.msk [tilespmem:v19+s26+$0x0], $0xffff  }
.Ltmp27:
0x2cc: {  	_ = 	snop;
	(pc) =	sbr.rel @p1 .LBB2_44-.Ltmp27, $2  }
0x2cd: {  	_ =	sdelay $0x2  }
0x2ce: {  	s5 =	simm.s32 $0x2;
	p0 =	por $0x1, $0x1;
	v20 =	vmov v15;
	(xrf1) =	vsort.ascd.msk.f32 $0xffff, v22, v19;
	v19 =	vmov v14  }
.LBB2_45:
0x2cf: {  	_ = 	snop  }
0x2d0: {  	s6 =	smov.u32 s5;
	s5 =	sadd.s32 $0x1, s5  }
0x2d1: {  	p1 =	seq.s32 s4, s5;
	_ =	sdelay $0x4  }
0x2d2: {  	v21, v22, _ =	vpop (xrf1)  }
0x2d3: {  	v21 =	vperm.xlane v21, v2;
	v22 =	vperm.xlane v22, v2;
	_ =	sdelay $0x1  }
0x2d4: {  	vm0 =	vle.f32 v20, v21  }
0x2d5: {  	v27 =	vmov s6;
	v24 =	vsel vm0, v21, v20;
	v25 =	vsel vm0, v22, v19  }
0x2d6: {  	v26 =	vand.u32 $0x7FFFFFFF, v27;
	v20 =	vsel vm0, v20, v21;
	v19 =	vsel vm0, v19, v22;
	(xrf1) =	vsort.ascd.msk.f32 $0xffff, v24, v25  }
0x2d7: {  	v21 =	vadd.s32 $0x180, v26;
	v22, v23, _ =	vpop (xrf1);
	(xrf1) =	vsort.ascd.msk.f32 $0xffff, v20, v19  }
0x2d8: {  	v22 =	vperm.xlane v22, v2;
	_ =	sdelay $0x3  }
0x2d9: {  	v19 =	vld.idx.msk [tilespmem:v21+s18+$0x0], $0xffff;
	_ =	sdelay $0x5  }
0x2da: {  	v21 =	vadd.s32 v18, v19;
	_ =	sdelay $0x1  }
0x2db: {  	v23 =	vperm.xlane v23, v2;
	v24, v25, _ =	vpop (xrf1)  }
0x2dc: {  	vm0 =	vle.f32 v24, v22;
	v20, v19, _ =	vpop (xrf1)  }
0x2dd: {  	v22 =	vsel vm0, v24, v22;
	v23 =	vsel vm0, v25, v23  }
0x2de: {  	v24 =	vld.idx.msk [tilespmem:v21+s26+$0x0], $0xffff;
	(xrf1) =	vsort.ascd.msk.f32 $0xffff, v22, v23;
	_ =	sdelay $0x1  }
.Ltmp28:
0x2df: {  	(pc) =	sbr.rel @!p1 .LBB2_45-.Ltmp28, $2  }
0x2e0: {  	_ =	sdelay $0x2  }
0x2e1: {  	(xrf1) =	vsort.ascd.msk.f32 $0xffff, v24, v21  }
.LBB2_46:
0x2e2: {  	_ =	sdelay $0x6  }
0x2e3: {  	v18, v21, _ =	vpop @p0 (xrf1)  }
0x2e4: {  	v18 =	vperm.xlane @p0 v18, v2  }
0x2e5: {  	v21 =	vperm.xlane @p0 v21, v2  }
0x2e6: {  	vm0 =	vle.f32 @p0 v20, v18  }
0x2e7: {  	v22 =	vsel @p0 vm0, v18, v20;
	v23 =	vsel @p0 vm0, v21, v19  }
0x2e8: {  	(xrf1) =	vsort.ascd.msk.f32 @p0 $0xffff, v22, v23;
	_ =	sdelay $0xc  }
0x2e9: {  	v22, v23, _ =	vpop (xrf1)  }
0x2ea: {  	v22 =	vperm.xlane v22, v2;
	v24, v25, _ =	vpop @p0 (xrf1)  }
0x2eb: {  	v18 =	vsel @p0 vm0, v20, v18;
	v63 =	vperm.xlane v23, v2;
	v17 =	vpsel p0, v24, v17  }
0x2ec: {  	v19 =	vsel @p0 vm0, v19, v21;
	v16 =	vpsel p0, v25, v16;
	vm14 =	vle.f32 v17, v22  }
0x2ed: {  	(xrf1) =	vsort.ascd.msk.f32 @p0 $0xffff, v18, v19;
	v17 =	vsel vm14, v17, v22;
	v16 =	vsel vm14, v16, v63  }
0x2ee: {  	(xrf1) =	vsort.ascd.msk.f32 $0xffff, v17, v16;
	_ =	sdelay $0xc  }
0x2ef: {  	v16, v17, _ =	vpop @p0 (xrf1)  }
0x2f0: {  	v18, v19, _ =	vpop (xrf1)  }
0x2f1: {  	v18 =	vperm.xlane v18, v2  }
0x2f2: {  	v15 =	vpsel p0, v16, v15;
	v16 =	vperm.xlane v19, v2  }
0x2f3: {  	v14 =	vpsel p0, v17, v14;
	vm15 =	vle.f32 v15, v18  }
0x2f4: {  	v17 =	vsel vm15, v18, v15;
	v19 =	vsel vm15, v16, v14  }
0x2f5: {  	v15 =	vsel vm15, v15, v18;
	v14 =	vsel vm15, v14, v16;
	(xrf1) =	vsort.ascd.msk.f32 $0xffff, v17, v19  }
0x2f6: {  	(xrf1) =	vsort.ascd.msk.f32 $0xffff, v15, v14;
	_ =	sdelay $0xc  }
0x2f7: {  	v17, v16, _ =	vpop (xrf1)  }
0x2f8: {  	v15, v14, _ =	vpop (xrf1)  }
.LBB2_17:
0x2f9: {  	s4 =	sxor.u32 $0x80000000, s3  }
0x2fa: {  	p0 =	sgt.s32 s4, $0x0  }
.Ltmp29:
0x2fb: {  	_ = 	snop;
	(pc) =	sbr.rel @!p0 .LBB2_18-.Ltmp29, $2  }
0x2fc: {  	_ =	sdelay $0x2  }
0x2fd: {  	s3 =	simm.s32 $0x0  }
0x2fe: {  	v18 =	vmov s3  }
0x2ff: {  	v18 =	vand.u32 $0x7FFFFFFF, v18  }
0x300: {  	v18 =	vadd.s32 $0x200, v18;
	_ =	sdelay $0x4  }
0x301: {  	v19 =	vld.idx.msk [tilespmem:v18+s18+$0x0], $0xffff;
	_ =	sdelay $0x2  }
0x302: {  	v18 =	vmul.u32 $0x80, v0;
	_ =	sdelay $0x1  }
0x303: {  	v19 =	vadd.s32 v18, v19;
	_ =	sdelay $0x4  }
0x304: {  	p1 =	seq.s32 s4, $0x1;
	v20 =	vld.idx.msk [tilespmem:v19+s26+$0x0], $0xffff  }
.Ltmp30:
0x305: {  	_ = 	snop;
	(pc) =	sbr.rel @p1 .LBB2_48-.Ltmp30, $2  }
0x306: {  	_ =	sdelay $0x2  }
0x307: {  	s5 =	simm.s32 $0x1;
	p0 =	por $0x0, $0x0;
	(xrf1) =	vsort.ascd.msk.f32 $0xffff, v20, v19  }
0x308: {  	_ =	sdelay $0x1  }
0x309: {  	v19 =	vmov s5  }
0x30a: {  	v19 =	vand.u32 $0x7FFFFFFF, v19  }
0x30b: {  	v19 =	vadd.s32 $0x200, v19;
	_ =	sdelay $0x4  }
0x30c: {  	v19 =	vld.idx.msk [tilespmem:v19+s18+$0x0], $0xffff;
	_ =	sdelay $0x3  }
0x30d: {  	v20, v21, _ =	vpop (xrf1)  }
0x30e: {  	v19 =	vadd.s32 v18, v19;
	v20 =	vperm.xlane v20, v2  }
0x30f: {  	v21 =	vperm.xlane v21, v2  }
0x310: {  	vm0 =	vle.f32 v17, v20  }
0x311: {  	v20 =	vsel vm0, v17, v20;
	v21 =	vsel vm0, v16, v21  }
0x312: {  	(xrf1) =	vsort.ascd.msk.f32 $0xffff, v20, v21  }
0x313: {  	p1 =	seq.s32 s4, $0x2;
	v22 =	vld.idx.msk [tilespmem:v19+s26+$0x0], $0xffff  }
.Ltmp31:
0x314: {  	_ = 	snop;
	(pc) =	sbr.rel @p1 .LBB2_50-.Ltmp31, $2  }
0x315: {  	_ =	sdelay $0x2  }
0x316: {  	s5 =	simm.s32 $0x2;
	p0 =	por $0x1, $0x1;
	v20 =	vmov v15;
	(xrf1) =	vsort.ascd.msk.f32 $0xffff, v22, v19;
	v19 =	vmov v14  }
.LBB2_51:
0x317: {  	_ = 	snop  }
0x318: {  	s6 =	smov.u32 s5;
	s5 =	sadd.s32 $0x1, s5  }
0x319: {  	p1 =	seq.s32 s4, s5;
	_ =	sdelay $0x4  }
0x31a: {  	v21, v22, _ =	vpop (xrf1)  }
0x31b: {  	v21 =	vperm.xlane v21, v2;
	v22 =	vperm.xlane v22, v2;
	_ =	sdelay $0x1  }
0x31c: {  	vm0 =	vle.f32 v20, v21  }
0x31d: {  	v27 =	vmov s6;
	v24 =	vsel vm0, v21, v20;
	v25 =	vsel vm0, v22, v19  }
0x31e: {  	v26 =	vand.u32 $0x7FFFFFFF, v27;
	v20 =	vsel vm0, v20, v21;
	v19 =	vsel vm0, v19, v22;
	(xrf1) =	vsort.ascd.msk.f32 $0xffff, v24, v25  }
0x31f: {  	v21 =	vadd.s32 $0x200, v26;
	v22, v23, _ =	vpop (xrf1);
	(xrf1) =	vsort.ascd.msk.f32 $0xffff, v20, v19  }
0x320: {  	v22 =	vperm.xlane v22, v2;
	_ =	sdelay $0x3  }
0x321: {  	v19 =	vld.idx.msk [tilespmem:v21+s18+$0x0], $0xffff;
	_ =	sdelay $0x5  }
0x322: {  	v21 =	vadd.s32 v18, v19;
	_ =	sdelay $0x1  }
0x323: {  	v23 =	vperm.xlane v23, v2;
	v24, v25, _ =	vpop (xrf1)  }
0x324: {  	vm0 =	vle.f32 v24, v22;
	v20, v19, _ =	vpop (xrf1)  }
0x325: {  	v22 =	vsel vm0, v24, v22;
	v23 =	vsel vm0, v25, v23  }
0x326: {  	v24 =	vld.idx.msk [tilespmem:v21+s26+$0x0], $0xffff;
	(xrf1) =	vsort.ascd.msk.f32 $0xffff, v22, v23;
	_ =	sdelay $0x1  }
.Ltmp32:
0x327: {  	(pc) =	sbr.rel @!p1 .LBB2_51-.Ltmp32, $2  }
0x328: {  	_ =	sdelay $0x2  }
0x329: {  	(xrf1) =	vsort.ascd.msk.f32 $0xffff, v24, v21  }
.LBB2_52:
0x32a: {  	_ =	sdelay $0x6  }
0x32b: {  	v18, v21, _ =	vpop @p0 (xrf1)  }
0x32c: {  	v18 =	vperm.xlane @p0 v18, v2  }
0x32d: {  	v21 =	vperm.xlane @p0 v21, v2  }
0x32e: {  	vm0 =	vle.f32 @p0 v20, v18  }
0x32f: {  	v22 =	vsel @p0 vm0, v18, v20;
	v23 =	vsel @p0 vm0, v21, v19  }
0x330: {  	(xrf1) =	vsort.ascd.msk.f32 @p0 $0xffff, v22, v23;
	_ =	sdelay $0xc  }
0x331: {  	v22, v23, _ =	vpop (xrf1)  }
0x332: {  	v22 =	vperm.xlane v22, v2;
	v24, v25, _ =	vpop @p0 (xrf1)  }
0x333: {  	v18 =	vsel @p0 vm0, v20, v18;
	v63 =	vperm.xlane v23, v2;
	v17 =	vpsel p0, v24, v17  }
0x334: {  	v19 =	vsel @p0 vm0, v19, v21;
	v16 =	vpsel p0, v25, v16;
	vm14 =	vle.f32 v17, v22  }
0x335: {  	(xrf1) =	vsort.ascd.msk.f32 @p0 $0xffff, v18, v19;
	v17 =	vsel vm14, v17, v22;
	v16 =	vsel vm14, v16, v63  }
0x336: {  	(xrf1) =	vsort.ascd.msk.f32 $0xffff, v17, v16;
	_ =	sdelay $0xc  }
0x337: {  	v16, v17, _ =	vpop @p0 (xrf1)  }
0x338: {  	v18, v19, _ =	vpop (xrf1)  }
0x339: {  	v18 =	vperm.xlane v18, v2  }
0x33a: {  	v15 =	vpsel p0, v16, v15;
	v16 =	vperm.xlane v19, v2  }
0x33b: {  	v14 =	vpsel p0, v17, v14;
	vm15 =	vle.f32 v15, v18  }
0x33c: {  	v17 =	vsel vm15, v18, v15;
	v19 =	vsel vm15, v16, v14  }
0x33d: {  	v15 =	vsel vm15, v15, v18;
	v14 =	vsel vm15, v14, v16;
	(xrf1) =	vsort.ascd.msk.f32 $0xffff, v17, v19  }
0x33e: {  	(xrf1) =	vsort.ascd.msk.f32 $0xffff, v15, v14;
	_ =	sdelay $0xc  }
0x33f: {  	v17, v16, _ =	vpop (xrf1)  }
0x340: {  	v15, v14, _ =	vpop (xrf1)  }
.LBB2_18:
0x341: {  	s1 =	sxor.u32 $0x80000000, s1  }
0x342: {  	p0 =	sgt.s32 s1, $0x0  }
.Ltmp33:
0x343: {  	_ = 	snop;
	(pc) =	sbr.rel @!p0 .LBB2_19-.Ltmp33, $1  }
0x344: {  	_ =	sdelay $0x3  }
0x345: {  	v18 =	vmov s3  }
0x346: {  	v18 =	vand.u32 $0x7FFFFFFF, v18  }
0x347: {  	v18 =	vadd.s32 $0x280, v18;
	_ =	sdelay $0x4  }
0x348: {  	v19 =	vld.idx.msk [tilespmem:v18+s18+$0x0], $0xffff;
	_ =	sdelay $0x2  }
0x349: {  	v18 =	vmul.u32 $0x80, v0;
	_ =	sdelay $0x1  }
0x34a: {  	v19 =	vadd.s32 v18, v19;
	_ =	sdelay $0x4  }
0x34b: {  	p1 =	seq.s32 s1, $0x1;
	v20 =	vld.idx.msk [tilespmem:v19+s26+$0x0], $0xffff  }
.Ltmp34:
0x34c: {  	_ = 	snop;
	(pc) =	sbr.rel @p1 .LBB2_54-.Ltmp34, $2  }
0x34d: {  	_ =	sdelay $0x2  }
0x34e: {  	s3 =	simm.s32 $0x1;
	p0 =	por $0x0, $0x0;
	(xrf1) =	vsort.ascd.msk.f32 $0xffff, v20, v19  }
0x34f: {  	_ =	sdelay $0x1  }
0x350: {  	v19 =	vmov s3  }
0x351: {  	v19 =	vand.u32 $0x7FFFFFFF, v19  }
0x352: {  	v19 =	vadd.s32 $0x280, v19;
	_ =	sdelay $0x4  }
0x353: {  	v19 =	vld.idx.msk [tilespmem:v19+s18+$0x0], $0xffff;
	_ =	sdelay $0x3  }
0x354: {  	v20, v21, _ =	vpop (xrf1)  }
0x355: {  	v19 =	vadd.s32 v18, v19;
	v20 =	vperm.xlane v20, v2  }
0x356: {  	v21 =	vperm.xlane v21, v2  }
0x357: {  	vm0 =	vle.f32 v17, v20  }
0x358: {  	v20 =	vsel vm0, v17, v20;
	v21 =	vsel vm0, v16, v21  }
0x359: {  	(xrf1) =	vsort.ascd.msk.f32 $0xffff, v20, v21  }
0x35a: {  	p1 =	seq.s32 s1, $0x2;
	v22 =	vld.idx.msk [tilespmem:v19+s26+$0x0], $0xffff  }
.Ltmp35:
0x35b: {  	_ = 	snop;
	(pc) =	sbr.rel @p1 .LBB2_56-.Ltmp35, $2  }
0x35c: {  	_ =	sdelay $0x2  }
0x35d: {  	s3 =	simm.s32 $0x2;
	p0 =	por $0x1, $0x1;
	v20 =	vmov v15;
	(xrf1) =	vsort.ascd.msk.f32 $0xffff, v22, v19;
	v19 =	vmov v14  }
.LBB2_57:
0x35e: {  	_ = 	snop  }
0x35f: {  	s4 =	smov.u32 s3;
	s3 =	sadd.s32 $0x1, s3  }
0x360: {  	p1 =	seq.s32 s1, s3;
	_ =	sdelay $0x4  }
0x361: {  	v21, v22, _ =	vpop (xrf1)  }
0x362: {  	v21 =	vperm.xlane v21, v2;
	v22 =	vperm.xlane v22, v2;
	_ =	sdelay $0x1  }
0x363: {  	vm0 =	vle.f32 v20, v21  }
0x364: {  	v27 =	vmov s4;
	v24 =	vsel vm0, v21, v20;
	v25 =	vsel vm0, v22, v19  }
0x365: {  	v26 =	vand.u32 $0x7FFFFFFF, v27;
	v20 =	vsel vm0, v20, v21;
	v19 =	vsel vm0, v19, v22;
	(xrf1) =	vsort.ascd.msk.f32 $0xffff, v24, v25  }
0x366: {  	v21 =	vadd.s32 $0x280, v26;
	v22, v23, _ =	vpop (xrf1);
	(xrf1) =	vsort.ascd.msk.f32 $0xffff, v20, v19  }
0x367: {  	v22 =	vperm.xlane v22, v2;
	_ =	sdelay $0x3  }
0x368: {  	v19 =	vld.idx.msk [tilespmem:v21+s18+$0x0], $0xffff;
	_ =	sdelay $0x5  }
0x369: {  	v21 =	vadd.s32 v18, v19;
	_ =	sdelay $0x1  }
0x36a: {  	v23 =	vperm.xlane v23, v2;
	v24, v25, _ =	vpop (xrf1)  }
0x36b: {  	vm0 =	vle.f32 v24, v22;
	v20, v19, _ =	vpop (xrf1)  }
0x36c: {  	v22 =	vsel vm0, v24, v22;
	v23 =	vsel vm0, v25, v23  }
0x36d: {  	v24 =	vld.idx.msk [tilespmem:v21+s26+$0x0], $0xffff;
	(xrf1) =	vsort.ascd.msk.f32 $0xffff, v22, v23;
	_ =	sdelay $0x1  }
.Ltmp36:
0x36e: {  	(pc) =	sbr.rel @!p1 .LBB2_57-.Ltmp36, $2  }
0x36f: {  	_ =	sdelay $0x2  }
0x370: {  	(xrf1) =	vsort.ascd.msk.f32 $0xffff, v24, v21  }
.LBB2_58:
0x371: {  	_ =	sdelay $0x6  }
0x372: {  	v18, v21, _ =	vpop @p0 (xrf1)  }
0x373: {  	v18 =	vperm.xlane @p0 v18, v2  }
0x374: {  	v21 =	vperm.xlane @p0 v21, v2  }
0x375: {  	vm0 =	vle.f32 @p0 v20, v18  }
0x376: {  	v22 =	vsel @p0 vm0, v18, v20;
	v23 =	vsel @p0 vm0, v21, v19  }
0x377: {  	(xrf1) =	vsort.ascd.msk.f32 @p0 $0xffff, v22, v23;
	_ =	sdelay $0xc  }
0x378: {  	v22, v23, _ =	vpop (xrf1)  }
0x379: {  	v22 =	vperm.xlane v22, v2;
	v24, v25, _ =	vpop @p0 (xrf1)  }
0x37a: {  	v18 =	vsel @p0 vm0, v20, v18;
	v63 =	vperm.xlane v23, v2;
	v17 =	vpsel p0, v24, v17  }
0x37b: {  	v19 =	vsel @p0 vm0, v19, v21;
	v16 =	vpsel p0, v25, v16;
	vm14 =	vle.f32 v17, v22  }
0x37c: {  	(xrf1) =	vsort.ascd.msk.f32 @p0 $0xffff, v18, v19;
	v17 =	vsel vm14, v17, v22;
	v16 =	vsel vm14, v16, v63  }
0x37d: {  	(xrf1) =	vsort.ascd.msk.f32 $0xffff, v17, v16;
	_ =	sdelay $0xc  }
0x37e: {  	v16, v17, _ =	vpop @p0 (xrf1)  }
0x37f: {  	v18, v19, _ =	vpop (xrf1)  }
0x380: {  	v18 =	vperm.xlane v18, v2  }
0x381: {  	v15 =	vpsel p0, v16, v15;
	v16 =	vperm.xlane v19, v2  }
0x382: {  	v14 =	vpsel p0, v17, v14;
	vm15 =	vle.f32 v15, v18  }
0x383: {  	v17 =	vsel vm15, v18, v15;
	v19 =	vsel vm15, v16, v14  }
0x384: {  	v15 =	vsel vm15, v15, v18;
	v14 =	vsel vm15, v14, v16;
	(xrf1) =	vsort.ascd.msk.f32 $0xffff, v17, v19  }
0x385: {  	(xrf1) =	vsort.ascd.msk.f32 $0xffff, v15, v14;
	_ =	sdelay $0xc  }
0x386: {  	v17, v16, _ =	vpop (xrf1)  }
0x387: {  	v15, v14, _ =	vpop (xrf1)  }
.LBB2_19:
0x388: {  	s1 =	sxor.u32 $0x80000000, s0  }
0x389: {  	p0 =	sgt.s32 s1, $0x0  }
.Ltmp37:
0x38a: {  	_ = 	snop;
	(pc) =	sbr.rel @!p0 .LBB2_20-.Ltmp37, $2  }
0x38b: {  	_ =	sdelay $0x2  }
0x38c: {  	s0 =	simm.s32 $0x0  }
0x38d: {  	v18 =	vmov s0  }
0x38e: {  	v18 =	vand.u32 $0x7FFFFFFF, v18  }
0x38f: {  	v18 =	vadd.s32 $0x300, v18;
	_ =	sdelay $0x4  }
0x390: {  	v19 =	vld.idx.msk [tilespmem:v18+s18+$0x0], $0xffff;
	_ =	sdelay $0x2  }
0x391: {  	v18 =	vmul.u32 $0x80, v0;
	_ =	sdelay $0x1  }
0x392: {  	v19 =	vadd.s32 v18, v19;
	_ =	sdelay $0x4  }
0x393: {  	p1 =	seq.s32 s1, $0x1;
	v20 =	vld.idx.msk [tilespmem:v19+s26+$0x0], $0xffff  }
.Ltmp38:
0x394: {  	_ = 	snop;
	(pc) =	sbr.rel @p1 .LBB2_60-.Ltmp38, $2  }
0x395: {  	_ =	sdelay $0x2  }
0x396: {  	s3 =	simm.s32 $0x1;
	p0 =	por $0x0, $0x0;
	(xrf1) =	vsort.ascd.msk.f32 $0xffff, v20, v19  }
0x397: {  	_ =	sdelay $0x1  }
0x398: {  	v19 =	vmov s3  }
0x399: {  	v19 =	vand.u32 $0x7FFFFFFF, v19  }
0x39a: {  	v19 =	vadd.s32 $0x300, v19;
	_ =	sdelay $0x4  }
0x39b: {  	v19 =	vld.idx.msk [tilespmem:v19+s18+$0x0], $0xffff;
	_ =	sdelay $0x3  }
0x39c: {  	v20, v21, _ =	vpop (xrf1)  }
0x39d: {  	v19 =	vadd.s32 v18, v19;
	v20 =	vperm.xlane v20, v2  }
0x39e: {  	v21 =	vperm.xlane v21, v2  }
0x39f: {  	vm0 =	vle.f32 v17, v20  }
0x3a0: {  	v20 =	vsel vm0, v17, v20;
	v21 =	vsel vm0, v16, v21  }
0x3a1: {  	(xrf1) =	vsort.ascd.msk.f32 $0xffff, v20, v21  }
0x3a2: {  	p1 =	seq.s32 s1, $0x2;
	v22 =	vld.idx.msk [tilespmem:v19+s26+$0x0], $0xffff  }
.Ltmp39:
0x3a3: {  	_ = 	snop;
	(pc) =	sbr.rel @p1 .LBB2_62-.Ltmp39, $2  }
0x3a4: {  	_ =	sdelay $0x2  }
0x3a5: {  	s3 =	simm.s32 $0x2;
	p0 =	por $0x1, $0x1;
	v20 =	vmov v15;
	(xrf1) =	vsort.ascd.msk.f32 $0xffff, v22, v19;
	v19 =	vmov v14  }
.LBB2_63:
0x3a6: {  	_ = 	snop  }
0x3a7: {  	s4 =	smov.u32 s3;
	s3 =	sadd.s32 $0x1, s3  }
0x3a8: {  	p1 =	seq.s32 s1, s3;
	_ =	sdelay $0x4  }
0x3a9: {  	v21, v22, _ =	vpop (xrf1)  }
0x3aa: {  	v21 =	vperm.xlane v21, v2;
	v22 =	vperm.xlane v22, v2;
	_ =	sdelay $0x1  }
0x3ab: {  	vm0 =	vle.f32 v20, v21  }
0x3ac: {  	v27 =	vmov s4;
	v24 =	vsel vm0, v21, v20;
	v25 =	vsel vm0, v22, v19  }
0x3ad: {  	v26 =	vand.u32 $0x7FFFFFFF, v27;
	v20 =	vsel vm0, v20, v21;
	v19 =	vsel vm0, v19, v22;
	(xrf1) =	vsort.ascd.msk.f32 $0xffff, v24, v25  }
0x3ae: {  	v21 =	vadd.s32 $0x300, v26;
	v22, v23, _ =	vpop (xrf1);
	(xrf1) =	vsort.ascd.msk.f32 $0xffff, v20, v19  }
0x3af: {  	v22 =	vperm.xlane v22, v2;
	_ =	sdelay $0x3  }
0x3b0: {  	v19 =	vld.idx.msk [tilespmem:v21+s18+$0x0], $0xffff;
	_ =	sdelay $0x5  }
0x3b1: {  	v21 =	vadd.s32 v18, v19;
	_ =	sdelay $0x1  }
0x3b2: {  	v23 =	vperm.xlane v23, v2;
	v24, v25, _ =	vpop (xrf1)  }
0x3b3: {  	vm0 =	vle.f32 v24, v22;
	v20, v19, _ =	vpop (xrf1)  }
0x3b4: {  	v22 =	vsel vm0, v24, v22;
	v23 =	vsel vm0, v25, v23  }
0x3b5: {  	v24 =	vld.idx.msk [tilespmem:v21+s26+$0x0], $0xffff;
	(xrf1) =	vsort.ascd.msk.f32 $0xffff, v22, v23;
	_ =	sdelay $0x1  }
.Ltmp40:
0x3b6: {  	(pc) =	sbr.rel @!p1 .LBB2_63-.Ltmp40, $2  }
0x3b7: {  	_ =	sdelay $0x2  }
0x3b8: {  	(xrf1) =	vsort.ascd.msk.f32 $0xffff, v24, v21  }
.LBB2_64:
0x3b9: {  	_ =	sdelay $0x6  }
0x3ba: {  	v18, v21, _ =	vpop @p0 (xrf1)  }
0x3bb: {  	v18 =	vperm.xlane @p0 v18, v2  }
0x3bc: {  	v21 =	vperm.xlane @p0 v21, v2  }
0x3bd: {  	vm0 =	vle.f32 @p0 v20, v18  }
0x3be: {  	v22 =	vsel @p0 vm0, v18, v20;
	v23 =	vsel @p0 vm0, v21, v19  }
0x3bf: {  	(xrf1) =	vsort.ascd.msk.f32 @p0 $0xffff, v22, v23;
	_ =	sdelay $0xc  }
0x3c0: {  	v22, v23, _ =	vpop (xrf1)  }
0x3c1: {  	v22 =	vperm.xlane v22, v2;
	v24, v25, _ =	vpop @p0 (xrf1)  }
0x3c2: {  	v18 =	vsel @p0 vm0, v20, v18;
	v63 =	vperm.xlane v23, v2;
	v17 =	vpsel p0, v24, v17  }
0x3c3: {  	v19 =	vsel @p0 vm0, v19, v21;
	v16 =	vpsel p0, v25, v16;
	vm14 =	vle.f32 v17, v22  }
0x3c4: {  	(xrf1) =	vsort.ascd.msk.f32 @p0 $0xffff, v18, v19;
	v17 =	vsel vm14, v17, v22;
	v16 =	vsel vm14, v16, v63  }
0x3c5: {  	(xrf1) =	vsort.ascd.msk.f32 $0xffff, v17, v16;
	_ =	sdelay $0xc  }
0x3c6: {  	v16, v17, _ =	vpop @p0 (xrf1)  }
0x3c7: {  	v18, v19, _ =	vpop (xrf1)  }
0x3c8: {  	v18 =	vperm.xlane v18, v2  }
0x3c9: {  	v15 =	vpsel p0, v16, v15;
	v16 =	vperm.xlane v19, v2  }
0x3ca: {  	v14 =	vpsel p0, v17, v14;
	vm15 =	vle.f32 v15, v18  }
0x3cb: {  	v17 =	vsel vm15, v18, v15;
	v19 =	vsel vm15, v16, v14  }
0x3cc: {  	v15 =	vsel vm15, v15, v18;
	v14 =	vsel vm15, v14, v16;
	(xrf1) =	vsort.ascd.msk.f32 $0xffff, v17, v19  }
0x3cd: {  	(xrf1) =	vsort.ascd.msk.f32 $0xffff, v15, v14;
	_ =	sdelay $0xc  }
0x3ce: {  	v17, v16, _ =	vpop (xrf1)  }
0x3cf: {  	v15, v14, _ =	vpop (xrf1)  }
.LBB2_20:
0x3d0: {  	s1 =	sxor.u32 $0x80000000, s31  }
0x3d1: {  	p0 =	sgt.s32 s1, $0x0  }
.Ltmp41:
0x3d2: {  	_ = 	snop;
	(pc) =	sbr.rel @!p0 .LBB2_69-.Ltmp41, $1  }
0x3d3: {  	_ =	sdelay $0x3  }
0x3d4: {  	v18 =	vmov s0  }
0x3d5: {  	v18 =	vand.u32 $0x7FFFFFFF, v18  }
0x3d6: {  	v18 =	vadd.s32 $0x380, v18;
	_ =	sdelay $0x4  }
0x3d7: {  	v19 =	vld.idx.msk [tilespmem:v18+s18+$0x0], $0xffff;
	_ =	sdelay $0x2  }
0x3d8: {  	v18 =	vmul.u32 $0x80, v0;
	_ =	sdelay $0x1  }
0x3d9: {  	v19 =	vadd.s32 v18, v19;
	_ =	sdelay $0x4  }
0x3da: {  	p1 =	sne.s32 s1, $0x1;
	v20 =	vld.idx.msk [tilespmem:v19+s26+$0x0], $0xffff  }
.Ltmp42:
0x3db: {  	_ = 	snop;
	(pc) =	sbr.rel @!p1 .LBB2_22-.Ltmp42, $2  }
0x3dc: {  	_ =	sdelay $0x2  }
0x3dd: {  	s0 =	simm.s32 $0x1;
	p0 =	por $0x0, $0x0;
	(xrf1) =	vsort.ascd.msk.f32 $0xffff, v20, v19  }
0x3de: {  	_ =	sdelay $0x5  }
0x3df: {  	v19 =	vmov s0  }
0x3e0: {  	v19 =	vand.u32 $0x7FFFFFFF, v19  }
0x3e1: {  	v19 =	vadd.s32 $0x380, v19;
	_ =	sdelay $0x4  }
0x3e2: {  	v19 =	vld.idx.msk [tilespmem:v19+s18+$0x0], $0xffff;
	v20, v21, _ =	vpop (xrf1)  }
0x3e3: {  	v20 =	vperm.xlane v20, v2  }
0x3e4: {  	v21 =	vperm.xlane v21, v2  }
0x3e5: {  	vm0 =	vle.f32 v17, v20  }
0x3e6: {  	v20 =	vsel vm0, v17, v20;
	v21 =	vsel vm0, v16, v21  }
0x3e7: {  	v19 =	vadd.s32 v18, v19;
	(xrf1) =	vsort.ascd.msk.f32 $0xffff, v20, v21;
	_ =	sdelay $0x4  }
0x3e8: {  	v22 =	vld.idx.msk [tilespmem:v19+s26+$0x0], $0xffff  }
0x3e9: {  	p1 =	sne.s32 s1, $0x2  }
.Ltmp43:
0x3ea: {  	_ = 	snop;
	(pc) =	sbr.rel @!p1 .LBB2_66-.Ltmp43, $3  }
0x3eb: {  	_ =	sdelay $0x1  }
0x3ec: {  	(xrf1) =	vsort.ascd.msk.f32 $0xffff, v22, v19  }
0x3ed: {  	s0 =	simm.s32 $0x2;
	p0 =	por $0x1, $0x1;
	v20 =	vmov v15;
	v19 =	vmov v14  }
.LBB2_67:
0x3ee: {  	s3 =	smov.u32 s0;
	s0 =	sadd.s32 $0x1, s0  }
0x3ef: {  	p1 =	sne.s32 s1, s0;
	_ =	sdelay $0x4  }
0x3f0: {  	v21, v22, _ =	vpop (xrf1)  }
0x3f1: {  	v21 =	vperm.xlane v21, v2;
	v22 =	vperm.xlane v22, v2;
	_ =	sdelay $0x1  }
0x3f2: {  	vm0 =	vle.f32 v20, v21  }
0x3f3: {  	v27 =	vmov s3;
	v24 =	vsel vm0, v21, v20;
	v25 =	vsel vm0, v22, v19  }
0x3f4: {  	v26 =	vand.u32 $0x7FFFFFFF, v27;
	v20 =	vsel vm0, v20, v21;
	v19 =	vsel vm0, v19, v22;
	(xrf1) =	vsort.ascd.msk.f32 $0xffff, v24, v25  }
0x3f5: {  	v21 =	vadd.s32 $0x380, v26;
	v22, v23, _ =	vpop (xrf1);
	(xrf1) =	vsort.ascd.msk.f32 $0xffff, v20, v19  }
0x3f6: {  	v22 =	vperm.xlane v22, v2;
	_ =	sdelay $0x3  }
0x3f7: {  	v19 =	vld.idx.msk [tilespmem:v21+s18+$0x0], $0xffff;
	_ =	sdelay $0x5  }
0x3f8: {  	v21 =	vadd.s32 v18, v19;
	_ =	sdelay $0x1  }
0x3f9: {  	v23 =	vperm.xlane v23, v2;
	v24, v25, _ =	vpop (xrf1)  }
0x3fa: {  	vm0 =	vle.f32 v24, v22;
	v20, v19, _ =	vpop (xrf1)  }
0x3fb: {  	v22 =	vsel vm0, v24, v22;
	v23 =	vsel vm0, v25, v23  }
0x3fc: {  	v24 =	vld.idx.msk [tilespmem:v21+s26+$0x0], $0xffff;
	(xrf1) =	vsort.ascd.msk.f32 $0xffff, v22, v23;
	_ =	sdelay $0x1  }
.Ltmp44:
0x3fd: {  	(pc) =	sbr.rel @p1 .LBB2_67-.Ltmp44, $2  }
0x3fe: {  	_ =	sdelay $0x2  }
0x3ff: {  	(xrf1) =	vsort.ascd.msk.f32 $0xffff, v24, v21  }
.Ltmp45:
0x400: {  	_ = 	snop;
	(pc) =	sbr.rel .LBB2_68-.Ltmp45, $1  }
0x401: {  	_ =	sdelay $0x3  }
.LBB2_24:
.Ltmp46:
0x402: {  	(pc) =	sbr.rel .LBB2_28-.Ltmp46, $2  }
0x403: {  	_ =	sdelay $0x2  }
0x404: {  	v17 =	vimm.f32 $1.000000020e+30;
	v18 =	vimm.s32 $0x0  }
.LBB2_30:
.Ltmp47:
0x405: {  	(pc) =	sbr.rel .LBB2_34-.Ltmp47, $2  }
0x406: {  	_ =	sdelay $0x2  }
0x407: {  	v20 =	vmov v15;
	v19 =	vmov v14  }
.LBB2_36:
.Ltmp48:
0x408: {  	(pc) =	sbr.rel .LBB2_40-.Ltmp48, $2  }
0x409: {  	_ =	sdelay $0x2  }
0x40a: {  	v20 =	vmov v15;
	v19 =	vmov v14  }
.LBB2_42:
.Ltmp49:
0x40b: {  	(pc) =	sbr.rel .LBB2_46-.Ltmp49, $2  }
0x40c: {  	_ =	sdelay $0x2  }
0x40d: {  	v20 =	vmov v15;
	v19 =	vmov v14  }
.LBB2_48:
.Ltmp50:
0x40e: {  	(pc) =	sbr.rel .LBB2_52-.Ltmp50, $2  }
0x40f: {  	_ =	sdelay $0x2  }
0x410: {  	v20 =	vmov v15;
	v19 =	vmov v14  }
.LBB2_54:
.Ltmp51:
0x411: {  	(pc) =	sbr.rel .LBB2_58-.Ltmp51, $2  }
0x412: {  	_ =	sdelay $0x2  }
0x413: {  	v20 =	vmov v15;
	v19 =	vmov v14  }
.LBB2_60:
.Ltmp52:
0x414: {  	(pc) =	sbr.rel .LBB2_64-.Ltmp52, $2  }
0x415: {  	_ =	sdelay $0x2  }
0x416: {  	v20 =	vmov v15;
	v19 =	vmov v14  }
.LBB2_26:
.Ltmp53:
0x417: {  	(pc) =	sbr.rel .LBB2_28-.Ltmp53, $2  }
0x418: {  	_ =	sdelay $0x2  }
0x419: {  	v17 =	vimm.f32 $1.000000020e+30;
	v18 =	vimm.s32 $0x0  }
.LBB2_32:
.Ltmp54:
0x41a: {  	(pc) =	sbr.rel .LBB2_34-.Ltmp54, $2  }
0x41b: {  	_ =	sdelay $0x2  }
0x41c: {  	v20 =	vmov v15;
	v19 =	vmov v14  }
.LBB2_38:
.Ltmp55:
0x41d: {  	(pc) =	sbr.rel .LBB2_40-.Ltmp55, $2  }
0x41e: {  	_ =	sdelay $0x2  }
0x41f: {  	v20 =	vmov v15;
	v19 =	vmov v14  }
.LBB2_44:
.Ltmp56:
0x420: {  	(pc) =	sbr.rel .LBB2_46-.Ltmp56, $2  }
0x421: {  	_ =	sdelay $0x2  }
0x422: {  	v20 =	vmov v15;
	v19 =	vmov v14  }
.LBB2_50:
.Ltmp57:
0x423: {  	(pc) =	sbr.rel .LBB2_52-.Ltmp57, $2  }
0x424: {  	_ =	sdelay $0x2  }
0x425: {  	v20 =	vmov v15;
	v19 =	vmov v14  }
.LBB2_56:
.Ltmp58:
0x426: {  	(pc) =	sbr.rel .LBB2_58-.Ltmp58, $2  }
0x427: {  	_ =	sdelay $0x2  }
0x428: {  	v20 =	vmov v15;
	v19 =	vmov v14  }
.LBB2_62:
.Ltmp59:
0x429: {  	(pc) =	sbr.rel .LBB2_64-.Ltmp59, $2  }
0x42a: {  	_ =	sdelay $0x2  }
0x42b: {  	v20 =	vmov v15;
	v19 =	vmov v14  }
.LBB2_66:
.Ltmp60:
0x42c: {  	(pc) =	sbr.rel .LBB2_68-.Ltmp60, $2  }
0x42d: {  	_ =	sdelay $0x2  }
0x42e: {  	v20 =	vmov v15;
	v19 =	vmov v14  }
.LBB2_71:
0x42f: {  	_ =	sfence.sel $0x180000  }
0x430: {  	[bflag:$0x0] =	sbarrier.arrive $0xFFFF  }
0x431: {  	_ =	strace $0x90000047  }
0x432: {  	s0 =	stileid.u32;
	[bflag:$0x2] =	sbarrier.arrive $0xFFFF  }
0x433: {  	p0 =	sne.s32 s0, $0x0;
	s0 =	rddreg [dreg:$0x3]  }
0x434: {  	s0 =	sadd.s32 @!p0 $0x100000, s0  }
0x435: {  	[sflag:s0] =	ssyncadd.tile.s32 @!p0 $0x1;
	_ =	shalt  }
.Lfunc_end2:
_tile_overlayer_lowered:
.L_overlay_start_2:
0x436: {  	(tag) =	ssettag $0x2  }
0x437: {  	s0 =	rddreg [dreg:$0x0];
	s2 =	stileid.u32  }
0x438: {  	s1 =	rddreg [dreg:$0x1];
	p0 =	sne.s32 s2, $0x0  }
0x439: {  	s3 =	rddreg [dreg:$0x2];
	[bflag:$0x3] =	sbarrier.arrive $0xFFFF;
	s2 =	simm.s32 @!p0 $0x1C01  }
0x43a: {  	[timem:s3], [sflag:s2] =	dma.local @!p0 [hbm:s0], s1  }
0x43b: {  	s0 =	simm.s32 @!p0 $0x1  }
0x43c: {  	_ =	swait.ge @!p0 [sflag:s0], s1  }
0x43d: {  	s1 =	ssub.s32 @!p0 $0x0, s1;
	[sflag:s0] =	ssyncset.done @!p0 $0x0  }
0x43e: {  	[sflag:s0] =	ssyncadd.s32 @!p0 s1  }
0x43f: {  	[bflag:$0x3] =	sbarrier.arrive $0xFFFF  }
0x440: {  	_ =	shalt  }

</sc_bundles>
